<compile_context>
chip_gen: v7x
topology: tpu7x:2x2x1
jax: 0.10.2.dev20260603
libtpu: 0.0.44.dev20260713+nightly
codegen_flags: <defaults>
</compile_context>

<pallas_src>
import functools

import jax
import jax.numpy as jnp
from jax import lax
from jax.experimental import pallas as pl
from jax.experimental.pallas import tpu as pltpu
from jax.experimental.pallas import tpu_sc as plsc

M_ROWS = 100000
M_PAD = M_ROWS + 8
D = 256
B_ROWS = 16384
NC, NS = 2, 16
NW = NC * NS
BPW = B_ROWS // NW
CH = 128
NCH = BPW // CH

_mesh = plsc.VectorSubcoreMesh(core_axis_name="c", subcore_axis_name="s")


def _wid():
  return lax.axis_index("s") * NC + lax.axis_index("c")


@functools.partial(
    pl.kernel,
    mesh=_mesh,
    out_type=(jax.ShapeDtypeStruct((B_ROWS, D), jnp.float32),
              jax.ShapeDtypeStruct((B_ROWS, D), jnp.float32)),
    scratch_types=[
        pltpu.VMEM((NCH, CH), jnp.int32),
        pltpu.VMEM((NCH, CH), jnp.int32),
        pltpu.VMEM((NCH, CH), jnp.float32),
        pltpu.VMEM((2, CH, D), jnp.float32),
        pltpu.SemaphoreType.DMA,
        pltpu.SemaphoreType.DMA,
        pltpu.SemaphoreType.DMA,
        pltpu.SemaphoreType.DMA,
        pltpu.SemaphoreType.DMA,
    ],
)
def _sc_gather(table_hbm, msgs_hbm, sid_hbm, win_hbm, ts_hbm, lu_ref,
               h_out, m_out, sid_v, win_v, ts_v, rows_v,
               sg0, sg1, sw0, sw1, slu):
  wid = _wid()
  base = wid * BPW
  sg = (sg0, sg1)
  sw = (sw0, sw1)
  pltpu.sync_copy(sid_hbm.at[wid], sid_v)
  pltpu.sync_copy(win_hbm.at[wid], win_v)
  pltpu.sync_copy(ts_hbm.at[wid], ts_v)
  lu_copies = [
      pltpu.async_copy(ts_v.at[ch], lu_ref.at[sid_v.at[ch]], slu)
      for ch in range(NCH)
  ]
  jobs = ([(table_hbm, sid_v, h_out, ch) for ch in range(NCH)]
          + [(msgs_hbm, win_v, m_out, ch) for ch in range(NCH)])
  n = len(jobs)
  gathers = [None] * n
  writes = [None] * n

  def start(j, b):
    src, idx, _, ch = jobs[j]
    return pltpu.async_copy(src.at[idx.at[ch]], rows_v.at[b], sg[b])

  gathers[0] = start(0, 0)
  for j in range(n):
    b = j % 2
    if j + 1 < n:
      nb = (j + 1) % 2
      if writes[j - 1] is not None:
        writes[j - 1].wait()
      gathers[j + 1] = start(j + 1, nb)
    gathers[j].wait()
    _, _, out, ch = jobs[j]
    writes[j] = pltpu.async_copy(
        rows_v.at[b], out.at[pl.ds(base + ch * CH, CH)], sw[b])
  writes[n - 2].wait()
  writes[n - 1].wait()
  for c in lu_copies:
    c.wait()


BLK = 512


def _gru_block(x_ref, h_ref, wih_ref, whh_ref, bih_ref, bhh_ref,
               fcw_ref, fcb_ref, linw_ref, linb_ref, out_ref):
  x = x_ref[...].astype(jnp.bfloat16)
  h32 = h_ref[...]
  h = h32.astype(jnp.bfloat16)
  gi = jnp.dot(x, wih_ref[...], preferred_element_type=jnp.float32) + bih_ref[...]
  gh = jnp.dot(h, whh_ref[...], preferred_element_type=jnp.float32) + bhh_ref[...]
  r = jax.nn.sigmoid(gi[:, 0:D] + gh[:, 0:D])
  z = jax.nn.sigmoid(gi[:, D:2 * D] + gh[:, D:2 * D])
  n = jnp.tanh(gi[:, 2 * D:3 * D] + r * gh[:, 2 * D:3 * D])
  hy = (1.0 - z) * n + z * h32
  pred = jnp.dot(hy.astype(jnp.bfloat16), fcw_ref[...],
                 preferred_element_type=jnp.float32) + fcb_ref[...]
  out_ref[...] = jnp.dot(pred.astype(jnp.bfloat16), linw_ref[...],
                         preferred_element_type=jnp.float32) + linb_ref[...]


_gru = pl.pallas_call(
    _gru_block,
    grid=(B_ROWS // BLK,),
    in_specs=[
        pl.BlockSpec((BLK, D), lambda i: (i, 0)),
        pl.BlockSpec((BLK, D), lambda i: (i, 0)),
        pl.BlockSpec((D, 3 * D), lambda i: (0, 0)),
        pl.BlockSpec((D, 3 * D), lambda i: (0, 0)),
        pl.BlockSpec((1, 3 * D), lambda i: (0, 0)),
        pl.BlockSpec((1, 3 * D), lambda i: (0, 0)),
        pl.BlockSpec((D, 64), lambda i: (0, 0)),
        pl.BlockSpec((1, 64), lambda i: (0, 0)),
        pl.BlockSpec((64, D), lambda i: (0, 0)),
        pl.BlockSpec((1, D), lambda i: (0, 0)),
    ],
    out_specs=pl.BlockSpec((BLK, D), lambda i: (i, 0)),
    out_shape=jax.ShapeDtypeStruct((B_ROWS, D), jnp.float32),
)


@functools.partial(
    pl.kernel,
    mesh=_mesh,
    out_type=(),
    scratch_types=[
        pltpu.VMEM((NCH, CH), jnp.int32),
        pltpu.VMEM((2, CH, D), jnp.float32),
        pltpu.SemaphoreType.DMA,
        pltpu.SemaphoreType.DMA,
        pltpu.SemaphoreType.DMA,
        pltpu.SemaphoreType.DMA,
    ],
)
def _sc_scatter(newmem_hbm, ids_hbm, table_ref, ids_v, rows_v, sl0, sl1, ss0, ss1):
  wid = _wid()
  base = wid * BPW
  sl = (sl0, sl1)
  ss = (ss0, ss1)
  pltpu.sync_copy(ids_hbm.at[wid], ids_v)
  loads = [None] * NCH
  scatters = [None] * NCH
  loads[0] = pltpu.async_copy(newmem_hbm.at[pl.ds(base, CH)], rows_v.at[0], sl[0])
  for ch in range(NCH):
    b = ch % 2
    if ch + 1 < NCH:
      nb = (ch + 1) % 2
      if scatters[ch - 1] is not None:
        scatters[ch - 1].wait()
      loads[ch + 1] = pltpu.async_copy(
          newmem_hbm.at[pl.ds(base + (ch + 1) * CH, CH)], rows_v.at[nb], sl[nb])
    loads[ch].wait()
    scatters[ch] = pltpu.async_copy(rows_v.at[b], table_ref.at[ids_v.at[ch]], ss[b])
  scatters[NCH - 2].wait()
  scatters[NCH - 1].wait()


def kernel(memory_table, last_update, unique_node_ids, unique_messages,
           timestamps, w_ih, w_hh, b_ih, b_hh, fc_w, fc_b, lin_w, lin_b):
  ids = unique_node_ids

  iota = jnp.arange(B_ROWS, dtype=jnp.int32)
  key, ts_sorted = lax.sort(((ids << 14) | iota, timestamps), num_keys=1)

  mem_b = lax.optimization_barrier((memory_table, key))[0]
  table_ref = jax.new_ref(mem_b * 1.0)
  lu_ref = jax.new_ref(last_update)

  sid = key >> 14
  sp = key & (B_ROWS - 1)
  boundary = jnp.concatenate([sid[1:] != sid[:-1], jnp.ones((1,), jnp.bool_)])
  enc = jnp.where(boundary, (iota << 14) | sp, jnp.int32(1 << 30))
  nbenc = lax.cummin(enc, axis=0, reverse=True)
  winner = nbenc & (B_ROWS - 1)
  tsw_sorted = jnp.take(ts_sorted, nbenc >> 14)

  rs = lambda a: a.reshape(NW, NCH, CH)
  h_s, msgs_s = _sc_gather(memory_table, unique_messages, rs(sid), rs(winner),
                           rs(tsw_sorted), lu_ref)

  new_mem = _gru(
      msgs_s, h_s,
      w_ih.T.astype(jnp.bfloat16), w_hh.T.astype(jnp.bfloat16),
      b_ih.reshape(1, 3 * D), b_hh.reshape(1, 3 * D),
      fc_w.T.astype(jnp.bfloat16), fc_b.reshape(1, 64),
      lin_w.T.astype(jnp.bfloat16), lin_b.reshape(1, D),
  )

  _sc_scatter(new_mem, rs(sid), table_ref)
  return jax.freeze(table_ref), jax.freeze(lu_ref)

# --- scband reference (transcript-rebuilt; emitter-appended) ---
"""Pipeline reference for scband-enhanced-grumemory-updater-26963804684871 (READ-ONLY COPY).

The authoritative reference and input builder live on the scoring server;
editing this copy changes nothing except your own understanding.
"""

import jax, jax.numpy as jnp
import numpy as np

M = 100000
D_MSG = 256
D_MEM = 256
B = 16384


def setup_inputs(seed: int = 0) -> dict:
    key = jax.random.key(seed)
    ks = jax.random.split(key, 16)
    s_ih = 1.0 / np.sqrt(D_MEM)
    s_fc = 1.0 / np.sqrt(256)
    s_lin = 1.0 / np.sqrt(64)
    inp = {}
    inp["memory_table"] = jax.random.normal(ks[0], (M, D_MEM), dtype=jnp.float32) * 0.1
    inp["last_update"] = jnp.zeros((M,), dtype=jnp.float32)
    inp["unique_node_ids"] = jax.random.randint(ks[1], (B,), 0, M, dtype=jnp.int32)
    inp["unique_messages"] = jax.random.normal(ks[2], (B, D_MSG), dtype=jnp.float32)
    inp["timestamps"] = jax.random.uniform(ks[3], (B,), dtype=jnp.float32)
    inp["w_ih"] = jax.random.uniform(ks[4], (3 * D_MEM, D_MSG), minval=-s_ih, maxval=s_ih, dtype=jnp.float32)
    inp["w_hh"] = jax.random.uniform(ks[5], (3 * D_MEM, D_MEM), minval=-s_ih, maxval=s_ih, dtype=jnp.float32)
    inp["b_ih"] = jax.random.uniform(ks[6], (3 * D_MEM,), minval=-s_ih, maxval=s_ih, dtype=jnp.float32)
    inp["b_hh"] = jax.random.uniform(ks[7], (3 * D_MEM,), minval=-s_ih, maxval=s_ih, dtype=jnp.float32)
    inp["fc_w"] = jax.random.uniform(ks[8], (64, 256), minval=-s_fc, maxval=s_fc, dtype=jnp.float32)
    inp["fc_b"] = jax.random.uniform(ks[9], (64,), minval=-s_fc, maxval=s_fc, dtype=jnp.float32)
    inp["lin_w"] = jax.random.uniform(ks[10], (D_MEM, 64), minval=-s_lin, maxval=s_lin, dtype=jnp.float32)
    inp["lin_b"] = jax.random.uniform(ks[11], (D_MEM,), minval=-s_lin, maxval=s_lin, dtype=jnp.float32)
    return inp


def _gru_cell(x, h, w_ih, w_hh, b_ih, b_hh):
    gi = x @ w_ih.T + b_ih
    gh = h @ w_hh.T + b_hh
    i_r, i_z, i_n = jnp.split(gi, 3, axis=1)
    h_r, h_z, h_n = jnp.split(gh, 3, axis=1)
    r = jax.nn.sigmoid(i_r + h_r)
    z = jax.nn.sigmoid(i_z + h_z)
    n = jnp.tanh(i_n + r * h_n)
    return (1.0 - z) * n + z * h


def reference(memory_table, last_update, unique_node_ids, unique_messages, timestamps, w_ih, w_hh, b_ih, b_hh, fc_w, fc_b, lin_w, lin_b):
    # SequenceMemoryUpdater.get_updated_memory with EnhancedGRU memory_updater
    h = jnp.take(memory_table, unique_node_ids, axis=0)  # gather current memory
    hy = _gru_cell(unique_messages, h, w_ih, w_hh, b_ih, b_hh)
    pred = hy @ fc_w.T + fc_b
    new_mem = pred @ lin_w.T + lin_b
    new_mem = jax.lax.stop_gradient(new_mem)  # EnhancedGRU returns .detach()
    updated_memory = memory_table.at[unique_node_ids].set(new_mem)  # scatter-overwrite
    updated_last_update = last_update.at[unique_node_ids].set(timestamps)
    return (updated_memory, updated_last_update)

if __name__ == "__main__":
    import jax
    _d = setup_inputs()
    print(jax.jit(kernel)(*tuple(_d.values())))

</pallas_src>

<mosaic_0001>
#map = affine_map<(d0, d1) -> (0, 0)>
#map1 = affine_map<(d0, d1) -> (0, 0, 0)>
#map2 = affine_map<(d0, d1) -> (0)>
module attributes {stable_mosaic.version = 14 : i64} {
  func.func @new_body(%arg0: i32, %arg1: i32, %arg2: memref<100000x256xf32, #tpu.memory_space<hbm>>, %arg3: memref<16384x256xf32, #tpu.memory_space<hbm>>, %arg4: memref<32x4x128xi32, #tpu.memory_space<hbm>>, %arg5: memref<32x4x128xi32, #tpu.memory_space<hbm>>, %arg6: memref<32x4x128xf32, #tpu.memory_space<hbm>>, %arg7: memref<100000xf32, #tpu.memory_space<hbm>>, %arg8: memref<16384x256xf32, #tpu.memory_space<hbm>>, %arg9: memref<16384x256xf32, #tpu.memory_space<hbm>>, %arg10: memref<100000xf32, #tpu.memory_space<hbm>>, %arg11: memref<4x128xi32, #tpu.memory_space<vmem>>, %arg12: memref<4x128xi32, #tpu.memory_space<vmem>>, %arg13: memref<4x128xf32, #tpu.memory_space<vmem>>, %arg14: memref<2x128x256xf32, #tpu.memory_space<vmem>>, %arg15: memref<!tpu.dma_semaphore, #tpu.memory_space<semaphore_mem>>, %arg16: memref<!tpu.dma_semaphore, #tpu.memory_space<semaphore_mem>>, %arg17: memref<!tpu.dma_semaphore, #tpu.memory_space<semaphore_mem>>, %arg18: memref<!tpu.dma_semaphore, #tpu.memory_space<semaphore_mem>>, %arg19: memref<!tpu.dma_semaphore, #tpu.memory_space<semaphore_mem>>) attributes {dimension_semantics = [#tpu.dimension_semantics<core_parallel>, #tpu.dimension_semantics<subcore_parallel>], iteration_bounds = array<i64: 2, 16>, scalar_prefetch = 0 : i64, scratch_operands = 9 : i64, tpu.core_type = #tpu.core_type<sc_vector_subcore>, window_params = [{transform_indices = #map}, {transform_indices = #map}, {transform_indices = #map1}, {transform_indices = #map1}, {transform_indices = #map1}, {transform_indices = #map2}, {transform_indices = #map}, {transform_indices = #map}, {transform_indices = #map2}]} {
    %mul3A = arith.constant 2 : i32
    %mul3A_0 = arith.muli %arg1, %mul3A : i32
    %add3A = arith.addi %mul3A_0, %arg0 : i32
    %mul3A_1 = arith.constant 512 : i32
    %mul3A_2 = arith.muli %add3A, %mul3A_1 : i32
    "tpu.region"() ({
      %run_scoped3A = tpu.sem_alloc : memref<!tpu.dma_semaphore, #tpu.memory_space<semaphore_mem>>
      %dma_start3A_497 = arith.constant 0 : i32
      %dma_start3A_498 = arith.constant 0 : i32
      %dma_start3A_499 = tpu.memref_slice %arg4[%add3A, %dma_start3A_497, %dma_start3A_498] : memref<32x4x128xi32, #tpu.memory_space<hbm>> -> memref<1x4x128xi32, #tpu.memory_space<hbm>>
      %dma_start3A_500 = tpu.memref_squeeze %dma_start3A_499 : memref<1x4x128xi32, #tpu.memory_space<hbm>> -> memref<4x128xi32, #tpu.memory_space<hbm>>
      %dma_start3A_501 = arith.constant 0 : i32
      %dma_start3A_502 = arith.constant 0 : i32
      %dma_start3A_503 = tpu.memref_slice %arg4[%add3A, %dma_start3A_501, %dma_start3A_502] : memref<32x4x128xi32, #tpu.memory_space<hbm>> -> memref<1x4x128xi32, #tpu.memory_space<hbm>>
      %dma_start3A_504 = tpu.memref_squeeze %dma_start3A_503 : memref<1x4x128xi32, #tpu.memory_space<hbm>> -> memref<4x128xi32, #tpu.memory_space<hbm>>
      tpu.enqueue_dma source(%dma_start3A_504 : memref<4x128xi32, #tpu.memory_space<hbm>>) target(%arg11 : memref<4x128xi32, #tpu.memory_space<vmem>>) target_semaphore(%run_scoped3A : memref<!tpu.dma_semaphore, #tpu.memory_space<semaphore_mem>>)
      %dma_wait3A_505 = arith.constant 0 : i32
      %dma_wait3A_506 = arith.constant 0 : i32
      %dma_wait3A_507 = tpu.memref_slice %arg4[%add3A, %dma_wait3A_505, %dma_wait3A_506] : memref<32x4x128xi32, #tpu.memory_space<hbm>> -> memref<1x4x128xi32, #tpu.memory_space<hbm>>
      %dma_wait3A_508 = tpu.memref_squeeze %dma_wait3A_507 : memref<1x4x128xi32, #tpu.memory_space<hbm>> -> memref<4x128xi32, #tpu.memory_space<hbm>>
      %dma_wait3A_509 = arith.constant 0 : i32
      %dma_wait3A_510 = arith.constant 0 : i32
      %dma_wait3A_511 = tpu.memref_slice %arg4[%add3A, %dma_wait3A_509, %dma_wait3A_510] : memref<32x4x128xi32, #tpu.memory_space<hbm>> -> memref<1x4x128xi32, #tpu.memory_space<hbm>>
      %dma_wait3A_512 = tpu.memref_squeeze %dma_wait3A_511 : memref<1x4x128xi32, #tpu.memory_space<hbm>> -> memref<4x128xi32, #tpu.memory_space<hbm>>
      tpu.wait_dma2 semaphore(%run_scoped3A : memref<!tpu.dma_semaphore, #tpu.memory_space<semaphore_mem>>) src(%dma_wait3A_512 : memref<4x128xi32, #tpu.memory_space<hbm>>) dst(%arg11 : memref<4x128xi32, #tpu.memory_space<vmem>>)
      tpu.yield
    }) : () -> ()
    "tpu.region"() ({
      %run_scoped3A = tpu.sem_alloc : memref<!tpu.dma_semaphore, #tpu.memory_space<semaphore_mem>>
      %dma_start3A_497 = arith.constant 0 : i32
      %dma_start3A_498 = arith.constant 0 : i32
      %dma_start3A_499 = tpu.memref_slice %arg5[%add3A, %dma_start3A_497, %dma_start3A_498] : memref<32x4x128xi32, #tpu.memory_space<hbm>> -> memref<1x4x128xi32, #tpu.memory_space<hbm>>
      %dma_start3A_500 = tpu.memref_squeeze %dma_start3A_499 : memref<1x4x128xi32, #tpu.memory_space<hbm>> -> memref<4x128xi32, #tpu.memory_space<hbm>>
      %dma_start3A_501 = arith.constant 0 : i32
      %dma_start3A_502 = arith.constant 0 : i32
      %dma_start3A_503 = tpu.memref_slice %arg5[%add3A, %dma_start3A_501, %dma_start3A_502] : memref<32x4x128xi32, #tpu.memory_space<hbm>> -> memref<1x4x128xi32, #tpu.memory_space<hbm>>
      %dma_start3A_504 = tpu.memref_squeeze %dma_start3A_503 : memref<1x4x128xi32, #tpu.memory_space<hbm>> -> memref<4x128xi32, #tpu.memory_space<hbm>>
      tpu.enqueue_dma source(%dma_start3A_504 : memref<4x128xi32, #tpu.memory_space<hbm>>) target(%arg12 : memref<4x128xi32, #tpu.memory_space<vmem>>) target_semaphore(%run_scoped3A : memref<!tpu.dma_semaphore, #tpu.memory_space<semaphore_mem>>)
      %dma_wait3A_505 = arith.constant 0 : i32
      %dma_wait3A_506 = arith.constant 0 : i32
      %dma_wait3A_507 = tpu.memref_slice %arg5[%add3A, %dma_wait3A_505, %dma_wait3A_506] : memref<32x4x128xi32, #tpu.memory_space<hbm>> -> memref<1x4x128xi32, #tpu.memory_space<hbm>>
      %dma_wait3A_508 = tpu.memref_squeeze %dma_wait3A_507 : memref<1x4x128xi32, #tpu.memory_space<hbm>> -> memref<4x128xi32, #tpu.memory_space<hbm>>
      %dma_wait3A_509 = arith.constant 0 : i32
      %dma_wait3A_510 = arith.constant 0 : i32
      %dma_wait3A_511 = tpu.memref_slice %arg5[%add3A, %dma_wait3A_509, %dma_wait3A_510] : memref<32x4x128xi32, #tpu.memory_space<hbm>> -> memref<1x4x128xi32, #tpu.memory_space<hbm>>
      %dma_wait3A_512 = tpu.memref_squeeze %dma_wait3A_511 : memref<1x4x128xi32, #tpu.memory_space<hbm>> -> memref<4x128xi32, #tpu.memory_space<hbm>>
      tpu.wait_dma2 semaphore(%run_scoped3A : memref<!tpu.dma_semaphore, #tpu.memory_space<semaphore_mem>>) src(%dma_wait3A_512 : memref<4x128xi32, #tpu.memory_space<hbm>>) dst(%arg12 : memref<4x128xi32, #tpu.memory_space<vmem>>)
      tpu.yield
    }) : () -> ()
    "tpu.region"() ({
      %run_scoped3A = tpu.sem_alloc : memref<!tpu.dma_semaphore, #tpu.memory_space<semaphore_mem>>
      %dma_start3A_497 = arith.constant 0 : i32
      %dma_start3A_498 = arith.constant 0 : i32
      %dma_start3A_499 = tpu.memref_slice %arg6[%add3A, %dma_start3A_497, %dma_start3A_498] : memref<32x4x128xf32, #tpu.memory_space<hbm>> -> memref<1x4x128xf32, #tpu.memory_space<hbm>>
      %dma_start3A_500 = tpu.memref_squeeze %dma_start3A_499 : memref<1x4x128xf32, #tpu.memory_space<hbm>> -> memref<4x128xf32, #tpu.memory_space<hbm>>
      %dma_start3A_501 = arith.constant 0 : i32
      %dma_start3A_502 = arith.constant 0 : i32
      %dma_start3A_503 = tpu.memref_slice %arg6[%add3A, %dma_start3A_501, %dma_start3A_502] : memref<32x4x128xf32, #tpu.memory_space<hbm>> -> memref<1x4x128xf32, #tpu.memory_space<hbm>>
      %dma_start3A_504 = tpu.memref_squeeze %dma_start3A_503 : memref<1x4x128xf32, #tpu.memory_space<hbm>> -> memref<4x128xf32, #tpu.memory_space<hbm>>
      tpu.enqueue_dma source(%dma_start3A_504 : memref<4x128xf32, #tpu.memory_space<hbm>>) target(%arg13 : memref<4x128xf32, #tpu.memory_space<vmem>>) target_semaphore(%run_scoped3A : memref<!tpu.dma_semaphore, #tpu.memory_space<semaphore_mem>>)
      %dma_wait3A_505 = arith.constant 0 : i32
      %dma_wait3A_506 = arith.constant 0 : i32
      %dma_wait3A_507 = tpu.memref_slice %arg6[%add3A, %dma_wait3A_505, %dma_wait3A_506] : memref<32x4x128xf32, #tpu.memory_space<hbm>> -> memref<1x4x128xf32, #tpu.memory_space<hbm>>
      %dma_wait3A_508 = tpu.memref_squeeze %dma_wait3A_507 : memref<1x4x128xf32, #tpu.memory_space<hbm>> -> memref<4x128xf32, #tpu.memory_space<hbm>>
      %dma_wait3A_509 = arith.constant 0 : i32
      %dma_wait3A_510 = arith.constant 0 : i32
      %dma_wait3A_511 = tpu.memref_slice %arg6[%add3A, %dma_wait3A_509, %dma_wait3A_510] : memref<32x4x128xf32, #tpu.memory_space<hbm>> -> memref<1x4x128xf32, #tpu.memory_space<hbm>>
      %dma_wait3A_512 = tpu.memref_squeeze %dma_wait3A_511 : memref<1x4x128xf32, #tpu.memory_space<hbm>> -> memref<4x128xf32, #tpu.memory_space<hbm>>
      tpu.wait_dma2 semaphore(%run_scoped3A : memref<!tpu.dma_semaphore, #tpu.memory_space<semaphore_mem>>) src(%dma_wait3A_512 : memref<4x128xf32, #tpu.memory_space<hbm>>) dst(%arg13 : memref<4x128xf32, #tpu.memory_space<vmem>>)
      tpu.yield
    }) : () -> ()
    %dma_start3A = arith.constant 0 : i32
    %dma_start3A_3 = arith.constant 0 : i32
    %dma_start3A_4 = arith.constant 0 : i32
    %dma_start3A_5 = tpu.memref_slice %arg13[%dma_start3A, %dma_start3A_4] : memref<4x128xf32, #tpu.memory_space<vmem>> -> memref<1x128xf32, #tpu.memory_space<vmem>>
    %dma_start3A_6 = tpu.memref_squeeze %dma_start3A_5 : memref<1x128xf32, #tpu.memory_space<vmem>> -> memref<128xf32, #tpu.memory_space<vmem>>
    %dma_start3A_7 = arith.constant 0 : i32
    %dma_start3A_8 = tpu.memref_slice %arg11[%dma_start3A_3, %dma_start3A_7] : memref<4x128xi32, #tpu.memory_space<vmem>> -> memref<1x128xi32, #tpu.memory_space<vmem>>
    %dma_start3A_9 = tpu.memref_squeeze %dma_start3A_8 : memref<1x128xi32, #tpu.memory_space<vmem>> -> memref<128xi32, #tpu.memory_space<vmem>>
    %dma_start3A_10 = arith.constant 0 : i32
    %dma_start3A_11 = tpu.memref_slice %arg7[%dma_start3A_10] : memref<100000xf32, #tpu.memory_space<hbm>> -> memref<100000xf32, #tpu.memory_space<hbm>>
    tpu.enqueue_indirect_dma source(%dma_start3A_6 : memref<128xf32, #tpu.memory_space<vmem>>) target(%dma_start3A_11 : memref<100000xf32, #tpu.memory_space<hbm>>) offsets(%dma_start3A_9 : memref<128xi32, #tpu.memory_space<vmem>>) semaphore(%arg19 : memref<!tpu.dma_semaphore, #tpu.memory_space<semaphore_mem>>)
    %dma_start3A_12 = arith.constant 1 : i32
    %dma_start3A_13 = arith.constant 1 : i32
    %dma_start3A_14 = arith.constant 0 : i32
    %dma_start3A_15 = tpu.memref_slice %arg13[%dma_start3A_12, %dma_start3A_14] : memref<4x128xf32, #tpu.memory_space<vmem>> -> memref<1x128xf32, #tpu.memory_space<vmem>>
    %dma_start3A_16 = tpu.memref_squeeze %dma_start3A_15 : memref<1x128xf32, #tpu.memory_space<vmem>> -> memref<128xf32, #tpu.memory_space<vmem>>
    %dma_start3A_17 = arith.constant 0 : i32
    %dma_start3A_18 = tpu.memref_slice %arg11[%dma_start3A_13, %dma_start3A_17] : memref<4x128xi32, #tpu.memory_space<vmem>> -> memref<1x128xi32, #tpu.memory_space<vmem>>
    %dma_start3A_19 = tpu.memref_squeeze %dma_start3A_18 : memref<1x128xi32, #tpu.memory_space<vmem>> -> memref<128xi32, #tpu.memory_space<vmem>>
    %dma_start3A_20 = arith.constant 0 : i32
    %dma_start3A_21 = tpu.memref_slice %arg7[%dma_start3A_20] : memref<100000xf32, #tpu.memory_space<hbm>> -> memref<100000xf32, #tpu.memory_space<hbm>>
    tpu.enqueue_indirect_dma source(%dma_start3A_16 : memref<128xf32, #tpu.memory_space<vmem>>) target(%dma_start3A_21 : memref<100000xf32, #tpu.memory_space<hbm>>) offsets(%dma_start3A_19 : memref<128xi32, #tpu.memory_space<vmem>>) semaphore(%arg19 : memref<!tpu.dma_semaphore, #tpu.memory_space<semaphore_mem>>)
    %dma_start3A_22 = arith.constant 2 : i32
    %dma_start3A_23 = arith.constant 2 : i32
    %dma_start3A_24 = arith.constant 0 : i32
    %dma_start3A_25 = tpu.memref_slice %arg13[%dma_start3A_22, %dma_start3A_24] : memref<4x128xf32, #tpu.memory_space<vmem>> -> memref<1x128xf32, #tpu.memory_space<vmem>>
    %dma_start3A_26 = tpu.memref_squeeze %dma_start3A_25 : memref<1x128xf32, #tpu.memory_space<vmem>> -> memref<128xf32, #tpu.memory_space<vmem>>
    %dma_start3A_27 = arith.constant 0 : i32
    %dma_start3A_28 = tpu.memref_slice %arg11[%dma_start3A_23, %dma_start3A_27] : memref<4x128xi32, #tpu.memory_space<vmem>> -> memref<1x128xi32, #tpu.memory_space<vmem>>
    %dma_start3A_29 = tpu.memref_squeeze %dma_start3A_28 : memref<1x128xi32, #tpu.memory_space<vmem>> -> memref<128xi32, #tpu.memory_space<vmem>>
    %dma_start3A_30 = arith.constant 0 : i32
    %dma_start3A_31 = tpu.memref_slice %arg7[%dma_start3A_30] : memref<100000xf32, #tpu.memory_space<hbm>> -> memref<100000xf32, #tpu.memory_space<hbm>>
    tpu.enqueue_indirect_dma source(%dma_start3A_26 : memref<128xf32, #tpu.memory_space<vmem>>) target(%dma_start3A_31 : memref<100000xf32, #tpu.memory_space<hbm>>) offsets(%dma_start3A_29 : memref<128xi32, #tpu.memory_space<vmem>>) semaphore(%arg19 : memref<!tpu.dma_semaphore, #tpu.memory_space<semaphore_mem>>)
    %dma_start3A_32 = arith.constant 3 : i32
    %dma_start3A_33 = arith.constant 3 : i32
    %dma_start3A_34 = arith.constant 0 : i32
    %dma_start3A_35 = tpu.memref_slice %arg13[%dma_start3A_32, %dma_start3A_34] : memref<4x128xf32, #tpu.memory_space<vmem>> -> memref<1x128xf32, #tpu.memory_space<vmem>>
    %dma_start3A_36 = tpu.memref_squeeze %dma_start3A_35 : memref<1x128xf32, #tpu.memory_space<vmem>> -> memref<128xf32, #tpu.memory_space<vmem>>
    %dma_start3A_37 = arith.constant 0 : i32
    %dma_start3A_38 = tpu.memref_slice %arg11[%dma_start3A_33, %dma_start3A_37] : memref<4x128xi32, #tpu.memory_space<vmem>> -> memref<1x128xi32, #tpu.memory_space<vmem>>
    %dma_start3A_39 = tpu.memref_squeeze %dma_start3A_38 : memref<1x128xi32, #tpu.memory_space<vmem>> -> memref<128xi32, #tpu.memory_space<vmem>>
    %dma_start3A_40 = arith.constant 0 : i32
    %dma_start3A_41 = tpu.memref_slice %arg7[%dma_start3A_40] : memref<100000xf32, #tpu.memory_space<hbm>> -> memref<100000xf32, #tpu.memory_space<hbm>>
    tpu.enqueue_indirect_dma source(%dma_start3A_36 : memref<128xf32, #tpu.memory_space<vmem>>) target(%dma_start3A_41 : memref<100000xf32, #tpu.memory_space<hbm>>) offsets(%dma_start3A_39 : memref<128xi32, #tpu.memory_space<vmem>>) semaphore(%arg19 : memref<!tpu.dma_semaphore, #tpu.memory_space<semaphore_mem>>)
    %dma_start3A_42 = arith.constant 0 : i32
    %dma_start3A_43 = arith.constant 0 : i32
    %dma_start3A_44 = arith.constant 0 : i32
    %dma_start3A_45 = arith.constant 0 : i32
    %dma_start3A_46 = tpu.memref_slice %arg14[%dma_start3A_43, %dma_start3A_44, %dma_start3A_45] : memref<2x128x256xf32, #tpu.memory_space<vmem>> -> memref<1x128x256xf32, #tpu.memory_space<vmem>>
    %dma_start3A_47 = tpu.memref_squeeze %dma_start3A_46 : memref<1x128x256xf32, #tpu.memory_space<vmem>> -> memref<128x256xf32, #tpu.memory_space<vmem>>
    %dma_start3A_48 = arith.constant 0 : i32
    %dma_start3A_49 = tpu.memref_slice %arg11[%dma_start3A_42, %dma_start3A_48] : memref<4x128xi32, #tpu.memory_space<vmem>> -> memref<1x128xi32, #tpu.memory_space<vmem>>
    %dma_start3A_50 = tpu.memref_squeeze %dma_start3A_49 : memref<1x128xi32, #tpu.memory_space<vmem>> -> memref<128xi32, #tpu.memory_space<vmem>>
    %dma_start3A_51 = arith.constant 0 : i32
    %dma_start3A_52 = arith.constant 0 : i32
    %dma_start3A_53 = tpu.memref_slice %arg2[%dma_start3A_51, %dma_start3A_52] : memref<100000x256xf32, #tpu.memory_space<hbm>> -> memref<100000x256xf32, #tpu.memory_space<hbm>>
    tpu.enqueue_indirect_dma source(%dma_start3A_53 : memref<100000x256xf32, #tpu.memory_space<hbm>>) target(%dma_start3A_47 : memref<128x256xf32, #tpu.memory_space<vmem>>) offsets(%dma_start3A_50 : memref<128xi32, #tpu.memory_space<vmem>>) semaphore(%arg15 : memref<!tpu.dma_semaphore, #tpu.memory_space<semaphore_mem>>)
    %dma_start3A_54 = arith.constant 1 : i32
    %dma_start3A_55 = arith.constant 1 : i32
    %dma_start3A_56 = arith.constant 0 : i32
    %dma_start3A_57 = arith.constant 0 : i32
    %dma_start3A_58 = tpu.memref_slice %arg14[%dma_start3A_55, %dma_start3A_56, %dma_start3A_57] : memref<2x128x256xf32, #tpu.memory_space<vmem>> -> memref<1x128x256xf32, #tpu.memory_space<vmem>>
    %dma_start3A_59 = tpu.memref_squeeze %dma_start3A_58 : memref<1x128x256xf32, #tpu.memory_space<vmem>> -> memref<128x256xf32, #tpu.memory_space<vmem>>
    %dma_start3A_60 = arith.constant 0 : i32
    %dma_start3A_61 = tpu.memref_slice %arg11[%dma_start3A_54, %dma_start3A_60] : memref<4x128xi32, #tpu.memory_space<vmem>> -> memref<1x128xi32, #tpu.memory_space<vmem>>
    %dma_start3A_62 = tpu.memref_squeeze %dma_start3A_61 : memref<1x128xi32, #tpu.memory_space<vmem>> -> memref<128xi32, #tpu.memory_space<vmem>>
    %dma_start3A_63 = arith.constant 0 : i32
    %dma_start3A_64 = arith.constant 0 : i32
    %dma_start3A_65 = tpu.memref_slice %arg2[%dma_start3A_63, %dma_start3A_64] : memref<100000x256xf32, #tpu.memory_space<hbm>> -> memref<100000x256xf32, #tpu.memory_space<hbm>>
    tpu.enqueue_indirect_dma source(%dma_start3A_65 : memref<100000x256xf32, #tpu.memory_space<hbm>>) target(%dma_start3A_59 : memref<128x256xf32, #tpu.memory_space<vmem>>) offsets(%dma_start3A_62 : memref<128xi32, #tpu.memory_space<vmem>>) semaphore(%arg16 : memref<!tpu.dma_semaphore, #tpu.memory_space<semaphore_mem>>)
    %dma_wait3A = arith.constant 0 : i32
    %dma_wait3A_66 = arith.constant 0 : i32
    %dma_wait3A_67 = arith.constant 0 : i32
    %dma_wait3A_68 = arith.constant 0 : i32
    %dma_wait3A_69 = tpu.memref_slice %arg14[%dma_wait3A_66, %dma_wait3A_67, %dma_wait3A_68] : memref<2x128x256xf32, #tpu.memory_space<vmem>> -> memref<1x128x256xf32, #tpu.memory_space<vmem>>
    %dma_wait3A_70 = tpu.memref_squeeze %dma_wait3A_69 : memref<1x128x256xf32, #tpu.memory_space<vmem>> -> memref<128x256xf32, #tpu.memory_space<vmem>>
    %dma_wait3A_71 = arith.constant 0 : i32
    %dma_wait3A_72 = tpu.memref_slice %arg11[%dma_wait3A, %dma_wait3A_71] : memref<4x128xi32, #tpu.memory_space<vmem>> -> memref<1x128xi32, #tpu.memory_space<vmem>>
    %dma_wait3A_73 = tpu.memref_squeeze %dma_wait3A_72 : memref<1x128xi32, #tpu.memory_space<vmem>> -> memref<128xi32, #tpu.memory_space<vmem>>
    %dma_wait3A_74 = arith.constant 0 : i32
    %dma_wait3A_75 = arith.constant 0 : i32
    %dma_wait3A_76 = tpu.memref_slice %arg2[%dma_wait3A_74, %dma_wait3A_75] : memref<100000x256xf32, #tpu.memory_space<hbm>> -> memref<100000x256xf32, #tpu.memory_space<hbm>>
    tpu.wait_indirect_dma semaphore(%arg15 : memref<!tpu.dma_semaphore, #tpu.memory_space<semaphore_mem>>) src(%dma_wait3A_76 : memref<100000x256xf32, #tpu.memory_space<hbm>>) dst(%dma_wait3A_70 : memref<128x256xf32, #tpu.memory_space<vmem>>)
    %add3A_77 = arith.constant 0 : i32
    %add3A_78 = arith.addi %mul3A_2, %add3A_77 : i32
    %dma_start3A_79 = arith.constant 0 : i32
    %dma_start3A_80 = arith.constant 0 : i32
    %dma_start3A_81 = arith.constant 0 : i32
    %dma_start3A_82 = tpu.memref_slice %arg14[%dma_start3A_79, %dma_start3A_80, %dma_start3A_81] : memref<2x128x256xf32, #tpu.memory_space<vmem>> -> memref<1x128x256xf32, #tpu.memory_space<vmem>>
    %dma_start3A_83 = tpu.memref_squeeze %dma_start3A_82 : memref<1x128x256xf32, #tpu.memory_space<vmem>> -> memref<128x256xf32, #tpu.memory_space<vmem>>
    %dma_start3A_84 = arith.constant 0 : i32
    %dma_start3A_85 = tpu.memref_slice %arg8[%add3A_78, %dma_start3A_84] : memref<16384x256xf32, #tpu.memory_space<hbm>> -> memref<128x256xf32, #tpu.memory_space<hbm>>
    %dma_start3A_86 = arith.constant 0 : i32
    %dma_start3A_87 = tpu.memref_slice %arg8[%add3A_78, %dma_start3A_86] : memref<16384x256xf32, #tpu.memory_space<hbm>> -> memref<128x256xf32, #tpu.memory_space<hbm>>
    %dma_start3A_88 = arith.constant 0 : i32
    %dma_start3A_89 = arith.constant 0 : i32
    %dma_start3A_90 = tpu.memref_slice %arg14[%dma_start3A_79, %dma_start3A_88, %dma_start3A_89] : memref<2x128x256xf32, #tpu.memory_space<vmem>> -> memref<1x128x256xf32, #tpu.memory_space<vmem>>
    %dma_start3A_91 = tpu.memref_squeeze %dma_start3A_90 : memref<1x128x256xf32, #tpu.memory_space<vmem>> -> memref<128x256xf32, #tpu.memory_space<vmem>>
    tpu.enqueue_dma source(%dma_start3A_91 : memref<128x256xf32, #tpu.memory_space<vmem>>) target(%dma_start3A_87 : memref<128x256xf32, #tpu.memory_space<hbm>>) target_semaphore(%arg17 : memref<!tpu.dma_semaphore, #tpu.memory_space<semaphore_mem>>)
    %dma_wait3A_92 = arith.constant 0 : i32
    %dma_wait3A_93 = arith.constant 0 : i32
    %dma_wait3A_94 = arith.constant 0 : i32
    %dma_wait3A_95 = tpu.memref_slice %arg14[%dma_wait3A_92, %dma_wait3A_93, %dma_wait3A_94] : memref<2x128x256xf32, #tpu.memory_space<vmem>> -> memref<1x128x256xf32, #tpu.memory_space<vmem>>
    %dma_wait3A_96 = tpu.memref_squeeze %dma_wait3A_95 : memref<1x128x256xf32, #tpu.memory_space<vmem>> -> memref<128x256xf32, #tpu.memory_space<vmem>>
    %dma_wait3A_97 = arith.constant 0 : i32
    %dma_wait3A_98 = tpu.memref_slice %arg8[%add3A_78, %dma_wait3A_97] : memref<16384x256xf32, #tpu.memory_space<hbm>> -> memref<128x256xf32, #tpu.memory_space<hbm>>
    %dma_wait3A_99 = arith.constant 0 : i32
    %dma_wait3A_100 = tpu.memref_slice %arg8[%add3A_78, %dma_wait3A_99] : memref<16384x256xf32, #tpu.memory_space<hbm>> -> memref<128x256xf32, #tpu.memory_space<hbm>>
    %dma_wait3A_101 = arith.constant 0 : i32
    %dma_wait3A_102 = arith.constant 0 : i32
    %dma_wait3A_103 = tpu.memref_slice %arg14[%dma_wait3A_92, %dma_wait3A_101, %dma_wait3A_102] : memref<2x128x256xf32, #tpu.memory_space<vmem>> -> memref<1x128x256xf32, #tpu.memory_space<vmem>>
    %dma_wait3A_104 = tpu.memref_squeeze %dma_wait3A_103 : memref<1x128x256xf32, #tpu.memory_space<vmem>> -> memref<128x256xf32, #tpu.memory_space<vmem>>
    tpu.wait_dma2 semaphore(%arg17 : memref<!tpu.dma_semaphore, #tpu.memory_space<semaphore_mem>>) src(%dma_wait3A_104 : memref<128x256xf32, #tpu.memory_space<vmem>>) dst(%dma_wait3A_100 : memref<128x256xf32, #tpu.memory_space<hbm>>)
    %dma_start3A_105 = arith.constant 2 : i32
    %dma_start3A_106 = arith.constant 0 : i32
    %dma_start3A_107 = arith.constant 0 : i32
    %dma_start3A_108 = arith.constant 0 : i32
    %dma_start3A_109 = tpu.memref_slice %arg14[%dma_start3A_106, %dma_start3A_107, %dma_start3A_108] : memref<2x128x256xf32, #tpu.memory_space<vmem>> -> memref<1x128x256xf32, #tpu.memory_space<vmem>>
    %dma_start3A_110 = tpu.memref_squeeze %dma_start3A_109 : memref<1x128x256xf32, #tpu.memory_space<vmem>> -> memref<128x256xf32, #tpu.memory_space<vmem>>
    %dma_start3A_111 = arith.constant 0 : i32
    %dma_start3A_112 = tpu.memref_slice %arg11[%dma_start3A_105, %dma_start3A_111] : memref<4x128xi32, #tpu.memory_space<vmem>> -> memref<1x128xi32, #tpu.memory_space<vmem>>
    %dma_start3A_113 = tpu.memref_squeeze %dma_start3A_112 : memref<1x128xi32, #tpu.memory_space<vmem>> -> memref<128xi32, #tpu.memory_space<vmem>>
    %dma_start3A_114 = arith.constant 0 : i32
    %dma_start3A_115 = arith.constant 0 : i32
    %dma_start3A_116 = tpu.memref_slice %arg2[%dma_start3A_114, %dma_start3A_115] : memref<100000x256xf32, #tpu.memory_space<hbm>> -> memref<100000x256xf32, #tpu.memory_space<hbm>>
    tpu.enqueue_indirect_dma source(%dma_start3A_116 : memref<100000x256xf32, #tpu.memory_space<hbm>>) target(%dma_start3A_110 : memref<128x256xf32, #tpu.memory_space<vmem>>) offsets(%dma_start3A_113 : memref<128xi32, #tpu.memory_space<vmem>>) semaphore(%arg15 : memref<!tpu.dma_semaphore, #tpu.memory_space<semaphore_mem>>)
    %dma_wait3A_117 = arith.constant 1 : i32
    %dma_wait3A_118 = arith.constant 1 : i32
    %dma_wait3A_119 = arith.constant 0 : i32
    %dma_wait3A_120 = arith.constant 0 : i32
    %dma_wait3A_121 = tpu.memref_slice %arg14[%dma_wait3A_118, %dma_wait3A_119, %dma_wait3A_120] : memref<2x128x256xf32, #tpu.memory_space<vmem>> -> memref<1x128x256xf32, #tpu.memory_space<vmem>>
    %dma_wait3A_122 = tpu.memref_squeeze %dma_wait3A_121 : memref<1x128x256xf32, #tpu.memory_space<vmem>> -> memref<128x256xf32, #tpu.memory_space<vmem>>
    %dma_wait3A_123 = arith.constant 0 : i32
    %dma_wait3A_124 = tpu.memref_slice %arg11[%dma_wait3A_117, %dma_wait3A_123] : memref<4x128xi32, #tpu.memory_space<vmem>> -> memref<1x128xi32, #tpu.memory_space<vmem>>
    %dma_wait3A_125 = tpu.memref_squeeze %dma_wait3A_124 : memref<1x128xi32, #tpu.memory_space<vmem>> -> memref<128xi32, #tpu.memory_space<vmem>>
    %dma_wait3A_126 = arith.constant 0 : i32
    %dma_wait3A_127 = arith.constant 0 : i32
    %dma_wait3A_128 = tpu.memref_slice %arg2[%dma_wait3A_126, %dma_wait3A_127] : memref<100000x256xf32, #tpu.memory_space<hbm>> -> memref<100000x256xf32, #tpu.memory_space<hbm>>
    tpu.wait_indirect_dma semaphore(%arg16 : memref<!tpu.dma_semaphore, #tpu.memory_space<semaphore_mem>>) src(%dma_wait3A_128 : memref<100000x256xf32, #tpu.memory_space<hbm>>) dst(%dma_wait3A_122 : memref<128x256xf32, #tpu.memory_space<vmem>>)
    %add3A_129 = arith.constant 128 : i32
    %add3A_130 = arith.addi %mul3A_2, %add3A_129 : i32
    %dma_start3A_131 = arith.constant 1 : i32
    %dma_start3A_132 = arith.constant 0 : i32
    %dma_start3A_133 = arith.constant 0 : i32
    %dma_start3A_134 = tpu.memref_slice %arg14[%dma_start3A_131, %dma_start3A_132, %dma_start3A_133] : memref<2x128x256xf32, #tpu.memory_space<vmem>> -> memref<1x128x256xf32, #tpu.memory_space<vmem>>
    %dma_start3A_135 = tpu.memref_squeeze %dma_start3A_134 : memref<1x128x256xf32, #tpu.memory_space<vmem>> -> memref<128x256xf32, #tpu.memory_space<vmem>>
    %dma_start3A_136 = arith.constant 0 : i32
    %dma_start3A_137 = tpu.memref_slice %arg8[%add3A_130, %dma_start3A_136] : memref<16384x256xf32, #tpu.memory_space<hbm>> -> memref<128x256xf32, #tpu.memory_space<hbm>>
    %dma_start3A_138 = arith.constant 0 : i32
    %dma_start3A_139 = tpu.memref_slice %arg8[%add3A_130, %dma_start3A_138] : memref<16384x256xf32, #tpu.memory_space<hbm>> -> memref<128x256xf32, #tpu.memory_space<hbm>>
    %dma_start3A_140 = arith.constant 0 : i32
    %dma_start3A_141 = arith.constant 0 : i32
    %dma_start3A_142 = tpu.memref_slice %arg14[%dma_start3A_131, %dma_start3A_140, %dma_start3A_141] : memref<2x128x256xf32, #tpu.memory_space<vmem>> -> memref<1x128x256xf32, #tpu.memory_space<vmem>>
    %dma_start3A_143 = tpu.memref_squeeze %dma_start3A_142 : memref<1x128x256xf32, #tpu.memory_space<vmem>> -> memref<128x256xf32, #tpu.memory_space<vmem>>
    tpu.enqueue_dma source(%dma_start3A_143 : memref<128x256xf32, #tpu.memory_space<vmem>>) target(%dma_start3A_139 : memref<128x256xf32, #tpu.memory_space<hbm>>) target_semaphore(%arg18 : memref<!tpu.dma_semaphore, #tpu.memory_space<semaphore_mem>>)
    %dma_wait3A_144 = arith.constant 1 : i32
    %dma_wait3A_145 = arith.constant 0 : i32
    %dma_wait3A_146 = arith.constant 0 : i32
    %dma_wait3A_147 = tpu.memref_slice %arg14[%dma_wait3A_144, %dma_wait3A_145, %dma_wait3A_146] : memref<2x128x256xf32, #tpu.memory_space<vmem>> -> memref<1x128x256xf32, #tpu.memory_space<vmem>>
    %dma_wait3A_148 = tpu.memref_squeeze %dma_wait3A_147 : memref<1x128x256xf32, #tpu.memory_space<vmem>> -> memref<128x256xf32, #tpu.memory_space<vmem>>
    %dma_wait3A_149 = arith.constant 0 : i32
    %dma_wait3A_150 = tpu.memref_slice %arg8[%add3A_130, %dma_wait3A_149] : memref<16384x256xf32, #tpu.memory_space<hbm>> -> memref<128x256xf32, #tpu.memory_space<hbm>>
    %dma_wait3A_151 = arith.constant 0 : i32
    %dma_wait3A_152 = tpu.memref_slice %arg8[%add3A_130, %dma_wait3A_151] : memref<16384x256xf32, #tpu.memory_space<hbm>> -> memref<128x256xf32, #tpu.memory_space<hbm>>
    %dma_wait3A_153 = arith.constant 0 : i32
    %dma_wait3A_154 = arith.constant 0 : i32
    %dma_wait3A_155 = tpu.memref_slice %arg14[%dma_wait3A_144, %dma_wait3A_153, %dma_wait3A_154] : memref<2x128x256xf32, #tpu.memory_space<vmem>> -> memref<1x128x256xf32, #tpu.memory_space<vmem>>
    %dma_wait3A_156 = tpu.memref_squeeze %dma_wait3A_155 : memref<1x128x256xf32, #tpu.memory_space<vmem>> -> memref<128x256xf32, #tpu.memory_space<vmem>>
    tpu.wait_dma2 semaphore(%arg18 : memref<!tpu.dma_semaphore, #tpu.memory_space<semaphore_mem>>) src(%dma_wait3A_156 : memref<128x256xf32, #tpu.memory_space<vmem>>) dst(%dma_wait3A_152 : memref<128x256xf32, #tpu.memory_space<hbm>>)
    %dma_start3A_157 = arith.constant 3 : i32
    %dma_start3A_158 = arith.constant 1 : i32
    %dma_start3A_159 = arith.constant 0 : i32
    %dma_start3A_160 = arith.constant 0 : i32
    %dma_start3A_161 = tpu.memref_slice %arg14[%dma_start3A_158, %dma_start3A_159, %dma_start3A_160] : memref<2x128x256xf32, #tpu.memory_space<vmem>> -> memref<1x128x256xf32, #tpu.memory_space<vmem>>
    %dma_start3A_162 = tpu.memref_squeeze %dma_start3A_161 : memref<1x128x256xf32, #tpu.memory_space<vmem>> -> memref<128x256xf32, #tpu.memory_space<vmem>>
    %dma_start3A_163 = arith.constant 0 : i32
    %dma_start3A_164 = tpu.memref_slice %arg11[%dma_start3A_157, %dma_start3A_163] : memref<4x128xi32, #tpu.memory_space<vmem>> -> memref<1x128xi32, #tpu.memory_space<vmem>>
    %dma_start3A_165 = tpu.memref_squeeze %dma_start3A_164 : memref<1x128xi32, #tpu.memory_space<vmem>> -> memref<128xi32, #tpu.memory_space<vmem>>
    %dma_start3A_166 = arith.constant 0 : i32
    %dma_start3A_167 = arith.constant 0 : i32
    %dma_start3A_168 = tpu.memref_slice %arg2[%dma_start3A_166, %dma_start3A_167] : memref<100000x256xf32, #tpu.memory_space<hbm>> -> memref<100000x256xf32, #tpu.memory_space<hbm>>
    tpu.enqueue_indirect_dma source(%dma_start3A_168 : memref<100000x256xf32, #tpu.memory_space<hbm>>) target(%dma_start3A_162 : memref<128x256xf32, #tpu.memory_space<vmem>>) offsets(%dma_start3A_165 : memref<128xi32, #tpu.memory_space<vmem>>) semaphore(%arg16 : memref<!tpu.dma_semaphore, #tpu.memory_space<semaphore_mem>>)
    %dma_wait3A_169 = arith.constant 2 : i32
    %dma_wait3A_170 = arith.constant 0 : i32
    %dma_wait3A_171 = arith.constant 0 : i32
    %dma_wait3A_172 = arith.constant 0 : i32
    %dma_wait3A_173 = tpu.memref_slice %arg14[%dma_wait3A_170, %dma_wait3A_171, %dma_wait3A_172] : memref<2x128x256xf32, #tpu.memory_space<vmem>> -> memref<1x128x256xf32, #tpu.memory_space<vmem>>
    %dma_wait3A_174 = tpu.memref_squeeze %dma_wait3A_173 : memref<1x128x256xf32, #tpu.memory_space<vmem>> -> memref<128x256xf32, #tpu.memory_space<vmem>>
    %dma_wait3A_175 = arith.constant 0 : i32
    %dma_wait3A_176 = tpu.memref_slice %arg11[%dma_wait3A_169, %dma_wait3A_175] : memref<4x128xi32, #tpu.memory_space<vmem>> -> memref<1x128xi32, #tpu.memory_space<vmem>>
    %dma_wait3A_177 = tpu.memref_squeeze %dma_wait3A_176 : memref<1x128xi32, #tpu.memory_space<vmem>> -> memref<128xi32, #tpu.memory_space<vmem>>
    %dma_wait3A_178 = arith.constant 0 : i32
    %dma_wait3A_179 = arith.constant 0 : i32
    %dma_wait3A_180 = tpu.memref_slice %arg2[%dma_wait3A_178, %dma_wait3A_179] : memref<100000x256xf32, #tpu.memory_space<hbm>> -> memref<100000x256xf32, #tpu.memory_space<hbm>>
    tpu.wait_indirect_dma semaphore(%arg15 : memref<!tpu.dma_semaphore, #tpu.memory_space<semaphore_mem>>) src(%dma_wait3A_180 : memref<100000x256xf32, #tpu.memory_space<hbm>>) dst(%dma_wait3A_174 : memref<128x256xf32, #tpu.memory_space<vmem>>)
    %add3A_181 = arith.constant 256 : i32
    %add3A_182 = arith.addi %mul3A_2, %add3A_181 : i32
    %dma_start3A_183 = arith.constant 0 : i32
    %dma_start3A_184 = arith.constant 0 : i32
    %dma_start3A_185 = arith.constant 0 : i32
    %dma_start3A_186 = tpu.memref_slice %arg14[%dma_start3A_183, %dma_start3A_184, %dma_start3A_185] : memref<2x128x256xf32, #tpu.memory_space<vmem>> -> memref<1x128x256xf32, #tpu.memory_space<vmem>>
    %dma_start3A_187 = tpu.memref_squeeze %dma_start3A_186 : memref<1x128x256xf32, #tpu.memory_space<vmem>> -> memref<128x256xf32, #tpu.memory_space<vmem>>
    %dma_start3A_188 = arith.constant 0 : i32
    %dma_start3A_189 = tpu.memref_slice %arg8[%add3A_182, %dma_start3A_188] : memref<16384x256xf32, #tpu.memory_space<hbm>> -> memref<128x256xf32, #tpu.memory_space<hbm>>
    %dma_start3A_190 = arith.constant 0 : i32
    %dma_start3A_191 = tpu.memref_slice %arg8[%add3A_182, %dma_start3A_190] : memref<16384x256xf32, #tpu.memory_space<hbm>> -> memref<128x256xf32, #tpu.memory_space<hbm>>
    %dma_start3A_192 = arith.constant 0 : i32
    %dma_start3A_193 = arith.constant 0 : i32
    %dma_start3A_194 = tpu.memref_slice %arg14[%dma_start3A_183, %dma_start3A_192, %dma_start3A_193] : memref<2x128x256xf32, #tpu.memory_space<vmem>> -> memref<1x128x256xf32, #tpu.memory_space<vmem>>
    %dma_start3A_195 = tpu.memref_squeeze %dma_start3A_194 : memref<1x128x256xf32, #tpu.memory_space<vmem>> -> memref<128x256xf32, #tpu.memory_space<vmem>>
    tpu.enqueue_dma source(%dma_start3A_195 : memref<128x256xf32, #tpu.memory_space<vmem>>) target(%dma_start3A_191 : memref<128x256xf32, #tpu.memory_space<hbm>>) target_semaphore(%arg17 : memref<!tpu.dma_semaphore, #tpu.memory_space<semaphore_mem>>)
    %dma_wait3A_196 = arith.constant 0 : i32
    %dma_wait3A_197 = arith.constant 0 : i32
    %dma_wait3A_198 = arith.constant 0 : i32
    %dma_wait3A_199 = tpu.memref_slice %arg14[%dma_wait3A_196, %dma_wait3A_197, %dma_wait3A_198] : memref<2x128x256xf32, #tpu.memory_space<vmem>> -> memref<1x128x256xf32, #tpu.memory_space<vmem>>
    %dma_wait3A_200 = tpu.memref_squeeze %dma_wait3A_199 : memref<1x128x256xf32, #tpu.memory_space<vmem>> -> memref<128x256xf32, #tpu.memory_space<vmem>>
    %dma_wait3A_201 = arith.constant 0 : i32
    %dma_wait3A_202 = tpu.memref_slice %arg8[%add3A_182, %dma_wait3A_201] : memref<16384x256xf32, #tpu.memory_space<hbm>> -> memref<128x256xf32, #tpu.memory_space<hbm>>
    %dma_wait3A_203 = arith.constant 0 : i32
    %dma_wait3A_204 = tpu.memref_slice %arg8[%add3A_182, %dma_wait3A_203] : memref<16384x256xf32, #tpu.memory_space<hbm>> -> memref<128x256xf32, #tpu.memory_space<hbm>>
    %dma_wait3A_205 = arith.constant 0 : i32
    %dma_wait3A_206 = arith.constant 0 : i32
    %dma_wait3A_207 = tpu.memref_slice %arg14[%dma_wait3A_196, %dma_wait3A_205, %dma_wait3A_206] : memref<2x128x256xf32, #tpu.memory_space<vmem>> -> memref<1x128x256xf32, #tpu.memory_space<vmem>>
    %dma_wait3A_208 = tpu.memref_squeeze %dma_wait3A_207 : memref<1x128x256xf32, #tpu.memory_space<vmem>> -> memref<128x256xf32, #tpu.memory_space<vmem>>
    tpu.wait_dma2 semaphore(%arg17 : memref<!tpu.dma_semaphore, #tpu.memory_space<semaphore_mem>>) src(%dma_wait3A_208 : memref<128x256xf32, #tpu.memory_space<vmem>>) dst(%dma_wait3A_204 : memref<128x256xf32, #tpu.memory_space<hbm>>)
    %dma_start3A_209 = arith.constant 0 : i32
    %dma_start3A_210 = arith.constant 0 : i32
    %dma_start3A_211 = arith.constant 0 : i32
    %dma_start3A_212 = arith.constant 0 : i32
    %dma_start3A_213 = tpu.memref_slice %arg14[%dma_start3A_210, %dma_start3A_211, %dma_start3A_212] : memref<2x128x256xf32, #tpu.memory_space<vmem>> -> memref<1x128x256xf32, #tpu.memory_space<vmem>>
    %dma_start3A_214 = tpu.memref_squeeze %dma_start3A_213 : memref<1x128x256xf32, #tpu.memory_space<vmem>> -> memref<128x256xf32, #tpu.memory_space<vmem>>
    %dma_start3A_215 = arith.constant 0 : i32
    %dma_start3A_216 = tpu.memref_slice %arg12[%dma_start3A_209, %dma_start3A_215] : memref<4x128xi32, #tpu.memory_space<vmem>> -> memref<1x128xi32, #tpu.memory_space<vmem>>
    %dma_start3A_217 = tpu.memref_squeeze %dma_start3A_216 : memref<1x128xi32, #tpu.memory_space<vmem>> -> memref<128xi32, #tpu.memory_space<vmem>>
    %dma_start3A_218 = arith.constant 0 : i32
    %dma_start3A_219 = arith.constant 0 : i32
    %dma_start3A_220 = tpu.memref_slice %arg3[%dma_start3A_218, %dma_start3A_219] : memref<16384x256xf32, #tpu.memory_space<hbm>> -> memref<16384x256xf32, #tpu.memory_space<hbm>>
    tpu.enqueue_indirect_dma source(%dma_start3A_220 : memref<16384x256xf32, #tpu.memory_space<hbm>>) target(%dma_start3A_214 : memref<128x256xf32, #tpu.memory_space<vmem>>) offsets(%dma_start3A_217 : memref<128xi32, #tpu.memory_space<vmem>>) semaphore(%arg15 : memref<!tpu.dma_semaphore, #tpu.memory_space<semaphore_mem>>)
    %dma_wait3A_221 = arith.constant 3 : i32
    %dma_wait3A_222 = arith.constant 1 : i32
    %dma_wait3A_223 = arith.constant 0 : i32
    %dma_wait3A_224 = arith.constant 0 : i32
    %dma_wait3A_225 = tpu.memref_slice %arg14[%dma_wait3A_222, %dma_wait3A_223, %dma_wait3A_224] : memref<2x128x256xf32, #tpu.memory_space<vmem>> -> memref<1x128x256xf32, #tpu.memory_space<vmem>>
    %dma_wait3A_226 = tpu.memref_squeeze %dma_wait3A_225 : memref<1x128x256xf32, #tpu.memory_space<vmem>> -> memref<128x256xf32, #tpu.memory_space<vmem>>
    %dma_wait3A_227 = arith.constant 0 : i32
    %dma_wait3A_228 = tpu.memref_slice %arg11[%dma_wait3A_221, %dma_wait3A_227] : memref<4x128xi32, #tpu.memory_space<vmem>> -> memref<1x128xi32, #tpu.memory_space<vmem>>
    %dma_wait3A_229 = tpu.memref_squeeze %dma_wait3A_228 : memref<1x128xi32, #tpu.memory_space<vmem>> -> memref<128xi32, #tpu.memory_space<vmem>>
    %dma_wait3A_230 = arith.constant 0 : i32
    %dma_wait3A_231 = arith.constant 0 : i32
    %dma_wait3A_232 = tpu.memref_slice %arg2[%dma_wait3A_230, %dma_wait3A_231] : memref<100000x256xf32, #tpu.memory_space<hbm>> -> memref<100000x256xf32, #tpu.memory_space<hbm>>
    tpu.wait_indirect_dma semaphore(%arg16 : memref<!tpu.dma_semaphore, #tpu.memory_space<semaphore_mem>>) src(%dma_wait3A_232 : memref<100000x256xf32, #tpu.memory_space<hbm>>) dst(%dma_wait3A_226 : memref<128x256xf32, #tpu.memory_space<vmem>>)
    %add3A_233 = arith.constant 384 : i32
    %add3A_234 = arith.addi %mul3A_2, %add3A_233 : i32
    %dma_start3A_235 = arith.constant 1 : i32
    %dma_start3A_236 = arith.constant 0 : i32
    %dma_start3A_237 = arith.constant 0 : i32
    %dma_start3A_238 = tpu.memref_slice %arg14[%dma_start3A_235, %dma_start3A_236, %dma_start3A_237] : memref<2x128x256xf32, #tpu.memory_space<vmem>> -> memref<1x128x256xf32, #tpu.memory_space<vmem>>
    %dma_start3A_239 = tpu.memref_squeeze %dma_start3A_238 : memref<1x128x256xf32, #tpu.memory_space<vmem>> -> memref<128x256xf32, #tpu.memory_space<vmem>>
    %dma_start3A_240 = arith.constant 0 : i32
    %dma_start3A_241 = tpu.memref_slice %arg8[%add3A_234, %dma_start3A_240] : memref<16384x256xf32, #tpu.memory_space<hbm>> -> memref<128x256xf32, #tpu.memory_space<hbm>>
    %dma_start3A_242 = arith.constant 0 : i32
    %dma_start3A_243 = tpu.memref_slice %arg8[%add3A_234, %dma_start3A_242] : memref<16384x256xf32, #tpu.memory_space<hbm>> -> memref<128x256xf32, #tpu.memory_space<hbm>>
    %dma_start3A_244 = arith.constant 0 : i32
    %dma_start3A_245 = arith.constant 0 : i32
    %dma_start3A_246 = tpu.memref_slice %arg14[%dma_start3A_235, %dma_start3A_244, %dma_start3A_245] : memref<2x128x256xf32, #tpu.memory_space<vmem>> -> memref<1x128x256xf32, #tpu.memory_space<vmem>>
    %dma_start3A_247 = tpu.memref_squeeze %dma_start3A_246 : memref<1x128x256xf32, #tpu.memory_space<vmem>> -> memref<128x256xf32, #tpu.memory_space<vmem>>
    tpu.enqueue_dma source(%dma_start3A_247 : memref<128x256xf32, #tpu.memory_space<vmem>>) target(%dma_start3A_243 : memref<128x256xf32, #tpu.memory_space<hbm>>) target_semaphore(%arg18 : memref<!tpu.dma_semaphore, #tpu.memory_space<semaphore_mem>>)
    %dma_wait3A_248 = arith.constant 1 : i32
    %dma_wait3A_249 = arith.constant 0 : i32
    %dma_wait3A_250 = arith.constant 0 : i32
    %dma_wait3A_251 = tpu.memref_slice %arg14[%dma_wait3A_248, %dma_wait3A_249, %dma_wait3A_250] : memref<2x128x256xf32, #tpu.memory_space<vmem>> -> memref<1x128x256xf32, #tpu.memory_space<vmem>>
    %dma_wait3A_252 = tpu.memref_squeeze %dma_wait3A_251 : memref<1x128x256xf32, #tpu.memory_space<vmem>> -> memref<128x256xf32, #tpu.memory_space<vmem>>
    %dma_wait3A_253 = arith.constant 0 : i32
    %dma_wait3A_254 = tpu.memref_slice %arg8[%add3A_234, %dma_wait3A_253] : memref<16384x256xf32, #tpu.memory_space<hbm>> -> memref<128x256xf32, #tpu.memory_space<hbm>>
    %dma_wait3A_255 = arith.constant 0 : i32
    %dma_wait3A_256 = tpu.memref_slice %arg8[%add3A_234, %dma_wait3A_255] : memref<16384x256xf32, #tpu.memory_space<hbm>> -> memref<128x256xf32, #tpu.memory_space<hbm>>
    %dma_wait3A_257 = arith.constant 0 : i32
    %dma_wait3A_258 = arith.constant 0 : i32
    %dma_wait3A_259 = tpu.memref_slice %arg14[%dma_wait3A_248, %dma_wait3A_257, %dma_wait3A_258] : memref<2x128x256xf32, #tpu.memory_space<vmem>> -> memref<1x128x256xf32, #tpu.memory_space<vmem>>
    %dma_wait3A_260 = tpu.memref_squeeze %dma_wait3A_259 : memref<1x128x256xf32, #tpu.memory_space<vmem>> -> memref<128x256xf32, #tpu.memory_space<vmem>>
    tpu.wait_dma2 semaphore(%arg18 : memref<!tpu.dma_semaphore, #tpu.memory_space<semaphore_mem>>) src(%dma_wait3A_260 : memref<128x256xf32, #tpu.memory_space<vmem>>) dst(%dma_wait3A_256 : memref<128x256xf32, #tpu.memory_space<hbm>>)
    %dma_start3A_261 = arith.constant 1 : i32
    %dma_start3A_262 = arith.constant 1 : i32
    %dma_start3A_263 = arith.constant 0 : i32
    %dma_start3A_264 = arith.constant 0 : i32
    %dma_start3A_265 = tpu.memref_slice %arg14[%dma_start3A_262, %dma_start3A_263, %dma_start3A_264] : memref<2x128x256xf32, #tpu.memory_space<vmem>> -> memref<1x128x256xf32, #tpu.memory_space<vmem>>
    %dma_start3A_266 = tpu.memref_squeeze %dma_start3A_265 : memref<1x128x256xf32, #tpu.memory_space<vmem>> -> memref<128x256xf32, #tpu.memory_space<vmem>>
    %dma_start3A_267 = arith.constant 0 : i32
    %dma_start3A_268 = tpu.memref_slice %arg12[%dma_start3A_261, %dma_start3A_267] : memref<4x128xi32, #tpu.memory_space<vmem>> -> memref<1x128xi32, #tpu.memory_space<vmem>>
    %dma_start3A_269 = tpu.memref_squeeze %dma_start3A_268 : memref<1x128xi32, #tpu.memory_space<vmem>> -> memref<128xi32, #tpu.memory_space<vmem>>
    %dma_start3A_270 = arith.constant 0 : i32
    %dma_start3A_271 = arith.constant 0 : i32
    %dma_start3A_272 = tpu.memref_slice %arg3[%dma_start3A_270, %dma_start3A_271] : memref<16384x256xf32, #tpu.memory_space<hbm>> -> memref<16384x256xf32, #tpu.memory_space<hbm>>
    tpu.enqueue_indirect_dma source(%dma_start3A_272 : memref<16384x256xf32, #tpu.memory_space<hbm>>) target(%dma_start3A_266 : memref<128x256xf32, #tpu.memory_space<vmem>>) offsets(%dma_start3A_269 : memref<128xi32, #tpu.memory_space<vmem>>) semaphore(%arg16 : memref<!tpu.dma_semaphore, #tpu.memory_space<semaphore_mem>>)
    %dma_wait3A_273 = arith.constant 0 : i32
    %dma_wait3A_274 = arith.constant 0 : i32
    %dma_wait3A_275 = arith.constant 0 : i32
    %dma_wait3A_276 = arith.constant 0 : i32
    %dma_wait3A_277 = tpu.memref_slice %arg14[%dma_wait3A_274, %dma_wait3A_275, %dma_wait3A_276] : memref<2x128x256xf32, #tpu.memory_space<vmem>> -> memref<1x128x256xf32, #tpu.memory_space<vmem>>
    %dma_wait3A_278 = tpu.memref_squeeze %dma_wait3A_277 : memref<1x128x256xf32, #tpu.memory_space<vmem>> -> memref<128x256xf32, #tpu.memory_space<vmem>>
    %dma_wait3A_279 = arith.constant 0 : i32
    %dma_wait3A_280 = tpu.memref_slice %arg12[%dma_wait3A_273, %dma_wait3A_279] : memref<4x128xi32, #tpu.memory_space<vmem>> -> memref<1x128xi32, #tpu.memory_space<vmem>>
    %dma_wait3A_281 = tpu.memref_squeeze %dma_wait3A_280 : memref<1x128xi32, #tpu.memory_space<vmem>> -> memref<128xi32, #tpu.memory_space<vmem>>
    %dma_wait3A_282 = arith.constant 0 : i32
    %dma_wait3A_283 = arith.constant 0 : i32
    %dma_wait3A_284 = tpu.memref_slice %arg3[%dma_wait3A_282, %dma_wait3A_283] : memref<16384x256xf32, #tpu.memory_space<hbm>> -> memref<16384x256xf32, #tpu.memory_space<hbm>>
    tpu.wait_indirect_dma semaphore(%arg15 : memref<!tpu.dma_semaphore, #tpu.memory_space<semaphore_mem>>) src(%dma_wait3A_284 : memref<16384x256xf32, #tpu.memory_space<hbm>>) dst(%dma_wait3A_278 : memref<128x256xf32, #tpu.memory_space<vmem>>)
    %add3A_285 = arith.constant 0 : i32
    %add3A_286 = arith.addi %mul3A_2, %add3A_285 : i32
    %dma_start3A_287 = arith.constant 0 : i32
    %dma_start3A_288 = arith.constant 0 : i32
    %dma_start3A_289 = arith.constant 0 : i32
    %dma_start3A_290 = tpu.memref_slice %arg14[%dma_start3A_287, %dma_start3A_288, %dma_start3A_289] : memref<2x128x256xf32, #tpu.memory_space<vmem>> -> memref<1x128x256xf32, #tpu.memory_space<vmem>>
    %dma_start3A_291 = tpu.memref_squeeze %dma_start3A_290 : memref<1x128x256xf32, #tpu.memory_space<vmem>> -> memref<128x256xf32, #tpu.memory_space<vmem>>
    %dma_start3A_292 = arith.constant 0 : i32
    %dma_start3A_293 = tpu.memref_slice %arg9[%add3A_286, %dma_start3A_292] : memref<16384x256xf32, #tpu.memory_space<hbm>> -> memref<128x256xf32, #tpu.memory_space<hbm>>
    %dma_start3A_294 = arith.constant 0 : i32
    %dma_start3A_295 = tpu.memref_slice %arg9[%add3A_286, %dma_start3A_294] : memref<16384x256xf32, #tpu.memory_space<hbm>> -> memref<128x256xf32, #tpu.memory_space<hbm>>
    %dma_start3A_296 = arith.constant 0 : i32
    %dma_start3A_297 = arith.constant 0 : i32
    %dma_start3A_298 = tpu.memref_slice %arg14[%dma_start3A_287, %dma_start3A_296, %dma_start3A_297] : memref<2x128x256xf32, #tpu.memory_space<vmem>> -> memref<1x128x256xf32, #tpu.memory_space<vmem>>
    %dma_start3A_299 = tpu.memref_squeeze %dma_start3A_298 : memref<1x128x256xf32, #tpu.memory_space<vmem>> -> memref<128x256xf32, #tpu.memory_space<vmem>>
    tpu.enqueue_dma source(%dma_start3A_299 : memref<128x256xf32, #tpu.memory_space<vmem>>) target(%dma_start3A_295 : memref<128x256xf32, #tpu.memory_space<hbm>>) target_semaphore(%arg17 : memref<!tpu.dma_semaphore, #tpu.memory_space<semaphore_mem>>)
    %dma_wait3A_300 = arith.constant 0 : i32
    %dma_wait3A_301 = arith.constant 0 : i32
    %dma_wait3A_302 = arith.constant 0 : i32
    %dma_wait3A_303 = tpu.memref_slice %arg14[%dma_wait3A_300, %dma_wait3A_301, %dma_wait3A_302] : memref<2x128x256xf32, #tpu.memory_space<vmem>> -> memref<1x128x256xf32, #tpu.memory_space<vmem>>
    %dma_wait3A_304 = tpu.memref_squeeze %dma_wait3A_303 : memref<1x128x256xf32, #tpu.memory_space<vmem>> -> memref<128x256xf32, #tpu.memory_space<vmem>>
    %dma_wait3A_305 = arith.constant 0 : i32
    %dma_wait3A_306 = tpu.memref_slice %arg9[%add3A_286, %dma_wait3A_305] : memref<16384x256xf32, #tpu.memory_space<hbm>> -> memref<128x256xf32, #tpu.memory_space<hbm>>
    %dma_wait3A_307 = arith.constant 0 : i32
    %dma_wait3A_308 = tpu.memref_slice %arg9[%add3A_286, %dma_wait3A_307] : memref<16384x256xf32, #tpu.memory_space<hbm>> -> memref<128x256xf32, #tpu.memory_space<hbm>>
    %dma_wait3A_309 = arith.constant 0 : i32
    %dma_wait3A_310 = arith.constant 0 : i32
    %dma_wait3A_311 = tpu.memref_slice %arg14[%dma_wait3A_300, %dma_wait3A_309, %dma_wait3A_310] : memref<2x128x256xf32, #tpu.memory_space<vmem>> -> memref<1x128x256xf32, #tpu.memory_space<vmem>>
    %dma_wait3A_312 = tpu.memref_squeeze %dma_wait3A_311 : memref<1x128x256xf32, #tpu.memory_space<vmem>> -> memref<128x256xf32, #tpu.memory_space<vmem>>
    tpu.wait_dma2 semaphore(%arg17 : memref<!tpu.dma_semaphore, #tpu.memory_space<semaphore_mem>>) src(%dma_wait3A_312 : memref<128x256xf32, #tpu.memory_space<vmem>>) dst(%dma_wait3A_308 : memref<128x256xf32, #tpu.memory_space<hbm>>)
    %dma_start3A_313 = arith.constant 2 : i32
    %dma_start3A_314 = arith.constant 0 : i32
    %dma_start3A_315 = arith.constant 0 : i32
    %dma_start3A_316 = arith.constant 0 : i32
    %dma_start3A_317 = tpu.memref_slice %arg14[%dma_start3A_314, %dma_start3A_315, %dma_start3A_316] : memref<2x128x256xf32, #tpu.memory_space<vmem>> -> memref<1x128x256xf32, #tpu.memory_space<vmem>>
    %dma_start3A_318 = tpu.memref_squeeze %dma_start3A_317 : memref<1x128x256xf32, #tpu.memory_space<vmem>> -> memref<128x256xf32, #tpu.memory_space<vmem>>
    %dma_start3A_319 = arith.constant 0 : i32
    %dma_start3A_320 = tpu.memref_slice %arg12[%dma_start3A_313, %dma_start3A_319] : memref<4x128xi32, #tpu.memory_space<vmem>> -> memref<1x128xi32, #tpu.memory_space<vmem>>
    %dma_start3A_321 = tpu.memref_squeeze %dma_start3A_320 : memref<1x128xi32, #tpu.memory_space<vmem>> -> memref<128xi32, #tpu.memory_space<vmem>>
    %dma_start3A_322 = arith.constant 0 : i32
    %dma_start3A_323 = arith.constant 0 : i32
    %dma_start3A_324 = tpu.memref_slice %arg3[%dma_start3A_322, %dma_start3A_323] : memref<16384x256xf32, #tpu.memory_space<hbm>> -> memref<16384x256xf32, #tpu.memory_space<hbm>>
    tpu.enqueue_indirect_dma source(%dma_start3A_324 : memref<16384x256xf32, #tpu.memory_space<hbm>>) target(%dma_start3A_318 : memref<128x256xf32, #tpu.memory_space<vmem>>) offsets(%dma_start3A_321 : memref<128xi32, #tpu.memory_space<vmem>>) semaphore(%arg15 : memref<!tpu.dma_semaphore, #tpu.memory_space<semaphore_mem>>)
    %dma_wait3A_325 = arith.constant 1 : i32
    %dma_wait3A_326 = arith.constant 1 : i32
    %dma_wait3A_327 = arith.constant 0 : i32
    %dma_wait3A_328 = arith.constant 0 : i32
    %dma_wait3A_329 = tpu.memref_slice %arg14[%dma_wait3A_326, %dma_wait3A_327, %dma_wait3A_328] : memref<2x128x256xf32, #tpu.memory_space<vmem>> -> memref<1x128x256xf32, #tpu.memory_space<vmem>>
    %dma_wait3A_330 = tpu.memref_squeeze %dma_wait3A_329 : memref<1x128x256xf32, #tpu.memory_space<vmem>> -> memref<128x256xf32, #tpu.memory_space<vmem>>
    %dma_wait3A_331 = arith.constant 0 : i32
    %dma_wait3A_332 = tpu.memref_slice %arg12[%dma_wait3A_325, %dma_wait3A_331] : memref<4x128xi32, #tpu.memory_space<vmem>> -> memref<1x128xi32, #tpu.memory_space<vmem>>
    %dma_wait3A_333 = tpu.memref_squeeze %dma_wait3A_332 : memref<1x128xi32, #tpu.memory_space<vmem>> -> memref<128xi32, #tpu.memory_space<vmem>>
    %dma_wait3A_334 = arith.constant 0 : i32
    %dma_wait3A_335 = arith.constant 0 : i32
    %dma_wait3A_336 = tpu.memref_slice %arg3[%dma_wait3A_334, %dma_wait3A_335] : memref<16384x256xf32, #tpu.memory_space<hbm>> -> memref<16384x256xf32, #tpu.memory_space<hbm>>
    tpu.wait_indirect_dma semaphore(%arg16 : memref<!tpu.dma_semaphore, #tpu.memory_space<semaphore_mem>>) src(%dma_wait3A_336 : memref<16384x256xf32, #tpu.memory_space<hbm>>) dst(%dma_wait3A_330 : memref<128x256xf32, #tpu.memory_space<vmem>>)
    %add3A_337 = arith.constant 128 : i32
    %add3A_338 = arith.addi %mul3A_2, %add3A_337 : i32
    %dma_start3A_339 = arith.constant 1 : i32
    %dma_start3A_340 = arith.constant 0 : i32
    %dma_start3A_341 = arith.constant 0 : i32
    %dma_start3A_342 = tpu.memref_slice %arg14[%dma_start3A_339, %dma_start3A_340, %dma_start3A_341] : memref<2x128x256xf32, #tpu.memory_space<vmem>> -> memref<1x128x256xf32, #tpu.memory_space<vmem>>
    %dma_start3A_343 = tpu.memref_squeeze %dma_start3A_342 : memref<1x128x256xf32, #tpu.memory_space<vmem>> -> memref<128x256xf32, #tpu.memory_space<vmem>>
    %dma_start3A_344 = arith.constant 0 : i32
    %dma_start3A_345 = tpu.memref_slice %arg9[%add3A_338, %dma_start3A_344] : memref<16384x256xf32, #tpu.memory_space<hbm>> -> memref<128x256xf32, #tpu.memory_space<hbm>>
    %dma_start3A_346 = arith.constant 0 : i32
    %dma_start3A_347 = tpu.memref_slice %arg9[%add3A_338, %dma_start3A_346] : memref<16384x256xf32, #tpu.memory_space<hbm>> -> memref<128x256xf32, #tpu.memory_space<hbm>>
    %dma_start3A_348 = arith.constant 0 : i32
    %dma_start3A_349 = arith.constant 0 : i32
    %dma_start3A_350 = tpu.memref_slice %arg14[%dma_start3A_339, %dma_start3A_348, %dma_start3A_349] : memref<2x128x256xf32, #tpu.memory_space<vmem>> -> memref<1x128x256xf32, #tpu.memory_space<vmem>>
    %dma_start3A_351 = tpu.memref_squeeze %dma_start3A_350 : memref<1x128x256xf32, #tpu.memory_space<vmem>> -> memref<128x256xf32, #tpu.memory_space<vmem>>
    tpu.enqueue_dma source(%dma_start3A_351 : memref<128x256xf32, #tpu.memory_space<vmem>>) target(%dma_start3A_347 : memref<128x256xf32, #tpu.memory_space<hbm>>) target_semaphore(%arg18 : memref<!tpu.dma_semaphore, #tpu.memory_space<semaphore_mem>>)
    %dma_wait3A_352 = arith.constant 1 : i32
    %dma_wait3A_353 = arith.constant 0 : i32
    %dma_wait3A_354 = arith.constant 0 : i32
    %dma_wait3A_355 = tpu.memref_slice %arg14[%dma_wait3A_352, %dma_wait3A_353, %dma_wait3A_354] : memref<2x128x256xf32, #tpu.memory_space<vmem>> -> memref<1x128x256xf32, #tpu.memory_space<vmem>>
    %dma_wait3A_356 = tpu.memref_squeeze %dma_wait3A_355 : memref<1x128x256xf32, #tpu.memory_space<vmem>> -> memref<128x256xf32, #tpu.memory_space<vmem>>
    %dma_wait3A_357 = arith.constant 0 : i32
    %dma_wait3A_358 = tpu.memref_slice %arg9[%add3A_338, %dma_wait3A_357] : memref<16384x256xf32, #tpu.memory_space<hbm>> -> memref<128x256xf32, #tpu.memory_space<hbm>>
    %dma_wait3A_359 = arith.constant 0 : i32
    %dma_wait3A_360 = tpu.memref_slice %arg9[%add3A_338, %dma_wait3A_359] : memref<16384x256xf32, #tpu.memory_space<hbm>> -> memref<128x256xf32, #tpu.memory_space<hbm>>
    %dma_wait3A_361 = arith.constant 0 : i32
    %dma_wait3A_362 = arith.constant 0 : i32
    %dma_wait3A_363 = tpu.memref_slice %arg14[%dma_wait3A_352, %dma_wait3A_361, %dma_wait3A_362] : memref<2x128x256xf32, #tpu.memory_space<vmem>> -> memref<1x128x256xf32, #tpu.memory_space<vmem>>
    %dma_wait3A_364 = tpu.memref_squeeze %dma_wait3A_363 : memref<1x128x256xf32, #tpu.memory_space<vmem>> -> memref<128x256xf32, #tpu.memory_space<vmem>>
    tpu.wait_dma2 semaphore(%arg18 : memref<!tpu.dma_semaphore, #tpu.memory_space<semaphore_mem>>) src(%dma_wait3A_364 : memref<128x256xf32, #tpu.memory_space<vmem>>) dst(%dma_wait3A_360 : memref<128x256xf32, #tpu.memory_space<hbm>>)
    %dma_start3A_365 = arith.constant 3 : i32
    %dma_start3A_366 = arith.constant 1 : i32
    %dma_start3A_367 = arith.constant 0 : i32
    %dma_start3A_368 = arith.constant 0 : i32
    %dma_start3A_369 = tpu.memref_slice %arg14[%dma_start3A_366, %dma_start3A_367, %dma_start3A_368] : memref<2x128x256xf32, #tpu.memory_space<vmem>> -> memref<1x128x256xf32, #tpu.memory_space<vmem>>
    %dma_start3A_370 = tpu.memref_squeeze %dma_start3A_369 : memref<1x128x256xf32, #tpu.memory_space<vmem>> -> memref<128x256xf32, #tpu.memory_space<vmem>>
    %dma_start3A_371 = arith.constant 0 : i32
    %dma_start3A_372 = tpu.memref_slice %arg12[%dma_start3A_365, %dma_start3A_371] : memref<4x128xi32, #tpu.memory_space<vmem>> -> memref<1x128xi32, #tpu.memory_space<vmem>>
    %dma_start3A_373 = tpu.memref_squeeze %dma_start3A_372 : memref<1x128xi32, #tpu.memory_space<vmem>> -> memref<128xi32, #tpu.memory_space<vmem>>
    %dma_start3A_374 = arith.constant 0 : i32
    %dma_start3A_375 = arith.constant 0 : i32
    %dma_start3A_376 = tpu.memref_slice %arg3[%dma_start3A_374, %dma_start3A_375] : memref<16384x256xf32, #tpu.memory_space<hbm>> -> memref<16384x256xf32, #tpu.memory_space<hbm>>
    tpu.enqueue_indirect_dma source(%dma_start3A_376 : memref<16384x256xf32, #tpu.memory_space<hbm>>) target(%dma_start3A_370 : memref<128x256xf32, #tpu.memory_space<vmem>>) offsets(%dma_start3A_373 : memref<128xi32, #tpu.memory_space<vmem>>) semaphore(%arg16 : memref<!tpu.dma_semaphore, #tpu.memory_space<semaphore_mem>>)
    %dma_wait3A_377 = arith.constant 2 : i32
    %dma_wait3A_378 = arith.constant 0 : i32
    %dma_wait3A_379 = arith.constant 0 : i32
    %dma_wait3A_380 = arith.constant 0 : i32
    %dma_wait3A_381 = tpu.memref_slice %arg14[%dma_wait3A_378, %dma_wait3A_379, %dma_wait3A_380] : memref<2x128x256xf32, #tpu.memory_space<vmem>> -> memref<1x128x256xf32, #tpu.memory_space<vmem>>
    %dma_wait3A_382 = tpu.memref_squeeze %dma_wait3A_381 : memref<1x128x256xf32, #tpu.memory_space<vmem>> -> memref<128x256xf32, #tpu.memory_space<vmem>>
    %dma_wait3A_383 = arith.constant 0 : i32
    %dma_wait3A_384 = tpu.memref_slice %arg12[%dma_wait3A_377, %dma_wait3A_383] : memref<4x128xi32, #tpu.memory_space<vmem>> -> memref<1x128xi32, #tpu.memory_space<vmem>>
    %dma_wait3A_385 = tpu.memref_squeeze %dma_wait3A_384 : memref<1x128xi32, #tpu.memory_space<vmem>> -> memref<128xi32, #tpu.memory_space<vmem>>
    %dma_wait3A_386 = arith.constant 0 : i32
    %dma_wait3A_387 = arith.constant 0 : i32
    %dma_wait3A_388 = tpu.memref_slice %arg3[%dma_wait3A_386, %dma_wait3A_387] : memref<16384x256xf32, #tpu.memory_space<hbm>> -> memref<16384x256xf32, #tpu.memory_space<hbm>>
    tpu.wait_indirect_dma semaphore(%arg15 : memref<!tpu.dma_semaphore, #tpu.memory_space<semaphore_mem>>) src(%dma_wait3A_388 : memref<16384x256xf32, #tpu.memory_space<hbm>>) dst(%dma_wait3A_382 : memref<128x256xf32, #tpu.memory_space<vmem>>)
    %add3A_389 = arith.constant 256 : i32
    %add3A_390 = arith.addi %mul3A_2, %add3A_389 : i32
    %dma_start3A_391 = arith.constant 0 : i32
    %dma_start3A_392 = arith.constant 0 : i32
    %dma_start3A_393 = arith.constant 0 : i32
    %dma_start3A_394 = tpu.memref_slice %arg14[%dma_start3A_391, %dma_start3A_392, %dma_start3A_393] : memref<2x128x256xf32, #tpu.memory_space<vmem>> -> memref<1x128x256xf32, #tpu.memory_space<vmem>>
    %dma_start3A_395 = tpu.memref_squeeze %dma_start3A_394 : memref<1x128x256xf32, #tpu.memory_space<vmem>> -> memref<128x256xf32, #tpu.memory_space<vmem>>
    %dma_start3A_396 = arith.constant 0 : i32
    %dma_start3A_397 = tpu.memref_slice %arg9[%add3A_390, %dma_start3A_396] : memref<16384x256xf32, #tpu.memory_space<hbm>> -> memref<128x256xf32, #tpu.memory_space<hbm>>
    %dma_start3A_398 = arith.constant 0 : i32
    %dma_start3A_399 = tpu.memref_slice %arg9[%add3A_390, %dma_start3A_398] : memref<16384x256xf32, #tpu.memory_space<hbm>> -> memref<128x256xf32, #tpu.memory_space<hbm>>
    %dma_start3A_400 = arith.constant 0 : i32
    %dma_start3A_401 = arith.constant 0 : i32
    %dma_start3A_402 = tpu.memref_slice %arg14[%dma_start3A_391, %dma_start3A_400, %dma_start3A_401] : memref<2x128x256xf32, #tpu.memory_space<vmem>> -> memref<1x128x256xf32, #tpu.memory_space<vmem>>
    %dma_start3A_403 = tpu.memref_squeeze %dma_start3A_402 : memref<1x128x256xf32, #tpu.memory_space<vmem>> -> memref<128x256xf32, #tpu.memory_space<vmem>>
    tpu.enqueue_dma source(%dma_start3A_403 : memref<128x256xf32, #tpu.memory_space<vmem>>) target(%dma_start3A_399 : memref<128x256xf32, #tpu.memory_space<hbm>>) target_semaphore(%arg17 : memref<!tpu.dma_semaphore, #tpu.memory_space<semaphore_mem>>)
    %dma_wait3A_404 = arith.constant 3 : i32
    %dma_wait3A_405 = arith.constant 1 : i32
    %dma_wait3A_406 = arith.constant 0 : i32
    %dma_wait3A_407 = arith.constant 0 : i32
    %dma_wait3A_408 = tpu.memref_slice %arg14[%dma_wait3A_405, %dma_wait3A_406, %dma_wait3A_407] : memref<2x128x256xf32, #tpu.memory_space<vmem>> -> memref<1x128x256xf32, #tpu.memory_space<vmem>>
    %dma_wait3A_409 = tpu.memref_squeeze %dma_wait3A_408 : memref<1x128x256xf32, #tpu.memory_space<vmem>> -> memref<128x256xf32, #tpu.memory_space<vmem>>
    %dma_wait3A_410 = arith.constant 0 : i32
    %dma_wait3A_411 = tpu.memref_slice %arg12[%dma_wait3A_404, %dma_wait3A_410] : memref<4x128xi32, #tpu.memory_space<vmem>> -> memref<1x128xi32, #tpu.memory_space<vmem>>
    %dma_wait3A_412 = tpu.memref_squeeze %dma_wait3A_411 : memref<1x128xi32, #tpu.memory_space<vmem>> -> memref<128xi32, #tpu.memory_space<vmem>>
    %dma_wait3A_413 = arith.constant 0 : i32
    %dma_wait3A_414 = arith.constant 0 : i32
    %dma_wait3A_415 = tpu.memref_slice %arg3[%dma_wait3A_413, %dma_wait3A_414] : memref<16384x256xf32, #tpu.memory_space<hbm>> -> memref<16384x256xf32, #tpu.memory_space<hbm>>
    tpu.wait_indirect_dma semaphore(%arg16 : memref<!tpu.dma_semaphore, #tpu.memory_space<semaphore_mem>>) src(%dma_wait3A_415 : memref<16384x256xf32, #tpu.memory_space<hbm>>) dst(%dma_wait3A_409 : memref<128x256xf32, #tpu.memory_space<vmem>>)
    %add3A_416 = arith.constant 384 : i32
    %add3A_417 = arith.addi %mul3A_2, %add3A_416 : i32
    %dma_start3A_418 = arith.constant 1 : i32
    %dma_start3A_419 = arith.constant 0 : i32
    %dma_start3A_420 = arith.constant 0 : i32
    %dma_start3A_421 = tpu.memref_slice %arg14[%dma_start3A_418, %dma_start3A_419, %dma_start3A_420] : memref<2x128x256xf32, #tpu.memory_space<vmem>> -> memref<1x128x256xf32, #tpu.memory_space<vmem>>
    %dma_start3A_422 = tpu.memref_squeeze %dma_start3A_421 : memref<1x128x256xf32, #tpu.memory_space<vmem>> -> memref<128x256xf32, #tpu.memory_space<vmem>>
    %dma_start3A_423 = arith.constant 0 : i32
    %dma_start3A_424 = tpu.memref_slice %arg9[%add3A_417, %dma_start3A_423] : memref<16384x256xf32, #tpu.memory_space<hbm>> -> memref<128x256xf32, #tpu.memory_space<hbm>>
    %dma_start3A_425 = arith.constant 0 : i32
    %dma_start3A_426 = tpu.memref_slice %arg9[%add3A_417, %dma_start3A_425] : memref<16384x256xf32, #tpu.memory_space<hbm>> -> memref<128x256xf32, #tpu.memory_space<hbm>>
    %dma_start3A_427 = arith.constant 0 : i32
    %dma_start3A_428 = arith.constant 0 : i32
    %dma_start3A_429 = tpu.memref_slice %arg14[%dma_start3A_418, %dma_start3A_427, %dma_start3A_428] : memref<2x128x256xf32, #tpu.memory_space<vmem>> -> memref<1x128x256xf32, #tpu.memory_space<vmem>>
    %dma_start3A_430 = tpu.memref_squeeze %dma_start3A_429 : memref<1x128x256xf32, #tpu.memory_space<vmem>> -> memref<128x256xf32, #tpu.memory_space<vmem>>
    tpu.enqueue_dma source(%dma_start3A_430 : memref<128x256xf32, #tpu.memory_space<vmem>>) target(%dma_start3A_426 : memref<128x256xf32, #tpu.memory_space<hbm>>) target_semaphore(%arg18 : memref<!tpu.dma_semaphore, #tpu.memory_space<semaphore_mem>>)
    %dma_wait3A_431 = arith.constant 0 : i32
    %dma_wait3A_432 = arith.constant 0 : i32
    %dma_wait3A_433 = arith.constant 0 : i32
    %dma_wait3A_434 = tpu.memref_slice %arg14[%dma_wait3A_431, %dma_wait3A_432, %dma_wait3A_433] : memref<2x128x256xf32, #tpu.memory_space<vmem>> -> memref<1x128x256xf32, #tpu.memory_space<vmem>>
    %dma_wait3A_435 = tpu.memref_squeeze %dma_wait3A_434 : memref<1x128x256xf32, #tpu.memory_space<vmem>> -> memref<128x256xf32, #tpu.memory_space<vmem>>
    %dma_wait3A_436 = arith.constant 0 : i32
    %dma_wait3A_437 = tpu.memref_slice %arg9[%add3A_390, %dma_wait3A_436] : memref<16384x256xf32, #tpu.memory_space<hbm>> -> memref<128x256xf32, #tpu.memory_space<hbm>>
    %dma_wait3A_438 = arith.constant 0 : i32
    %dma_wait3A_439 = tpu.memref_slice %arg9[%add3A_390, %dma_wait3A_438] : memref<16384x256xf32, #tpu.memory_space<hbm>> -> memref<128x256xf32, #tpu.memory_space<hbm>>
    %dma_wait3A_440 = arith.constant 0 : i32
    %dma_wait3A_441 = arith.constant 0 : i32
    %dma_wait3A_442 = tpu.memref_slice %arg14[%dma_wait3A_431, %dma_wait3A_440, %dma_wait3A_441] : memref<2x128x256xf32, #tpu.memory_space<vmem>> -> memref<1x128x256xf32, #tpu.memory_space<vmem>>
    %dma_wait3A_443 = tpu.memref_squeeze %dma_wait3A_442 : memref<1x128x256xf32, #tpu.memory_space<vmem>> -> memref<128x256xf32, #tpu.memory_space<vmem>>
    tpu.wait_dma2 semaphore(%arg17 : memref<!tpu.dma_semaphore, #tpu.memory_space<semaphore_mem>>) src(%dma_wait3A_443 : memref<128x256xf32, #tpu.memory_space<vmem>>) dst(%dma_wait3A_439 : memref<128x256xf32, #tpu.memory_space<hbm>>)
    %dma_wait3A_444 = arith.constant 1 : i32
    %dma_wait3A_445 = arith.constant 0 : i32
    %dma_wait3A_446 = arith.constant 0 : i32
    %dma_wait3A_447 = tpu.memref_slice %arg14[%dma_wait3A_444, %dma_wait3A_445, %dma_wait3A_446] : memref<2x128x256xf32, #tpu.memory_space<vmem>> -> memref<1x128x256xf32, #tpu.memory_space<vmem>>
    %dma_wait3A_448 = tpu.memref_squeeze %dma_wait3A_447 : memref<1x128x256xf32, #tpu.memory_space<vmem>> -> memref<128x256xf32, #tpu.memory_space<vmem>>
    %dma_wait3A_449 = arith.constant 0 : i32
    %dma_wait3A_450 = tpu.memref_slice %arg9[%add3A_417, %dma_wait3A_449] : memref<16384x256xf32, #tpu.memory_space<hbm>> -> memref<128x256xf32, #tpu.memory_space<hbm>>
    %dma_wait3A_451 = arith.constant 0 : i32
    %dma_wait3A_452 = tpu.memref_slice %arg9[%add3A_417, %dma_wait3A_451] : memref<16384x256xf32, #tpu.memory_space<hbm>> -> memref<128x256xf32, #tpu.memory_space<hbm>>
    %dma_wait3A_453 = arith.constant 0 : i32
    %dma_wait3A_454 = arith.constant 0 : i32
    %dma_wait3A_455 = tpu.memref_slice %arg14[%dma_wait3A_444, %dma_wait3A_453, %dma_wait3A_454] : memref<2x128x256xf32, #tpu.memory_space<vmem>> -> memref<1x128x256xf32, #tpu.memory_space<vmem>>
    %dma_wait3A_456 = tpu.memref_squeeze %dma_wait3A_455 : memref<1x128x256xf32, #tpu.memory_space<vmem>> -> memref<128x256xf32, #tpu.memory_space<vmem>>
    tpu.wait_dma2 semaphore(%arg18 : memref<!tpu.dma_semaphore, #tpu.memory_space<semaphore_mem>>) src(%dma_wait3A_456 : memref<128x256xf32, #tpu.memory_space<vmem>>) dst(%dma_wait3A_452 : memref<128x256xf32, #tpu.memory_space<hbm>>)
    %dma_wait3A_457 = arith.constant 0 : i32
    %dma_wait3A_458 = arith.constant 0 : i32
    %dma_wait3A_459 = arith.constant 0 : i32
    %dma_wait3A_460 = tpu.memref_slice %arg13[%dma_wait3A_457, %dma_wait3A_459] : memref<4x128xf32, #tpu.memory_space<vmem>> -> memref<1x128xf32, #tpu.memory_space<vmem>>
    %dma_wait3A_461 = tpu.memref_squeeze %dma_wait3A_460 : memref<1x128xf32, #tpu.memory_space<vmem>> -> memref<128xf32, #tpu.memory_space<vmem>>
    %dma_wait3A_462 = arith.constant 0 : i32
    %dma_wait3A_463 = tpu.memref_slice %arg11[%dma_wait3A_458, %dma_wait3A_462] : memref<4x128xi32, #tpu.memory_space<vmem>> -> memref<1x128xi32, #tpu.memory_space<vmem>>
    %dma_wait3A_464 = tpu.memref_squeeze %dma_wait3A_463 : memref<1x128xi32, #tpu.memory_space<vmem>> -> memref<128xi32, #tpu.memory_space<vmem>>
    %dma_wait3A_465 = arith.constant 0 : i32
    %dma_wait3A_466 = tpu.memref_slice %arg7[%dma_wait3A_465] : memref<100000xf32, #tpu.memory_space<hbm>> -> memref<100000xf32, #tpu.memory_space<hbm>>
    tpu.wait_indirect_dma semaphore(%arg19 : memref<!tpu.dma_semaphore, #tpu.memory_space<semaphore_mem>>) src(%dma_wait3A_461 : memref<128xf32, #tpu.memory_space<vmem>>) dst(%dma_wait3A_466 : memref<100000xf32, #tpu.memory_space<hbm>>)
    %dma_wait3A_467 = arith.constant 1 : i32
    %dma_wait3A_468 = arith.constant 1 : i32
    %dma_wait3A_469 = arith.constant 0 : i32
    %dma_wait3A_470 = tpu.memref_slice %arg13[%dma_wait3A_467, %dma_wait3A_469] : memref<4x128xf32, #tpu.memory_space<vmem>> -> memref<1x128xf32, #tpu.memory_space<vmem>>
    %dma_wait3A_471 = tpu.memref_squeeze %dma_wait3A_470 : memref<1x128xf32, #tpu.memory_space<vmem>> -> memref<128xf32, #tpu.memory_space<vmem>>
    %dma_wait3A_472 = arith.constant 0 : i32
    %dma_wait3A_473 = tpu.memref_slice %arg11[%dma_wait3A_468, %dma_wait3A_472] : memref<4x128xi32, #tpu.memory_space<vmem>> -> memref<1x128xi32, #tpu.memory_space<vmem>>
    %dma_wait3A_474 = tpu.memref_squeeze %dma_wait3A_473 : memref<1x128xi32, #tpu.memory_space<vmem>> -> memref<128xi32, #tpu.memory_space<vmem>>
    %dma_wait3A_475 = arith.constant 0 : i32
    %dma_wait3A_476 = tpu.memref_slice %arg7[%dma_wait3A_475] : memref<100000xf32, #tpu.memory_space<hbm>> -> memref<100000xf32, #tpu.memory_space<hbm>>
    tpu.wait_indirect_dma semaphore(%arg19 : memref<!tpu.dma_semaphore, #tpu.memory_space<semaphore_mem>>) src(%dma_wait3A_471 : memref<128xf32, #tpu.memory_space<vmem>>) dst(%dma_wait3A_476 : memref<100000xf32, #tpu.memory_space<hbm>>)
    %dma_wait3A_477 = arith.constant 2 : i32
    %dma_wait3A_478 = arith.constant 2 : i32
    %dma_wait3A_479 = arith.constant 0 : i32
    %dma_wait3A_480 = tpu.memref_slice %arg13[%dma_wait3A_477, %dma_wait3A_479] : memref<4x128xf32, #tpu.memory_space<vmem>> -> memref<1x128xf32, #tpu.memory_space<vmem>>
    %dma_wait3A_481 = tpu.memref_squeeze %dma_wait3A_480 : memref<1x128xf32, #tpu.memory_space<vmem>> -> memref<128xf32, #tpu.memory_space<vmem>>
    %dma_wait3A_482 = arith.constant 0 : i32
    %dma_wait3A_483 = tpu.memref_slice %arg11[%dma_wait3A_478, %dma_wait3A_482] : memref<4x128xi32, #tpu.memory_space<vmem>> -> memref<1x128xi32, #tpu.memory_space<vmem>>
    %dma_wait3A_484 = tpu.memref_squeeze %dma_wait3A_483 : memref<1x128xi32, #tpu.memory_space<vmem>> -> memref<128xi32, #tpu.memory_space<vmem>>
    %dma_wait3A_485 = arith.constant 0 : i32
    %dma_wait3A_486 = tpu.memref_slice %arg7[%dma_wait3A_485] : memref<100000xf32, #tpu.memory_space<hbm>> -> memref<100000xf32, #tpu.memory_space<hbm>>
    tpu.wait_indirect_dma semaphore(%arg19 : memref<!tpu.dma_semaphore, #tpu.memory_space<semaphore_mem>>) src(%dma_wait3A_481 : memref<128xf32, #tpu.memory_space<vmem>>) dst(%dma_wait3A_486 : memref<100000xf32, #tpu.memory_space<hbm>>)
    %dma_wait3A_487 = arith.constant 3 : i32
    %dma_wait3A_488 = arith.constant 3 : i32
    %dma_wait3A_489 = arith.constant 0 : i32
    %dma_wait3A_490 = tpu.memref_slice %arg13[%dma_wait3A_487, %dma_wait3A_489] : memref<4x128xf32, #tpu.memory_space<vmem>> -> memref<1x128xf32, #tpu.memory_space<vmem>>
    %dma_wait3A_491 = tpu.memref_squeeze %dma_wait3A_490 : memref<1x128xf32, #tpu.memory_space<vmem>> -> memref<128xf32, #tpu.memory_space<vmem>>
    %dma_wait3A_492 = arith.constant 0 : i32
    %dma_wait3A_493 = tpu.memref_slice %arg11[%dma_wait3A_488, %dma_wait3A_492] : memref<4x128xi32, #tpu.memory_space<vmem>> -> memref<1x128xi32, #tpu.memory_space<vmem>>
    %dma_wait3A_494 = tpu.memref_squeeze %dma_wait3A_493 : memref<1x128xi32, #tpu.memory_space<vmem>> -> memref<128xi32, #tpu.memory_space<vmem>>
    %dma_wait3A_495 = arith.constant 0 : i32
    %dma_wait3A_496 = tpu.memref_slice %arg7[%dma_wait3A_495] : memref<100000xf32, #tpu.memory_space<hbm>> -> memref<100000xf32, #tpu.memory_space<hbm>>
    tpu.wait_indirect_dma semaphore(%arg19 : memref<!tpu.dma_semaphore, #tpu.memory_space<semaphore_mem>>) src(%dma_wait3A_491 : memref<128xf32, #tpu.memory_space<vmem>>) dst(%dma_wait3A_496 : memref<100000xf32, #tpu.memory_space<hbm>>)
    return
  }
}

#map = affine_map<(d0, d1) -> (0, 0)>
#map1 = affine_map<(d0, d1) -> (0, 0, 0)>
module attributes {stable_mosaic.version = 14 : i64} {
  func.func @new_body(%arg0: i32, %arg1: i32, %arg2: memref<16384x256xf32, #tpu.memory_space<hbm>>, %arg3: memref<32x4x128xi32, #tpu.memory_space<hbm>>, %arg4: memref<100000x256xf32, #tpu.memory_space<hbm>>, %arg5: memref<100000x256xf32, #tpu.memory_space<hbm>>, %arg6: memref<4x128xi32, #tpu.memory_space<vmem>>, %arg7: memref<2x128x256xf32, #tpu.memory_space<vmem>>, %arg8: memref<!tpu.dma_semaphore, #tpu.memory_space<semaphore_mem>>, %arg9: memref<!tpu.dma_semaphore, #tpu.memory_space<semaphore_mem>>, %arg10: memref<!tpu.dma_semaphore, #tpu.memory_space<semaphore_mem>>, %arg11: memref<!tpu.dma_semaphore, #tpu.memory_space<semaphore_mem>>) attributes {dimension_semantics = [#tpu.dimension_semantics<core_parallel>, #tpu.dimension_semantics<subcore_parallel>], iteration_bounds = array<i64: 2, 16>, scalar_prefetch = 0 : i64, scratch_operands = 6 : i64, tpu.core_type = #tpu.core_type<sc_vector_subcore>, window_params = [{transform_indices = #map}, {transform_indices = #map1}, {transform_indices = #map}, {transform_indices = #map}]} {
    %mul3A = arith.constant 2 : i32
    %mul3A_0 = arith.muli %arg1, %mul3A : i32
    %add3A = arith.addi %mul3A_0, %arg0 : i32
    %mul3A_1 = arith.constant 512 : i32
    %mul3A_2 = arith.muli %add3A, %mul3A_1 : i32
    "tpu.region"() ({
      %run_scoped3A = tpu.sem_alloc : memref<!tpu.dma_semaphore, #tpu.memory_space<semaphore_mem>>
      %dma_start3A_207 = arith.constant 0 : i32
      %dma_start3A_208 = arith.constant 0 : i32
      %dma_start3A_209 = tpu.memref_slice %arg3[%add3A, %dma_start3A_207, %dma_start3A_208] : memref<32x4x128xi32, #tpu.memory_space<hbm>> -> memref<1x4x128xi32, #tpu.memory_space<hbm>>
      %dma_start3A_210 = tpu.memref_squeeze %dma_start3A_209 : memref<1x4x128xi32, #tpu.memory_space<hbm>> -> memref<4x128xi32, #tpu.memory_space<hbm>>
      %dma_start3A_211 = arith.constant 0 : i32
      %dma_start3A_212 = arith.constant 0 : i32
      %dma_start3A_213 = tpu.memref_slice %arg3[%add3A, %dma_start3A_211, %dma_start3A_212] : memref<32x4x128xi32, #tpu.memory_space<hbm>> -> memref<1x4x128xi32, #tpu.memory_space<hbm>>
      %dma_start3A_214 = tpu.memref_squeeze %dma_start3A_213 : memref<1x4x128xi32, #tpu.memory_space<hbm>> -> memref<4x128xi32, #tpu.memory_space<hbm>>
      tpu.enqueue_dma source(%dma_start3A_214 : memref<4x128xi32, #tpu.memory_space<hbm>>) target(%arg6 : memref<4x128xi32, #tpu.memory_space<vmem>>) target_semaphore(%run_scoped3A : memref<!tpu.dma_semaphore, #tpu.memory_space<semaphore_mem>>)
      %dma_wait3A_215 = arith.constant 0 : i32
      %dma_wait3A_216 = arith.constant 0 : i32
      %dma_wait3A_217 = tpu.memref_slice %arg3[%add3A, %dma_wait3A_215, %dma_wait3A_216] : memref<32x4x128xi32, #tpu.memory_space<hbm>> -> memref<1x4x128xi32, #tpu.memory_space<hbm>>
      %dma_wait3A_218 = tpu.memref_squeeze %dma_wait3A_217 : memref<1x4x128xi32, #tpu.memory_space<hbm>> -> memref<4x128xi32, #tpu.memory_space<hbm>>
      %dma_wait3A_219 = arith.constant 0 : i32
      %dma_wait3A_220 = arith.constant 0 : i32
      %dma_wait3A_221 = tpu.memref_slice %arg3[%add3A, %dma_wait3A_219, %dma_wait3A_220] : memref<32x4x128xi32, #tpu.memory_space<hbm>> -> memref<1x4x128xi32, #tpu.memory_space<hbm>>
      %dma_wait3A_222 = tpu.memref_squeeze %dma_wait3A_221 : memref<1x4x128xi32, #tpu.memory_space<hbm>> -> memref<4x128xi32, #tpu.memory_space<hbm>>
      tpu.wait_dma2 semaphore(%run_scoped3A : memref<!tpu.dma_semaphore, #tpu.memory_space<semaphore_mem>>) src(%dma_wait3A_222 : memref<4x128xi32, #tpu.memory_space<hbm>>) dst(%arg6 : memref<4x128xi32, #tpu.memory_space<vmem>>)
      tpu.yield
    }) : () -> ()
    %dma_start3A = arith.constant 0 : i32
    %dma_start3A_3 = arith.constant 0 : i32
    %dma_start3A_4 = arith.constant 0 : i32
    %dma_start3A_5 = tpu.memref_slice %arg7[%dma_start3A, %dma_start3A_3, %dma_start3A_4] : memref<2x128x256xf32, #tpu.memory_space<vmem>> -> memref<1x128x256xf32, #tpu.memory_space<vmem>>
    %dma_start3A_6 = tpu.memref_squeeze %dma_start3A_5 : memref<1x128x256xf32, #tpu.memory_space<vmem>> -> memref<128x256xf32, #tpu.memory_space<vmem>>
    %dma_start3A_7 = arith.constant 0 : i32
    %dma_start3A_8 = tpu.memref_slice %arg2[%mul3A_2, %dma_start3A_7] : memref<16384x256xf32, #tpu.memory_space<hbm>> -> memref<128x256xf32, #tpu.memory_space<hbm>>
    %dma_start3A_9 = arith.constant 0 : i32
    %dma_start3A_10 = arith.constant 0 : i32
    %dma_start3A_11 = tpu.memref_slice %arg7[%dma_start3A, %dma_start3A_9, %dma_start3A_10] : memref<2x128x256xf32, #tpu.memory_space<vmem>> -> memref<1x128x256xf32, #tpu.memory_space<vmem>>
    %dma_start3A_12 = tpu.memref_squeeze %dma_start3A_11 : memref<1x128x256xf32, #tpu.memory_space<vmem>> -> memref<128x256xf32, #tpu.memory_space<vmem>>
    %dma_start3A_13 = arith.constant 0 : i32
    %dma_start3A_14 = tpu.memref_slice %arg2[%mul3A_2, %dma_start3A_13] : memref<16384x256xf32, #tpu.memory_space<hbm>> -> memref<128x256xf32, #tpu.memory_space<hbm>>
    tpu.enqueue_dma source(%dma_start3A_14 : memref<128x256xf32, #tpu.memory_space<hbm>>) target(%dma_start3A_12 : memref<128x256xf32, #tpu.memory_space<vmem>>) target_semaphore(%arg8 : memref<!tpu.dma_semaphore, #tpu.memory_space<semaphore_mem>>)
    %add3A_15 = arith.constant 128 : i32
    %add3A_16 = arith.addi %mul3A_2, %add3A_15 : i32
    %dma_start3A_17 = arith.constant 1 : i32
    %dma_start3A_18 = arith.constant 0 : i32
    %dma_start3A_19 = arith.constant 0 : i32
    %dma_start3A_20 = tpu.memref_slice %arg7[%dma_start3A_17, %dma_start3A_18, %dma_start3A_19] : memref<2x128x256xf32, #tpu.memory_space<vmem>> -> memref<1x128x256xf32, #tpu.memory_space<vmem>>
    %dma_start3A_21 = tpu.memref_squeeze %dma_start3A_20 : memref<1x128x256xf32, #tpu.memory_space<vmem>> -> memref<128x256xf32, #tpu.memory_space<vmem>>
    %dma_start3A_22 = arith.constant 0 : i32
    %dma_start3A_23 = tpu.memref_slice %arg2[%add3A_16, %dma_start3A_22] : memref<16384x256xf32, #tpu.memory_space<hbm>> -> memref<128x256xf32, #tpu.memory_space<hbm>>
    %dma_start3A_24 = arith.constant 0 : i32
    %dma_start3A_25 = arith.constant 0 : i32
    %dma_start3A_26 = tpu.memref_slice %arg7[%dma_start3A_17, %dma_start3A_24, %dma_start3A_25] : memref<2x128x256xf32, #tpu.memory_space<vmem>> -> memref<1x128x256xf32, #tpu.memory_space<vmem>>
    %dma_start3A_27 = tpu.memref_squeeze %dma_start3A_26 : memref<1x128x256xf32, #tpu.memory_space<vmem>> -> memref<128x256xf32, #tpu.memory_space<vmem>>
    %dma_start3A_28 = arith.constant 0 : i32
    %dma_start3A_29 = tpu.memref_slice %arg2[%add3A_16, %dma_start3A_28] : memref<16384x256xf32, #tpu.memory_space<hbm>> -> memref<128x256xf32, #tpu.memory_space<hbm>>
    tpu.enqueue_dma source(%dma_start3A_29 : memref<128x256xf32, #tpu.memory_space<hbm>>) target(%dma_start3A_27 : memref<128x256xf32, #tpu.memory_space<vmem>>) target_semaphore(%arg9 : memref<!tpu.dma_semaphore, #tpu.memory_space<semaphore_mem>>)
    %dma_wait3A = arith.constant 0 : i32
    %dma_wait3A_30 = arith.constant 0 : i32
    %dma_wait3A_31 = arith.constant 0 : i32
    %dma_wait3A_32 = tpu.memref_slice %arg7[%dma_wait3A, %dma_wait3A_30, %dma_wait3A_31] : memref<2x128x256xf32, #tpu.memory_space<vmem>> -> memref<1x128x256xf32, #tpu.memory_space<vmem>>
    %dma_wait3A_33 = tpu.memref_squeeze %dma_wait3A_32 : memref<1x128x256xf32, #tpu.memory_space<vmem>> -> memref<128x256xf32, #tpu.memory_space<vmem>>
    %dma_wait3A_34 = arith.constant 0 : i32
    %dma_wait3A_35 = tpu.memref_slice %arg2[%mul3A_2, %dma_wait3A_34] : memref<16384x256xf32, #tpu.memory_space<hbm>> -> memref<128x256xf32, #tpu.memory_space<hbm>>
    %dma_wait3A_36 = arith.constant 0 : i32
    %dma_wait3A_37 = arith.constant 0 : i32
    %dma_wait3A_38 = tpu.memref_slice %arg7[%dma_wait3A, %dma_wait3A_36, %dma_wait3A_37] : memref<2x128x256xf32, #tpu.memory_space<vmem>> -> memref<1x128x256xf32, #tpu.memory_space<vmem>>
    %dma_wait3A_39 = tpu.memref_squeeze %dma_wait3A_38 : memref<1x128x256xf32, #tpu.memory_space<vmem>> -> memref<128x256xf32, #tpu.memory_space<vmem>>
    %dma_wait3A_40 = arith.constant 0 : i32
    %dma_wait3A_41 = tpu.memref_slice %arg2[%mul3A_2, %dma_wait3A_40] : memref<16384x256xf32, #tpu.memory_space<hbm>> -> memref<128x256xf32, #tpu.memory_space<hbm>>
    tpu.wait_dma2 semaphore(%arg8 : memref<!tpu.dma_semaphore, #tpu.memory_space<semaphore_mem>>) src(%dma_wait3A_41 : memref<128x256xf32, #tpu.memory_space<hbm>>) dst(%dma_wait3A_39 : memref<128x256xf32, #tpu.memory_space<vmem>>)
    %dma_start3A_42 = arith.constant 0 : i32
    %dma_start3A_43 = arith.constant 0 : i32
    %dma_start3A_44 = arith.constant 0 : i32
    %dma_start3A_45 = arith.constant 0 : i32
    %dma_start3A_46 = tpu.memref_slice %arg7[%dma_start3A_42, %dma_start3A_44, %dma_start3A_45] : memref<2x128x256xf32, #tpu.memory_space<vmem>> -> memref<1x128x256xf32, #tpu.memory_space<vmem>>
    %dma_start3A_47 = tpu.memref_squeeze %dma_start3A_46 : memref<1x128x256xf32, #tpu.memory_space<vmem>> -> memref<128x256xf32, #tpu.memory_space<vmem>>
    %dma_start3A_48 = arith.constant 0 : i32
    %dma_start3A_49 = tpu.memref_slice %arg6[%dma_start3A_43, %dma_start3A_48] : memref<4x128xi32, #tpu.memory_space<vmem>> -> memref<1x128xi32, #tpu.memory_space<vmem>>
    %dma_start3A_50 = tpu.memref_squeeze %dma_start3A_49 : memref<1x128xi32, #tpu.memory_space<vmem>> -> memref<128xi32, #tpu.memory_space<vmem>>
    %dma_start3A_51 = arith.constant 0 : i32
    %dma_start3A_52 = arith.constant 0 : i32
    %dma_start3A_53 = tpu.memref_slice %arg4[%dma_start3A_51, %dma_start3A_52] : memref<100000x256xf32, #tpu.memory_space<hbm>> -> memref<100000x256xf32, #tpu.memory_space<hbm>>
    tpu.enqueue_indirect_dma source(%dma_start3A_47 : memref<128x256xf32, #tpu.memory_space<vmem>>) target(%dma_start3A_53 : memref<100000x256xf32, #tpu.memory_space<hbm>>) offsets(%dma_start3A_50 : memref<128xi32, #tpu.memory_space<vmem>>) semaphore(%arg10 : memref<!tpu.dma_semaphore, #tpu.memory_space<semaphore_mem>>)
    %dma_wait3A_54 = arith.constant 0 : i32
    %dma_wait3A_55 = arith.constant 0 : i32
    %dma_wait3A_56 = arith.constant 0 : i32
    %dma_wait3A_57 = arith.constant 0 : i32
    %dma_wait3A_58 = tpu.memref_slice %arg7[%dma_wait3A_54, %dma_wait3A_56, %dma_wait3A_57] : memref<2x128x256xf32, #tpu.memory_space<vmem>> -> memref<1x128x256xf32, #tpu.memory_space<vmem>>
    %dma_wait3A_59 = tpu.memref_squeeze %dma_wait3A_58 : memref<1x128x256xf32, #tpu.memory_space<vmem>> -> memref<128x256xf32, #tpu.memory_space<vmem>>
    %dma_wait3A_60 = arith.constant 0 : i32
    %dma_wait3A_61 = tpu.memref_slice %arg6[%dma_wait3A_55, %dma_wait3A_60] : memref<4x128xi32, #tpu.memory_space<vmem>> -> memref<1x128xi32, #tpu.memory_space<vmem>>
    %dma_wait3A_62 = tpu.memref_squeeze %dma_wait3A_61 : memref<1x128xi32, #tpu.memory_space<vmem>> -> memref<128xi32, #tpu.memory_space<vmem>>
    %dma_wait3A_63 = arith.constant 0 : i32
    %dma_wait3A_64 = arith.constant 0 : i32
    %dma_wait3A_65 = tpu.memref_slice %arg4[%dma_wait3A_63, %dma_wait3A_64] : memref<100000x256xf32, #tpu.memory_space<hbm>> -> memref<100000x256xf32, #tpu.memory_space<hbm>>
    tpu.wait_indirect_dma semaphore(%arg10 : memref<!tpu.dma_semaphore, #tpu.memory_space<semaphore_mem>>) src(%dma_wait3A_59 : memref<128x256xf32, #tpu.memory_space<vmem>>) dst(%dma_wait3A_65 : memref<100000x256xf32, #tpu.memory_space<hbm>>)
    %add3A_66 = arith.constant 256 : i32
    %add3A_67 = arith.addi %mul3A_2, %add3A_66 : i32
    %dma_start3A_68 = arith.constant 0 : i32
    %dma_start3A_69 = arith.constant 0 : i32
    %dma_start3A_70 = arith.constant 0 : i32
    %dma_start3A_71 = tpu.memref_slice %arg7[%dma_start3A_68, %dma_start3A_69, %dma_start3A_70] : memref<2x128x256xf32, #tpu.memory_space<vmem>> -> memref<1x128x256xf32, #tpu.memory_space<vmem>>
    %dma_start3A_72 = tpu.memref_squeeze %dma_start3A_71 : memref<1x128x256xf32, #tpu.memory_space<vmem>> -> memref<128x256xf32, #tpu.memory_space<vmem>>
    %dma_start3A_73 = arith.constant 0 : i32
    %dma_start3A_74 = tpu.memref_slice %arg2[%add3A_67, %dma_start3A_73] : memref<16384x256xf32, #tpu.memory_space<hbm>> -> memref<128x256xf32, #tpu.memory_space<hbm>>
    %dma_start3A_75 = arith.constant 0 : i32
    %dma_start3A_76 = arith.constant 0 : i32
    %dma_start3A_77 = tpu.memref_slice %arg7[%dma_start3A_68, %dma_start3A_75, %dma_start3A_76] : memref<2x128x256xf32, #tpu.memory_space<vmem>> -> memref<1x128x256xf32, #tpu.memory_space<vmem>>
    %dma_start3A_78 = tpu.memref_squeeze %dma_start3A_77 : memref<1x128x256xf32, #tpu.memory_space<vmem>> -> memref<128x256xf32, #tpu.memory_space<vmem>>
    %dma_start3A_79 = arith.constant 0 : i32
    %dma_start3A_80 = tpu.memref_slice %arg2[%add3A_67, %dma_start3A_79] : memref<16384x256xf32, #tpu.memory_space<hbm>> -> memref<128x256xf32, #tpu.memory_space<hbm>>
    tpu.enqueue_dma source(%dma_start3A_80 : memref<128x256xf32, #tpu.memory_space<hbm>>) target(%dma_start3A_78 : memref<128x256xf32, #tpu.memory_space<vmem>>) target_semaphore(%arg8 : memref<!tpu.dma_semaphore, #tpu.memory_space<semaphore_mem>>)
    %dma_wait3A_81 = arith.constant 1 : i32
    %dma_wait3A_82 = arith.constant 0 : i32
    %dma_wait3A_83 = arith.constant 0 : i32
    %dma_wait3A_84 = tpu.memref_slice %arg7[%dma_wait3A_81, %dma_wait3A_82, %dma_wait3A_83] : memref<2x128x256xf32, #tpu.memory_space<vmem>> -> memref<1x128x256xf32, #tpu.memory_space<vmem>>
    %dma_wait3A_85 = tpu.memref_squeeze %dma_wait3A_84 : memref<1x128x256xf32, #tpu.memory_space<vmem>> -> memref<128x256xf32, #tpu.memory_space<vmem>>
    %dma_wait3A_86 = arith.constant 0 : i32
    %dma_wait3A_87 = tpu.memref_slice %arg2[%add3A_16, %dma_wait3A_86] : memref<16384x256xf32, #tpu.memory_space<hbm>> -> memref<128x256xf32, #tpu.memory_space<hbm>>
    %dma_wait3A_88 = arith.constant 0 : i32
    %dma_wait3A_89 = arith.constant 0 : i32
    %dma_wait3A_90 = tpu.memref_slice %arg7[%dma_wait3A_81, %dma_wait3A_88, %dma_wait3A_89] : memref<2x128x256xf32, #tpu.memory_space<vmem>> -> memref<1x128x256xf32, #tpu.memory_space<vmem>>
    %dma_wait3A_91 = tpu.memref_squeeze %dma_wait3A_90 : memref<1x128x256xf32, #tpu.memory_space<vmem>> -> memref<128x256xf32, #tpu.memory_space<vmem>>
    %dma_wait3A_92 = arith.constant 0 : i32
    %dma_wait3A_93 = tpu.memref_slice %arg2[%add3A_16, %dma_wait3A_92] : memref<16384x256xf32, #tpu.memory_space<hbm>> -> memref<128x256xf32, #tpu.memory_space<hbm>>
    tpu.wait_dma2 semaphore(%arg9 : memref<!tpu.dma_semaphore, #tpu.memory_space<semaphore_mem>>) src(%dma_wait3A_93 : memref<128x256xf32, #tpu.memory_space<hbm>>) dst(%dma_wait3A_91 : memref<128x256xf32, #tpu.memory_space<vmem>>)
    %dma_start3A_94 = arith.constant 1 : i32
    %dma_start3A_95 = arith.constant 1 : i32
    %dma_start3A_96 = arith.constant 0 : i32
    %dma_start3A_97 = arith.constant 0 : i32
    %dma_start3A_98 = tpu.memref_slice %arg7[%dma_start3A_94, %dma_start3A_96, %dma_start3A_97] : memref<2x128x256xf32, #tpu.memory_space<vmem>> -> memref<1x128x256xf32, #tpu.memory_space<vmem>>
    %dma_start3A_99 = tpu.memref_squeeze %dma_start3A_98 : memref<1x128x256xf32, #tpu.memory_space<vmem>> -> memref<128x256xf32, #tpu.memory_space<vmem>>
    %dma_start3A_100 = arith.constant 0 : i32
    %dma_start3A_101 = tpu.memref_slice %arg6[%dma_start3A_95, %dma_start3A_100] : memref<4x128xi32, #tpu.memory_space<vmem>> -> memref<1x128xi32, #tpu.memory_space<vmem>>
    %dma_start3A_102 = tpu.memref_squeeze %dma_start3A_101 : memref<1x128xi32, #tpu.memory_space<vmem>> -> memref<128xi32, #tpu.memory_space<vmem>>
    %dma_start3A_103 = arith.constant 0 : i32
    %dma_start3A_104 = arith.constant 0 : i32
    %dma_start3A_105 = tpu.memref_slice %arg4[%dma_start3A_103, %dma_start3A_104] : memref<100000x256xf32, #tpu.memory_space<hbm>> -> memref<100000x256xf32, #tpu.memory_space<hbm>>
    tpu.enqueue_indirect_dma source(%dma_start3A_99 : memref<128x256xf32, #tpu.memory_space<vmem>>) target(%dma_start3A_105 : memref<100000x256xf32, #tpu.memory_space<hbm>>) offsets(%dma_start3A_102 : memref<128xi32, #tpu.memory_space<vmem>>) semaphore(%arg11 : memref<!tpu.dma_semaphore, #tpu.memory_space<semaphore_mem>>)
    %dma_wait3A_106 = arith.constant 1 : i32
    %dma_wait3A_107 = arith.constant 1 : i32
    %dma_wait3A_108 = arith.constant 0 : i32
    %dma_wait3A_109 = arith.constant 0 : i32
    %dma_wait3A_110 = tpu.memref_slice %arg7[%dma_wait3A_106, %dma_wait3A_108, %dma_wait3A_109] : memref<2x128x256xf32, #tpu.memory_space<vmem>> -> memref<1x128x256xf32, #tpu.memory_space<vmem>>
    %dma_wait3A_111 = tpu.memref_squeeze %dma_wait3A_110 : memref<1x128x256xf32, #tpu.memory_space<vmem>> -> memref<128x256xf32, #tpu.memory_space<vmem>>
    %dma_wait3A_112 = arith.constant 0 : i32
    %dma_wait3A_113 = tpu.memref_slice %arg6[%dma_wait3A_107, %dma_wait3A_112] : memref<4x128xi32, #tpu.memory_space<vmem>> -> memref<1x128xi32, #tpu.memory_space<vmem>>
    %dma_wait3A_114 = tpu.memref_squeeze %dma_wait3A_113 : memref<1x128xi32, #tpu.memory_space<vmem>> -> memref<128xi32, #tpu.memory_space<vmem>>
    %dma_wait3A_115 = arith.constant 0 : i32
    %dma_wait3A_116 = arith.constant 0 : i32
    %dma_wait3A_117 = tpu.memref_slice %arg4[%dma_wait3A_115, %dma_wait3A_116] : memref<100000x256xf32, #tpu.memory_space<hbm>> -> memref<100000x256xf32, #tpu.memory_space<hbm>>
    tpu.wait_indirect_dma semaphore(%arg11 : memref<!tpu.dma_semaphore, #tpu.memory_space<semaphore_mem>>) src(%dma_wait3A_111 : memref<128x256xf32, #tpu.memory_space<vmem>>) dst(%dma_wait3A_117 : memref<100000x256xf32, #tpu.memory_space<hbm>>)
    %add3A_118 = arith.constant 384 : i32
    %add3A_119 = arith.addi %mul3A_2, %add3A_118 : i32
    %dma_start3A_120 = arith.constant 1 : i32
    %dma_start3A_121 = arith.constant 0 : i32
    %dma_start3A_122 = arith.constant 0 : i32
    %dma_start3A_123 = tpu.memref_slice %arg7[%dma_start3A_120, %dma_start3A_121, %dma_start3A_122] : memref<2x128x256xf32, #tpu.memory_space<vmem>> -> memref<1x128x256xf32, #tpu.memory_space<vmem>>
    %dma_start3A_124 = tpu.memref_squeeze %dma_start3A_123 : memref<1x128x256xf32, #tpu.memory_space<vmem>> -> memref<128x256xf32, #tpu.memory_space<vmem>>
    %dma_start3A_125 = arith.constant 0 : i32
    %dma_start3A_126 = tpu.memref_slice %arg2[%add3A_119, %dma_start3A_125] : memref<16384x256xf32, #tpu.memory_space<hbm>> -> memref<128x256xf32, #tpu.memory_space<hbm>>
    %dma_start3A_127 = arith.constant 0 : i32
    %dma_start3A_128 = arith.constant 0 : i32
    %dma_start3A_129 = tpu.memref_slice %arg7[%dma_start3A_120, %dma_start3A_127, %dma_start3A_128] : memref<2x128x256xf32, #tpu.memory_space<vmem>> -> memref<1x128x256xf32, #tpu.memory_space<vmem>>
    %dma_start3A_130 = tpu.memref_squeeze %dma_start3A_129 : memref<1x128x256xf32, #tpu.memory_space<vmem>> -> memref<128x256xf32, #tpu.memory_space<vmem>>
    %dma_start3A_131 = arith.constant 0 : i32
    %dma_start3A_132 = tpu.memref_slice %arg2[%add3A_119, %dma_start3A_131] : memref<16384x256xf32, #tpu.memory_space<hbm>> -> memref<128x256xf32, #tpu.memory_space<hbm>>
    tpu.enqueue_dma source(%dma_start3A_132 : memref<128x256xf32, #tpu.memory_space<hbm>>) target(%dma_start3A_130 : memref<128x256xf32, #tpu.memory_space<vmem>>) target_semaphore(%arg9 : memref<!tpu.dma_semaphore, #tpu.memory_space<semaphore_mem>>)
    %dma_wait3A_133 = arith.constant 0 : i32
    %dma_wait3A_134 = arith.constant 0 : i32
    %dma_wait3A_135 = arith.constant 0 : i32
    %dma_wait3A_136 = tpu.memref_slice %arg7[%dma_wait3A_133, %dma_wait3A_134, %dma_wait3A_135] : memref<2x128x256xf32, #tpu.memory_space<vmem>> -> memref<1x128x256xf32, #tpu.memory_space<vmem>>
    %dma_wait3A_137 = tpu.memref_squeeze %dma_wait3A_136 : memref<1x128x256xf32, #tpu.memory_space<vmem>> -> memref<128x256xf32, #tpu.memory_space<vmem>>
    %dma_wait3A_138 = arith.constant 0 : i32
    %dma_wait3A_139 = tpu.memref_slice %arg2[%add3A_67, %dma_wait3A_138] : memref<16384x256xf32, #tpu.memory_space<hbm>> -> memref<128x256xf32, #tpu.memory_space<hbm>>
    %dma_wait3A_140 = arith.constant 0 : i32
    %dma_wait3A_141 = arith.constant 0 : i32
    %dma_wait3A_142 = tpu.memref_slice %arg7[%dma_wait3A_133, %dma_wait3A_140, %dma_wait3A_141] : memref<2x128x256xf32, #tpu.memory_space<vmem>> -> memref<1x128x256xf32, #tpu.memory_space<vmem>>
    %dma_wait3A_143 = tpu.memref_squeeze %dma_wait3A_142 : memref<1x128x256xf32, #tpu.memory_space<vmem>> -> memref<128x256xf32, #tpu.memory_space<vmem>>
    %dma_wait3A_144 = arith.constant 0 : i32
    %dma_wait3A_145 = tpu.memref_slice %arg2[%add3A_67, %dma_wait3A_144] : memref<16384x256xf32, #tpu.memory_space<hbm>> -> memref<128x256xf32, #tpu.memory_space<hbm>>
    tpu.wait_dma2 semaphore(%arg8 : memref<!tpu.dma_semaphore, #tpu.memory_space<semaphore_mem>>) src(%dma_wait3A_145 : memref<128x256xf32, #tpu.memory_space<hbm>>) dst(%dma_wait3A_143 : memref<128x256xf32, #tpu.memory_space<vmem>>)
    %dma_start3A_146 = arith.constant 0 : i32
    %dma_start3A_147 = arith.constant 2 : i32
    %dma_start3A_148 = arith.constant 0 : i32
    %dma_start3A_149 = arith.constant 0 : i32
    %dma_start3A_150 = tpu.memref_slice %arg7[%dma_start3A_146, %dma_start3A_148, %dma_start3A_149] : memref<2x128x256xf32, #tpu.memory_space<vmem>> -> memref<1x128x256xf32, #tpu.memory_space<vmem>>
    %dma_start3A_151 = tpu.memref_squeeze %dma_start3A_150 : memref<1x128x256xf32, #tpu.memory_space<vmem>> -> memref<128x256xf32, #tpu.memory_space<vmem>>
    %dma_start3A_152 = arith.constant 0 : i32
    %dma_start3A_153 = tpu.memref_slice %arg6[%dma_start3A_147, %dma_start3A_152] : memref<4x128xi32, #tpu.memory_space<vmem>> -> memref<1x128xi32, #tpu.memory_space<vmem>>
    %dma_start3A_154 = tpu.memref_squeeze %dma_start3A_153 : memref<1x128xi32, #tpu.memory_space<vmem>> -> memref<128xi32, #tpu.memory_space<vmem>>
    %dma_start3A_155 = arith.constant 0 : i32
    %dma_start3A_156 = arith.constant 0 : i32
    %dma_start3A_157 = tpu.memref_slice %arg4[%dma_start3A_155, %dma_start3A_156] : memref<100000x256xf32, #tpu.memory_space<hbm>> -> memref<100000x256xf32, #tpu.memory_space<hbm>>
    tpu.enqueue_indirect_dma source(%dma_start3A_151 : memref<128x256xf32, #tpu.memory_space<vmem>>) target(%dma_start3A_157 : memref<100000x256xf32, #tpu.memory_space<hbm>>) offsets(%dma_start3A_154 : memref<128xi32, #tpu.memory_space<vmem>>) semaphore(%arg10 : memref<!tpu.dma_semaphore, #tpu.memory_space<semaphore_mem>>)
    %dma_wait3A_158 = arith.constant 1 : i32
    %dma_wait3A_159 = arith.constant 0 : i32
    %dma_wait3A_160 = arith.constant 0 : i32
    %dma_wait3A_161 = tpu.memref_slice %arg7[%dma_wait3A_158, %dma_wait3A_159, %dma_wait3A_160] : memref<2x128x256xf32, #tpu.memory_space<vmem>> -> memref<1x128x256xf32, #tpu.memory_space<vmem>>
    %dma_wait3A_162 = tpu.memref_squeeze %dma_wait3A_161 : memref<1x128x256xf32, #tpu.memory_space<vmem>> -> memref<128x256xf32, #tpu.memory_space<vmem>>
    %dma_wait3A_163 = arith.constant 0 : i32
    %dma_wait3A_164 = tpu.memref_slice %arg2[%add3A_119, %dma_wait3A_163] : memref<16384x256xf32, #tpu.memory_space<hbm>> -> memref<128x256xf32, #tpu.memory_space<hbm>>
    %dma_wait3A_165 = arith.constant 0 : i32
    %dma_wait3A_166 = arith.constant 0 : i32
    %dma_wait3A_167 = tpu.memref_slice %arg7[%dma_wait3A_158, %dma_wait3A_165, %dma_wait3A_166] : memref<2x128x256xf32, #tpu.memory_space<vmem>> -> memref<1x128x256xf32, #tpu.memory_space<vmem>>
    %dma_wait3A_168 = tpu.memref_squeeze %dma_wait3A_167 : memref<1x128x256xf32, #tpu.memory_space<vmem>> -> memref<128x256xf32, #tpu.memory_space<vmem>>
    %dma_wait3A_169 = arith.constant 0 : i32
    %dma_wait3A_170 = tpu.memref_slice %arg2[%add3A_119, %dma_wait3A_169] : memref<16384x256xf32, #tpu.memory_space<hbm>> -> memref<128x256xf32, #tpu.memory_space<hbm>>
    tpu.wait_dma2 semaphore(%arg9 : memref<!tpu.dma_semaphore, #tpu.memory_space<semaphore_mem>>) src(%dma_wait3A_170 : memref<128x256xf32, #tpu.memory_space<hbm>>) dst(%dma_wait3A_168 : memref<128x256xf32, #tpu.memory_space<vmem>>)
    %dma_start3A_171 = arith.constant 1 : i32
    %dma_start3A_172 = arith.constant 3 : i32
    %dma_start3A_173 = arith.constant 0 : i32
    %dma_start3A_174 = arith.constant 0 : i32
    %dma_start3A_175 = tpu.memref_slice %arg7[%dma_start3A_171, %dma_start3A_173, %dma_start3A_174] : memref<2x128x256xf32, #tpu.memory_space<vmem>> -> memref<1x128x256xf32, #tpu.memory_space<vmem>>
    %dma_start3A_176 = tpu.memref_squeeze %dma_start3A_175 : memref<1x128x256xf32, #tpu.memory_space<vmem>> -> memref<128x256xf32, #tpu.memory_space<vmem>>
    %dma_start3A_177 = arith.constant 0 : i32
    %dma_start3A_178 = tpu.memref_slice %arg6[%dma_start3A_172, %dma_start3A_177] : memref<4x128xi32, #tpu.memory_space<vmem>> -> memref<1x128xi32, #tpu.memory_space<vmem>>
    %dma_start3A_179 = tpu.memref_squeeze %dma_start3A_178 : memref<1x128xi32, #tpu.memory_space<vmem>> -> memref<128xi32, #tpu.memory_space<vmem>>
    %dma_start3A_180 = arith.constant 0 : i32
    %dma_start3A_181 = arith.constant 0 : i32
    %dma_start3A_182 = tpu.memref_slice %arg4[%dma_start3A_180, %dma_start3A_181] : memref<100000x256xf32, #tpu.memory_space<hbm>> -> memref<100000x256xf32, #tpu.memory_space<hbm>>
    tpu.enqueue_indirect_dma source(%dma_start3A_176 : memref<128x256xf32, #tpu.memory_space<vmem>>) target(%dma_start3A_182 : memref<100000x256xf32, #tpu.memory_space<hbm>>) offsets(%dma_start3A_179 : memref<128xi32, #tpu.memory_space<vmem>>) semaphore(%arg11 : memref<!tpu.dma_semaphore, #tpu.memory_space<semaphore_mem>>)
    %dma_wait3A_183 = arith.constant 0 : i32
    %dma_wait3A_184 = arith.constant 2 : i32
    %dma_wait3A_185 = arith.constant 0 : i32
    %dma_wait3A_186 = arith.constant 0 : i32
    %dma_wait3A_187 = tpu.memref_slice %arg7[%dma_wait3A_183, %dma_wait3A_185, %dma_wait3A_186] : memref<2x128x256xf32, #tpu.memory_space<vmem>> -> memref<1x128x256xf32, #tpu.memory_space<vmem>>
    %dma_wait3A_188 = tpu.memref_squeeze %dma_wait3A_187 : memref<1x128x256xf32, #tpu.memory_space<vmem>> -> memref<128x256xf32, #tpu.memory_space<vmem>>
    %dma_wait3A_189 = arith.constant 0 : i32
    %dma_wait3A_190 = tpu.memref_slice %arg6[%dma_wait3A_184, %dma_wait3A_189] : memref<4x128xi32, #tpu.memory_space<vmem>> -> memref<1x128xi32, #tpu.memory_space<vmem>>
    %dma_wait3A_191 = tpu.memref_squeeze %dma_wait3A_190 : memref<1x128xi32, #tpu.memory_space<vmem>> -> memref<128xi32, #tpu.memory_space<vmem>>
    %dma_wait3A_192 = arith.constant 0 : i32
    %dma_wait3A_193 = arith.constant 0 : i32
    %dma_wait3A_194 = tpu.memref_slice %arg4[%dma_wait3A_192, %dma_wait3A_193] : memref<100000x256xf32, #tpu.memory_space<hbm>> -> memref<100000x256xf32, #tpu.memory_space<hbm>>
    tpu.wait_indirect_dma semaphore(%arg10 : memref<!tpu.dma_semaphore, #tpu.memory_space<semaphore_mem>>) src(%dma_wait3A_188 : memref<128x256xf32, #tpu.memory_space<vmem>>) dst(%dma_wait3A_194 : memref<100000x256xf32, #tpu.memory_space<hbm>>)
    %dma_wait3A_195 = arith.constant 1 : i32
    %dma_wait3A_196 = arith.constant 3 : i32
    %dma_wait3A_197 = arith.constant 0 : i32
    %dma_wait3A_198 = arith.constant 0 : i32
    %dma_wait3A_199 = tpu.memref_slice %arg7[%dma_wait3A_195, %dma_wait3A_197, %dma_wait3A_198] : memref<2x128x256xf32, #tpu.memory_space<vmem>> -> memref<1x128x256xf32, #tpu.memory_space<vmem>>
    %dma_wait3A_200 = tpu.memref_squeeze %dma_wait3A_199 : memref<1x128x256xf32, #tpu.memory_space<vmem>> -> memref<128x256xf32, #tpu.memory_space<vmem>>
    %dma_wait3A_201 = arith.constant 0 : i32
    %dma_wait3A_202 = tpu.memref_slice %arg6[%dma_wait3A_196, %dma_wait3A_201] : memref<4x128xi32, #tpu.memory_space<vmem>> -> memref<1x128xi32, #tpu.memory_space<vmem>>
    %dma_wait3A_203 = tpu.memref_squeeze %dma_wait3A_202 : memref<1x128xi32, #tpu.memory_space<vmem>> -> memref<128xi32, #tpu.memory_space<vmem>>
    %dma_wait3A_204 = arith.constant 0 : i32
    %dma_wait3A_205 = arith.constant 0 : i32
    %dma_wait3A_206 = tpu.memref_slice %arg4[%dma_wait3A_204, %dma_wait3A_205] : memref<100000x256xf32, #tpu.memory_space<hbm>> -> memref<100000x256xf32, #tpu.memory_space<hbm>>
    tpu.wait_indirect_dma semaphore(%arg11 : memref<!tpu.dma_semaphore, #tpu.memory_space<semaphore_mem>>) src(%dma_wait3A_200 : memref<128x256xf32, #tpu.memory_space<vmem>>) dst(%dma_wait3A_206 : memref<100000x256xf32, #tpu.memory_space<hbm>>)
    return
  }
}

module attributes {stable_mosaic.version = 14 : i64} {
  func.func @_gru_block(%arg0: i32, %arg1: memref<512x256xf32, #tpu.memory_space<vmem>>, %arg2: memref<512x256xf32, #tpu.memory_space<vmem>>, %arg3: memref<256x768xbf16, #tpu.memory_space<vmem>>, %arg4: memref<256x768xbf16, #tpu.memory_space<vmem>>, %arg5: memref<1x768xf32, #tpu.memory_space<vmem>>, %arg6: memref<1x768xf32, #tpu.memory_space<vmem>>, %arg7: memref<256x64xbf16, #tpu.memory_space<vmem>>, %arg8: memref<1x64xf32, #tpu.memory_space<vmem>>, %arg9: memref<64x256xbf16, #tpu.memory_space<vmem>>, %arg10: memref<1x256xf32, #tpu.memory_space<vmem>>, %arg11: memref<512x256xf32, #tpu.memory_space<vmem>>) attributes {dimension_semantics = [#tpu.dimension_semantics<arbitrary>], iteration_bounds = array<i64: 32>, scalar_prefetch = 0 : i64, scratch_operands = 0 : i64, tpu.core_type = #tpu.core_type<tc>, window_params = [{transform_indices = @transform_0, window_bounds = array<i64: 512, 256>}, {transform_indices = @transform_1, window_bounds = array<i64: 512, 256>}, {pipeline_mode = #tpu.pipeline_mode<synchronous>, transform_indices = @transform_2, window_bounds = array<i64: 256, 768>}, {pipeline_mode = #tpu.pipeline_mode<synchronous>, transform_indices = @transform_3, window_bounds = array<i64: 256, 768>}, {pipeline_mode = #tpu.pipeline_mode<synchronous>, transform_indices = @transform_4, window_bounds = array<i64: 1, 768>}, {pipeline_mode = #tpu.pipeline_mode<synchronous>, transform_indices = @transform_5, window_bounds = array<i64: 1, 768>}, {pipeline_mode = #tpu.pipeline_mode<synchronous>, transform_indices = @transform_6, window_bounds = array<i64: 256, 64>}, {pipeline_mode = #tpu.pipeline_mode<synchronous>, transform_indices = @transform_7, window_bounds = array<i64: 1, 64>}, {pipeline_mode = #tpu.pipeline_mode<synchronous>, transform_indices = @transform_8, window_bounds = array<i64: 64, 256>}, {pipeline_mode = #tpu.pipeline_mode<synchronous>, transform_indices = @transform_9, window_bounds = array<i64: 1, 256>}, {transform_indices = @transform_10, window_bounds = array<i64: 512, 256>}]} {
    %get3A = arith.constant 0 : index
    %get3A_0 = arith.constant 0 : index
    %get3A_1 = vector.load %arg1[%get3A, %get3A_0] : memref<512x256xf32, #tpu.memory_space<vmem>>, vector<512x256xf32>
    %convert_element_type3A = arith.truncf %get3A_1 : vector<512x256xf32> to vector<512x256xbf16>
    %get3A_2 = arith.constant 0 : index
    %get3A_3 = arith.constant 0 : index
    %get3A_4 = vector.load %arg2[%get3A_2, %get3A_3] : memref<512x256xf32, #tpu.memory_space<vmem>>, vector<512x256xf32>
    %convert_element_type3A_5 = arith.truncf %get3A_4 : vector<512x256xf32> to vector<512x256xbf16>
    %get3A_6 = arith.constant 0 : index
    %get3A_7 = arith.constant 0 : index
    %get3A_8 = vector.load %arg3[%get3A_6, %get3A_7] : memref<256x768xbf16, #tpu.memory_space<vmem>>, vector<256x768xbf16>
    %dot_general3A = arith.constant dense<0.000000e+00> : vector<512x768xf32>
    %dot_general3A_9 = tpu.matmul %convert_element_type3A, %get3A_8, %dot_general3A {dimension_numbers = #tpu.dot_dimension_numbers<[1], [0], [0], [1], [0, 0, 1, 1], [], []>, transpose_lhs_hint = false} : vector<512x256xbf16>, vector<256x768xbf16>, vector<512x768xf32> -> vector<512x768xf32>
    %get3A_10 = arith.constant 0 : index
    %get3A_11 = arith.constant 0 : index
    %get3A_12 = vector.load %arg5[%get3A_10, %get3A_11] : memref<1x768xf32, #tpu.memory_space<vmem>>, vector<1x768xf32>
    %add3A = vector.broadcast %get3A_12 : vector<1x768xf32> to vector<512x768xf32>
    %add3A_13 = arith.addf %dot_general3A_9, %add3A : vector<512x768xf32>
    %get3A_14 = arith.constant 0 : index
    %get3A_15 = arith.constant 0 : index
    %get3A_16 = vector.load %arg4[%get3A_14, %get3A_15] : memref<256x768xbf16, #tpu.memory_space<vmem>>, vector<256x768xbf16>
    %dot_general3A_17 = arith.constant dense<0.000000e+00> : vector<512x768xf32>
    %dot_general3A_18 = tpu.matmul %convert_element_type3A_5, %get3A_16, %dot_general3A_17 {dimension_numbers = #tpu.dot_dimension_numbers<[1], [0], [0], [1], [0, 0, 1, 1], [], []>, transpose_lhs_hint = false} : vector<512x256xbf16>, vector<256x768xbf16>, vector<512x768xf32> -> vector<512x768xf32>
    %get3A_19 = arith.constant 0 : index
    %get3A_20 = arith.constant 0 : index
    %get3A_21 = vector.load %arg6[%get3A_19, %get3A_20] : memref<1x768xf32, #tpu.memory_space<vmem>>, vector<1x768xf32>
    %add3A_22 = vector.broadcast %get3A_21 : vector<1x768xf32> to vector<512x768xf32>
    %add3A_23 = arith.addf %dot_general3A_18, %add3A_22 : vector<512x768xf32>
    %slice3A = vector.extract_strided_slice %add3A_13 {offsets = [0, 0], sizes = [512, 256], strides = [1, 1]} : vector<512x768xf32> to vector<512x256xf32>
    %slice3A_24 = vector.extract_strided_slice %add3A_23 {offsets = [0, 0], sizes = [512, 256], strides = [1, 1]} : vector<512x768xf32> to vector<512x256xf32>
    %add3A_25 = arith.addf %slice3A, %slice3A_24 : vector<512x256xf32>
    %logistic3A = arith.negf %add3A_25 : vector<512x256xf32>
    %logistic3A_26 = math.exp %logistic3A : vector<512x256xf32>
    %logistic3A_27 = arith.constant 1.000000e+00 : f32
    %logistic3A_28 = vector.broadcast %logistic3A_27 : f32 to vector<512x256xf32>
    %logistic3A_29 = arith.addf %logistic3A_28, %logistic3A_26 : vector<512x256xf32>
    %logistic3A_30 = arith.divf %logistic3A_28, %logistic3A_29 : vector<512x256xf32>
    %slice3A_31 = vector.extract_strided_slice %add3A_13 {offsets = [0, 256], sizes = [512, 256], strides = [1, 1]} : vector<512x768xf32> to vector<512x256xf32>
    %slice3A_32 = vector.extract_strided_slice %add3A_23 {offsets = [0, 256], sizes = [512, 256], strides = [1, 1]} : vector<512x768xf32> to vector<512x256xf32>
    %add3A_33 = arith.addf %slice3A_31, %slice3A_32 : vector<512x256xf32>
    %logistic3A_34 = arith.negf %add3A_33 : vector<512x256xf32>
    %logistic3A_35 = math.exp %logistic3A_34 : vector<512x256xf32>
    %logistic3A_36 = arith.constant 1.000000e+00 : f32
    %logistic3A_37 = vector.broadcast %logistic3A_36 : f32 to vector<512x256xf32>
    %logistic3A_38 = arith.addf %logistic3A_37, %logistic3A_35 : vector<512x256xf32>
    %logistic3A_39 = arith.divf %logistic3A_37, %logistic3A_38 : vector<512x256xf32>
    %slice3A_40 = vector.extract_strided_slice %add3A_13 {offsets = [0, 512], sizes = [512, 256], strides = [1, 1]} : vector<512x768xf32> to vector<512x256xf32>
    %slice3A_41 = vector.extract_strided_slice %add3A_23 {offsets = [0, 512], sizes = [512, 256], strides = [1, 1]} : vector<512x768xf32> to vector<512x256xf32>
    %mul3A = arith.mulf %logistic3A_30, %slice3A_41 : vector<512x256xf32>
    %add3A_42 = arith.addf %slice3A_40, %mul3A : vector<512x256xf32>
    %tanh3A = math.tanh %add3A_42 : vector<512x256xf32>
    %sub3A = arith.constant 1.000000e+00 : f32
    %sub3A_43 = vector.broadcast %sub3A : f32 to vector<512x256xf32>
    %sub3A_44 = arith.subf %sub3A_43, %logistic3A_39 : vector<512x256xf32>
    %mul3A_45 = arith.mulf %sub3A_44, %tanh3A : vector<512x256xf32>
    %mul3A_46 = arith.mulf %logistic3A_39, %get3A_4 : vector<512x256xf32>
    %add3A_47 = arith.addf %mul3A_45, %mul3A_46 : vector<512x256xf32>
    %convert_element_type3A_48 = arith.truncf %add3A_47 : vector<512x256xf32> to vector<512x256xbf16>
    %get3A_49 = arith.constant 0 : index
    %get3A_50 = arith.constant 0 : index
    %get3A_51 = vector.load %arg7[%get3A_49, %get3A_50] : memref<256x64xbf16, #tpu.memory_space<vmem>>, vector<256x64xbf16>
    %dot_general3A_52 = arith.constant dense<0.000000e+00> : vector<512x64xf32>
    %dot_general3A_53 = tpu.matmul %convert_element_type3A_48, %get3A_51, %dot_general3A_52 {dimension_numbers = #tpu.dot_dimension_numbers<[1], [0], [0], [1], [0, 0, 1, 1], [], []>, transpose_lhs_hint = false} : vector<512x256xbf16>, vector<256x64xbf16>, vector<512x64xf32> -> vector<512x64xf32>
    %get3A_54 = arith.constant 0 : index
    %get3A_55 = arith.constant 0 : index
    %get3A_56 = vector.load %arg8[%get3A_54, %get3A_55] : memref<1x64xf32, #tpu.memory_space<vmem>>, vector<1x64xf32>
    %add3A_57 = vector.broadcast %get3A_56 : vector<1x64xf32> to vector<512x64xf32>
    %add3A_58 = arith.addf %dot_general3A_53, %add3A_57 : vector<512x64xf32>
    %convert_element_type3A_59 = arith.truncf %add3A_58 : vector<512x64xf32> to vector<512x64xbf16>
    %get3A_60 = arith.constant 0 : index
    %get3A_61 = arith.constant 0 : index
    %get3A_62 = vector.load %arg9[%get3A_60, %get3A_61] : memref<64x256xbf16, #tpu.memory_space<vmem>>, vector<64x256xbf16>
    %dot_general3A_63 = arith.constant dense<0.000000e+00> : vector<512x256xf32>
    %dot_general3A_64 = tpu.matmul %convert_element_type3A_59, %get3A_62, %dot_general3A_63 {dimension_numbers = #tpu.dot_dimension_numbers<[1], [0], [0], [1], [0, 0, 1, 1], [], []>, transpose_lhs_hint = false} : vector<512x64xbf16>, vector<64x256xbf16>, vector<512x256xf32> -> vector<512x256xf32>
    %get3A_65 = arith.constant 0 : index
    %get3A_66 = arith.constant 0 : index
    %get3A_67 = vector.load %arg10[%get3A_65, %get3A_66] : memref<1x256xf32, #tpu.memory_space<vmem>>, vector<1x256xf32>
    %add3A_68 = vector.broadcast %get3A_67 : vector<1x256xf32> to vector<512x256xf32>
    %add3A_69 = arith.addf %dot_general3A_64, %add3A_68 : vector<512x256xf32>
    %swap3A = arith.constant 0 : index
    %swap3A_70 = arith.constant 0 : index
    %swap3A_71 = vector.load %arg11[%swap3A, %swap3A_70] : memref<512x256xf32, #tpu.memory_space<vmem>>, vector<512x256xf32>
    tpu.vector_store %arg11[%swap3A, %swap3A_70], %add3A_69 {strides = array<i32>} : memref<512x256xf32, #tpu.memory_space<vmem>>, vector<512x256xf32>,
    return
  }
  func.func @transform_0(%arg0: i32) -> (i32, i32) {
    %c0_i32 = arith.constant 0 : i32
    %c0_i32_0 = arith.constant 0 : i32
    return %arg0, %c0_i32 : i32, i32
  }
  func.func @transform_1(%arg0: i32) -> (i32, i32) {
    %c0_i32 = arith.constant 0 : i32
    %c0_i32_0 = arith.constant 0 : i32
    return %arg0, %c0_i32 : i32, i32
  }
  func.func @transform_2(%arg0: i32) -> (i32, i32) {
    %c0_i32 = arith.constant 0 : i32
    %c0_i32_0 = arith.constant 0 : i32
    %c0_i32_1 = arith.constant 0 : i32
    return %c0_i32, %c0_i32_0 : i32, i32
  }
  func.func @transform_3(%arg0: i32) -> (i32, i32) {
    %c0_i32 = arith.constant 0 : i32
    %c0_i32_0 = arith.constant 0 : i32
    %c0_i32_1 = arith.constant 0 : i32
    return %c0_i32, %c0_i32_0 : i32, i32
  }
  func.func @transform_4(%arg0: i32) -> (i32, i32) {
    %c0_i32 = arith.constant 0 : i32
    %c0_i32_0 = arith.constant 0 : i32
    %c0_i32_1 = arith.constant 0 : i32
    return %c0_i32, %c0_i32_0 : i32, i32
  }
  func.func @transform_5(%arg0: i32) -> (i32, i32) {
    %c0_i32 = arith.constant 0 : i32
    %c0_i32_0 = arith.constant 0 : i32
    %c0_i32_1 = arith.constant 0 : i32
    return %c0_i32, %c0_i32_0 : i32, i32
  }
  func.func @transform_6(%arg0: i32) -> (i32, i32) {
    %c0_i32 = arith.constant 0 : i32
    %c0_i32_0 = arith.constant 0 : i32
    %c0_i32_1 = arith.constant 0 : i32
    return %c0_i32, %c0_i32_0 : i32, i32
  }
  func.func @transform_7(%arg0: i32) -> (i32, i32) {
    %c0_i32 = arith.constant 0 : i32
    %c0_i32_0 = arith.constant 0 : i32
    %c0_i32_1 = arith.constant 0 : i32
    return %c0_i32, %c0_i32_0 : i32, i32
  }
  func.func @transform_8(%arg0: i32) -> (i32, i32) {
    %c0_i32 = arith.constant 0 : i32
    %c0_i32_0 = arith.constant 0 : i32
    %c0_i32_1 = arith.constant 0 : i32
    return %c0_i32, %c0_i32_0 : i32, i32
  }
  func.func @transform_9(%arg0: i32) -> (i32, i32) {
    %c0_i32 = arith.constant 0 : i32
    %c0_i32_0 = arith.constant 0 : i32
    %c0_i32_1 = arith.constant 0 : i32
    return %c0_i32, %c0_i32_0 : i32, i32
  }
  func.func @transform_10(%arg0: i32) -> (i32, i32) {
    %c0_i32 = arith.constant 0 : i32
    %c0_i32_0 = arith.constant 0 : i32
    return %arg0, %c0_i32 : i32, i32
  }
}

</mosaic_0001>

<sc_bundles>
// kernel: gather_offload_async_start
scs
__scs_entry_jumppad:
0x0: {  	(pc) =	sbr.rel $0x88, $3  }
0x1: {  	(tag) =	ssettag $0x0;
	lr =	simm.s32 $0x1  }
0x2: {  	[smem:$0x3F94] =	sst lr;
	_ =	strace $0xD0000000  }
0x3: {  	_ = 	snop  }
0x4: {  	_ = 	snop  }
0x5: {  	_ = 	snop  }
0x6: {  	_ = 	snop  }
0x7: {  	_ = 	snop  }
__scs_overlays_trampoline_lowered:
0x8: {  	[smem:$0x3FA3] =	sst s0  }
0x9: {  	[smem:$0x3FA4] =	sst s1  }
0xa: {  	[smem:$0x3FA5] =	sst s2  }
0xb: {  	[smem:$0x3FA6] =	sst s3  }
0xc: {  	[smem:$0x3FA7] =	sst s4  }
0xd: {  	[smem:$0x3FA8] =	sst s5  }
0xe: {  	[smem:$0x3FA9] =	sst s6  }
0xf: {  	[smem:$0x3FAA] =	sst s7  }
0x10: {  	[smem:$0x3FAB] =	sst s8  }
0x11: {  	[smem:$0x3FAC] =	sst s9;
	s0 =	simm.s32 @!p0 $0x0  }
0x12: {  	s1 =	sld [smem:$0x3F92];
	s0 =	simm.s32 @p0 $0x1  }
0x13: {  	[smem:$0x3FAD] =	sst s0;
	s0 =	simm.s32 @!p1 $0x0  }
0x14: {  	s2 =	sld [smem:$0x3F91];
	s0 =	simm.s32 @p1 $0x1  }
0x15: {  	[smem:$0x3FAE] =	sst s0;
	s0 =	simm.s32 @!p2 $0x0  }
0x16: {  	s3 =	sld [smem:$0x3FDB];
	s0 =	simm.s32 @p2 $0x1  }
0x17: {  	s4 =	simm.s32 $0x1BF5;
	[smem:$0x3FB0] =	sst s0  }
0x18: {  	s0 =	sld [smem:$0x3F93];
	_ =	swait.ge [sflag:s4], $0x0  }
0x19: {  	s7 =	sld [smem:$0x3F94]  }
0x1a: {  	s8 =	sadd.s32 $0xFFFFE003, lr  }
0x1b: {  	s9 =	sadd.s32 $0xFFFFFEF7, lr;
	s5 =	simm.s32 $0xFFFFFFFF;
	p2 =	slt.u32 s8, $0xFFFFF086  }
0x1c: {  	p1 =	slt.u32 s9, $0xF7A;
	s5 =	simm.s32 @!p2 $0x0  }
0x1d: {  	s5 =	simm.s32 @p1 $0x1;
	p0 =	seq.s32 s7, s2  }
0x1e: {  	s7 =	smul.u32 @!p0 $0xF7A, s2;
	p2 =	seq.s32 @!p0 s5, $0x0  }
0x1f: {  	s9 =	smul.u32 $0xF7A, s1;
	s8 =	simm.s32 @!p0 $0x1BF5;
	p2 =	por !p2, p0  }
0x20: {  	[sflag:s8] =	ssyncset.s32 @!p0 $0xFFFFF086;
	s6 =	sadd.s32 @!p0 s3, s7;
	s7 =	simm.s32 @!p0 $0x108  }
0x21: {  	s3 =	sadd.s32 s3, s9;
	s6 =	sadd.s32 @!p0 $0x88, s6;
	s7 =	simm.s32 @p2 $0x1082  }
0x22: {  	[simem:s7], [sflag:s8] =	dma.local @!p0 [hbm:s6], $0xF7A  }
0x23: {  	s9 =	sor.u32 $0xD0000000, s2;
	s6 =	simm.s32 $0x108;
	_ =	swait.ge @!p0 [sflag:s8], $0x0  }
0x24: {  	s3 =	sadd.s32 $0x88, s3;
	s6 =	simm.s32 @!p1 $0x1082;
	[sflag:s4] =	ssyncset.s32 $0xFFFFF086  }
0x25: {  	[simem:s6], [sflag:s4] =	dma.local [hbm:s3], $0xF7A  }
0x26: {  	[smem:$0x3F94] =	sst s1;
	(tag) =	ssettag s2;
	_ =	strace s9  }
0x27: {  	s1 =	sld [smem:$0x3FA4]  }
0x28: {  	s2 =	sld [smem:$0x3FA5]  }
0x29: {  	s4 =	sld [smem:$0x3FA7]  }
0x2a: {  	p0 =	seq.s32 s5, $0x0;
	s5 =	sld [smem:$0x3FA8]  }
0x2b: {  	s6 =	sld [smem:$0x3FA9]  }
0x2c: {  	s7 =	sld [smem:$0x3FAA]  }
0x2d: {  	s3 =	simm.s32 $0x108;
	s8 =	sld [smem:$0x3FAB]  }
0x2e: {  	s3 =	simm.s32 @!p0 $0x1082;
	s9 =	sld [smem:$0x3FAC]  }
0x2f: {  	lr =	sadd.s32 s0, s3;
	s0 =	sld [smem:$0x3FA3]  }
0x30: {  	s3 =	sld [smem:$0x3FA6]  }
0x31: {  	[smem:$0x3FAF] =	sst s10  }
0x32: {  	s10 =	sld [smem:$0x3FAD];
	_ =	sdelay $0x3  }
0x33: {  	p0 =	seq.s32 s10, $0x1;
	s10 =	sld [smem:$0x3FAF];
	_ =	sdelay $0x3  }
0x34: {  	[smem:$0x3FAF] =	sst s10  }
0x35: {  	s10 =	sld [smem:$0x3FAE];
	_ =	sdelay $0x3  }
0x36: {  	p1 =	seq.s32 s10, $0x1;
	s10 =	sld [smem:$0x3FAF];
	_ =	sdelay $0x3  }
0x37: {  	[smem:$0x3FAF] =	sst s10  }
0x38: {  	s10 =	sld [smem:$0x3FB0]  }
0x39: {  	_ = 	snop;
	(pc) =	sbr.ind lr, $3  }
0x3a: {  	_ = 	snop  }
0x3b: {  	_ = 	snop  }
0x3c: {  	p2 =	seq.s32 s10, $0x1;
	s10 =	sld [smem:$0x3FAF]  }
0x3d: {  	_ =	shalt  }
0x3e: {  	_ =	shalt  }
0x3f: {  	_ =	shalt  }
0x40: {  	_ =	shalt  }
0x41: {  	_ =	shalt  }
0x42: {  	_ =	shalt  }
0x43: {  	_ =	shalt  }
0x44: {  	_ =	shalt  }
0x45: {  	_ =	shalt  }
0x46: {  	_ =	shalt  }
0x47: {  	_ =	shalt  }
0x48: {  	_ =	shalt  }
0x49: {  	_ =	shalt  }
0x4a: {  	_ =	shalt  }
0x4b: {  	_ =	shalt  }
0x4c: {  	_ =	shalt  }
0x4d: {  	_ =	shalt  }
0x4e: {  	_ =	shalt  }
0x4f: {  	_ =	shalt  }
0x50: {  	_ =	shalt  }
0x51: {  	_ =	shalt  }
0x52: {  	_ =	shalt  }
0x53: {  	_ =	shalt  }
0x54: {  	_ =	shalt  }
0x55: {  	_ =	shalt  }
0x56: {  	_ =	shalt  }
0x57: {  	_ =	shalt  }
0x58: {  	_ =	shalt  }
0x59: {  	_ =	shalt  }
0x5a: {  	_ =	shalt  }
0x5b: {  	_ =	shalt  }
0x5c: {  	_ =	shalt  }
0x5d: {  	_ =	shalt  }
0x5e: {  	_ =	shalt  }
0x5f: {  	_ =	shalt  }
0x60: {  	_ =	shalt  }
0x61: {  	_ =	shalt  }
0x62: {  	_ =	shalt  }
0x63: {  	_ =	shalt  }
0x64: {  	_ =	shalt  }
0x65: {  	_ =	shalt  }
0x66: {  	_ =	shalt  }
0x67: {  	_ =	shalt  }
0x68: {  	_ =	shalt  }
0x69: {  	_ =	shalt  }
0x6a: {  	_ =	shalt  }
0x6b: {  	_ =	shalt  }
0x6c: {  	_ =	shalt  }
0x6d: {  	_ =	shalt  }
0x6e: {  	_ =	shalt  }
0x6f: {  	_ =	shalt  }
0x70: {  	_ =	shalt  }
0x71: {  	_ =	shalt  }
0x72: {  	_ =	shalt  }
0x73: {  	_ =	shalt  }
0x74: {  	_ =	shalt  }
0x75: {  	_ =	shalt  }
0x76: {  	_ =	shalt  }
0x77: {  	_ =	shalt  }
0x78: {  	_ =	shalt  }
0x79: {  	_ =	shalt  }
0x7a: {  	_ =	shalt  }
0x7b: {  	_ =	shalt  }
0x7c: {  	_ =	shalt  }
0x7d: {  	_ =	shalt  }
0x7e: {  	_ =	shalt  }
0x7f: {  	_ =	shalt  }
0x80: {  	_ =	shalt  }
0x81: {  	_ =	shalt  }
0x82: {  	_ =	shalt  }
0x83: {  	_ =	shalt  }
0x84: {  	_ =	shalt  }
0x85: {  	_ =	shalt  }
0x86: {  	_ =	shalt  }
0x87: {  	_ =	shalt  }
.Lfunc_end0:
.L_simem_size_0:
called_computation_lowered:
.L_overlay_start_0:
0x88: {  	s2 =	sld [smem:$0x3FD9]  }
0x89: {  	s3 =	sld [smem:$0x3FFE];
	_ =	sdelay $0x1  }
0x8a: {  	s1 =	srdreg.scid  }
0x8b: {  	s0 =	sand.u32 $0x1, s1  }
0x8c: {  	s16 =	sshll.u32 s0, $0xA;
	s2 =	sadd.s32 s3, s2  }
0x8d: {  	s2 =	sadd.s32 s2, s16  }
0x8e: {  	[smem:$0x3FBB] =	sst s2  }
0x8f: {  	_ = 	snop  }
0x90: {  	(tm) =	ssettm $0x1  }
0x91: {  	s17 =	sld [smem:$0x3FFB];
	_ =	sdelay $0x3  }
0x92: {  	_ =	strace s17  }
0x93: {  	s2 =	sld [smem:$0x3FFC];
	_ =	sdelay $0x3  }
0x94: {  	_ =	strace s2  }
0x95: {  	s2 =	sld [smem:$0x3FFD];
	_ =	sdelay $0x3  }
0x96: {  	_ =	strace s2  }
0x97: {  	_ =	strace $0x8FFFFFFF  }
0x98: {  	s18 =	sld [smem:$0x3FDB];
	_ =	sdelay $0x1  }
0x99: {  	s19 =	simm.s32 $_scs_section_size  }
0x9a: {  	s4 =	simm.s32 $_size__tile_overlayer_lowered;
	s5 =	simm.s32 $_tile_overlayer_lowered  }
0x9b: {  	s22 =	simm.s32 $0x1BFF;
	s21 =	sshll.u32 s5, $0x1;
	s2 =	sadd.s32 s19, s18  }
0x9c: {  	s6 =	simm.s32 $0x0;
	s20 =	sshll.u32 s4, $0x1;
	s4 =	sadd.s32 s21, s2  }
0x9d: {  	[timem:s6], [sflag:s22] =	dma.local [hbm:s4], s20  }
0x9e: {  	_ =	swait.ge [sflag:s22], s20  }
0x9f: {  	s3 =	ssub.s32 $0x0, s20;
	[sflag:s22] =	ssyncset.done $0x0  }
0xa0: {  	[sflag:s22] =	ssyncadd.s32 s3;
	_ =	sdelay $0x1  }
0xa1: {  	s23 =	simm.s32 $0x1B8B  }
0xa2: {  	_ =	swait.ge [sflag:s23], $0x1  }
0xa3: {  	[sflag:s23] =	ssyncset.done $0x0  }
0xa4: {  	s25 =	simm.s32 $0x1B8E;
	s24 =	sld [smem:$0x3FFE];
	[sflag:s23] =	ssyncadd.s32 $0xFFFFFFFF  }
0xa5: {  	s26 =	simm.s32 $execute0_lowered;
	[smem:$0x3FD2] =	sst s25  }
0xa6: {  	s4 =	sshll.u32 s26, $0x1;
	_ =	strace $0x80000046;
	[dreg:$0x1] =	wrdreg $0xFFFFFFFF  }
0xa7: {  	s28 =	simm.s32 $_size_execute0_lowered;
	s2 =	sadd.s32 s2, s4;
	[dreg:$0x0] =	wrdreg $0x0  }
0xa8: {  	s4 =	sshll.u32 s28, $0x1;
	[dreg:$0x2] =	wrdreg s2  }
0xa9: {  	[dreg:$0x3] =	wrdreg s4  }
0xaa: {  	[dreg:$0x4] =	wrdreg $0xC0  }
0xab: {  	_ =	task [dreg:s6], $0x5FFFF  }
0xac: {  	[dreg:$0x1] =	wrdreg $0xFFFFFFFF  }
0xad: {  	[dreg:$0x0] =	wrdreg $0x60  }
0xae: {  	[dreg:$0x2] =	wrdreg s24  }
0xaf: {  	[dreg:$0x3] =	wrdreg $0x9  }
0xb0: {  	_ =	task.clear_ibuf [dreg:s6], $0x4FFFF;
	_ =	strace $0x90000046  }
0xb1: {  	s29 =	simm.s32 $0x9;
	_ =	strace $0x80000048  }
0xb2: {  	_ =	swait.ge [sflag:s29], $0x1  }
0xb3: {  	[sflag:s29] =	ssyncadd.s32 $0xFFFFFFFF  }
0xb4: {  	_ =	strace $0x90000048  }
0xb5: {  	_ =	sfence  }
0xb6: {  	s30 =	sld [smem:$0x0];
	_ =	sdelay $0x2  }
0xb7: {  	s31 =	sshll.u32 s1, $0xD;
	s1 =	sshrl.u32 s1, $0x2  }
0xb8: {  	s3 =	sand.u32 $0x4000, s31;
	s1 =	sadd.s32 s1, s30  }
0xb9: {  	s0 =	sor.u32 s3, s0;
	s1 =	sshll.u32 s1, $0x11  }
0xba: {  	s0 =	sor.u32 s1, s0  }
0xbb: {  	s0 =	sadd.s32 $0x8F2B, s0  }
0xbc: {  	[sflag:s0] =	ssyncadd.remote.s32 $0x1  }
0xbd: {  	_ =	sfence.sel $0xFFFF  }
0xbe: {  	[dreg:$0x0] =	wrdreg $0xFFFFFFFF;
	(pc) =	sbr.abs _section_cstart, $3  }
0xbf: {  	[dreg:$0x1] =	wrdreg $0xFFFFFFFF  }
0xc0: {  	_ =	task.clear_ibuf [dreg:s6], $0x2FFFF;
	_ =	strace $0x9FFFFFFF  }
0xc1: {  	(tm) =	ssettm $0x7FFFFFFF  }
tec
execute0_lowered:
.L_overlay_start_1:
0x0: {  	(tag) =	ssettag $0x1  }
0x1: {  	s0 =	srdreg.scid;
	s5 =	rddreg [dreg:$0x0]  }
0x2: {  	s1 =	stileid.u32;
	s6 =	simm.s32 $0x1;
	s9 =	simm.s32 $0x1  }
0x3: {  	s10 =	simm.s32 $0x3;
	s13 =	simm.s32 $0x0;
	s2 =	sshll.u32 s0, $0x8  }
0x4: {  	s12 =	simm.s32 $0x0;
	s3 =	sshll.u32 s1, $0x9;
	s2 =	sand.u32 $0x100, s2  }
0x5: {  	s0 =	rddreg [dreg:$0x1];
	_ =	strace $0x80000047;
	s2 =	sor.u32 s3, s2  }
0x6: {  	s4 =	sadd.s32 $0x1400, s5;
	[sflag:s6] =	ssyncpa.u1 $0x0;
	s8 =	ssub.s32 $0x4000, s2  }
.Ltmp0:
0x7: {  	s3 =	sadd.s32 $0xC00, s5;
	s7 =	sand.u32 $0x1F00, s8;
	(pc) =	sbr.rel .LBB2_1-.Ltmp0, $4  }
0x8: {  	s5 =	sadd.s32 $0x1C00, s5;
	s11 =	smov.u32 s2;
	p0 =	sne.s32 s7, $0x0  }
0x9: {  	s8 =	sshrl.u32 s8, $0xD;
	s7 =	simm.s32 $0x2;
	s9 =	simm.s32 @!p0 $0x0  }
0xa: {  	[sflag:s7] =	ssyncpa.u1 $0x0;
	p0 =	por $0x0, $0x0;
	s8 =	sadd.s32 s9, s8  }
0xb: {  	vm0 =	vmmov $0xffff;
	[sflag:s10] =	ssyncpa.u1 $0x0;
	s10 =	simm.s32 $0x0;
	s9 =	sadd.s32 $0x1, s8  }
.LBB2_4:
0xc: {  	v2 =	vnsel vm1, $0x0, v2  }
0xd: {  	vm1 =	vgt.s32 v0, $0x0;
	v2 =	vmin.u32 v2, $0x3FFF  }
0xe: {  	v0 =	vnsel vm1, $0x0, v0  }
0xf: {  	v0 =	vmin.u32 v0, $0x3FFF  }
0x10: {  	[tilespmem:s15], [sflag:$0x1] =	stream.indirect_vreg.gather [hbm4b:s3+s10], $0x1, v1, vm0, $0x4038;
	[tilespmem:$0x400] =	vst v63  }
0x11: {  	(ifvalue) =	ssetifvalue $0x7FFFFFFF  }
0x12: {  	[tilespmem:s16], [sflag:$0x1] =	stream.indirect_vreg.gather [hbm4b:s3+s10], $0x1, v2, vm0, $0x4038;
	[tilespmem:$0x400] =	vst v63  }
0x13: {  	s29 =	sadd.s32 $0x10, s16;
	(ifvalue) =	ssetifvalue $0x7FFFFFFF  }
0x14: {  	[tilespmem:s29], [sflag:$0x1] =	stream.indirect_vreg.gather [hbm4b:s3+s10], $0x1, v0, vm0, $0x4038;
	[tilespmem:$0x400] =	vst v63  }
0x15: {  	_ =	swait.ge [sflag:s6], $0x100  }
0x16: {  	s30 =	sshrl.u32 s13, $0x3;
	[sflag:s6] =	ssyncset.done $0x0  }
0x17: {  	s31 =	sand.u32 $0x7, s13;
	s15 =	sadd.s32 s5, s30;
	[sflag:s6] =	ssyncadd.s32 $0xFFFFFF00  }
0x18: {  	[hbm4b:s15+s31] =	stream.linear.scatter [tilespmem:s14], [sflag:$0x3], $0x100, $0x38;
	[tilespmem:$0x400] =	vst v63  }
.LBB2_5:
0x19: {  	s15 =	sadd.s32 $0x2000, s11  }
0x1a: {  	p2 =	sgt.s32 s15, $0x3FFF  }
0x1b: {  	s15 =	smov.u32 @p2 s2;
	p2 =	sne.s32 s12, s9  }
.Ltmp1:
0x1c: {  	p1 =	slt.u32 s12, $0x2;
	(pc) =	sbr.rel @!p2 .LBB2_6-.Ltmp1, $4  }
0x1d: {  	s14 =	simm.s32 @!p1 $0x3  }
0x1e: {  	s16 =	sadd.s32 $0x1, s12;
	_ =	swait.ge @!p1 [sflag:s14], $0x100  }
0x1f: {  	s13 =	smov.u32 s11;
	p0 =	por !p0, !p0;
	[sflag:s14] =	ssyncset.done @!p1 $0x0  }
0x20: {  	s12 =	smov.u32 s16;
	s11 =	smov.u32 s15;
	[sflag:s14] =	ssyncadd.s32 @!p1 $0xFFFFFF00  }
.LBB2_1:
0x21: {  	p1 =	sge.u32 s12, s8  }
0x22: {  	s14 =	sxor.u32 @!p1 $0xFFFFFFFF, s12  }
0x23: {  	s31 =	sadd.s32 $0xFFFFFFFF, s12;
	s15 =	sshrl.u32 @!p1 s11, $0x3;
	s14 =	sshll.u32 @!p1 s14, $0x8  }
0x24: {  	s16 =	sand.u32 @!p1 $0x7, s11;
	s15 =	sadd.s32 @!p1 s4, s15;
	s14 =	sand.u32 @!p1 $0x100, s14  }
0x25: {  	[tilespmem:s14], [sflag:$0x2] =	stream.linear.gather @!p1 [hbm4b:s15+s16], $0x100, $0x38;
	[tilespmem:$0x400] =	vst v63  }
0x26: {  	p1 =	sge.u32 s31, s8  }
.Ltmp2:
0x27: {  	_ = 	snop;
	(pc) =	sbr.rel @p1 .LBB2_5-.Ltmp2, $1  }
0x28: {  	_ =	sdelay $0x3  }
0x29: {  	s14 =	simm.s32 $0x1  }
0x2a: {  	_ =	swait.ge [sflag:s7], $0x100;
	s14 =	simm.s32 @!p0 $0x0  }
0x2b: {  	[sflag:s7] =	ssyncset.done $0x0;
	s14 =	sshll.u32 s14, $0x8  }
0x2c: {  	[sflag:s7] =	ssyncadd.s32 $0xFFFFFF00;
	(ifvalue) =	ssetifvalue $0x7FFFFFFF;
	v0 =	vld.msk [tilespmem:s14+$0x0 ss:$0x1], $0xffff;
	_ =	sdelay $0x4  }
0x2d: {  	s15 =	sadd.s32 $0x10, s14;
	vm1 =	vgt.s32 v0, $0x0  }
0x2e: {  	v2 =	vld.msk [tilespmem:s15+$0x0 ss:$0x1], $0xffff;
	v1 =	vnsel vm1, $0x0, v0  }
0x2f: {  	v1 =	vmin.u32 v1, $0x3FFF;
	_ =	sdelay $0x1  }
0x30: {  	s16 =	sshll.u32 s12, $0x8;
	s18 =	simm.s32 $0x20  }
0x31: {  	s16 =	sand.u32 $0x100, s16;
	s17 =	sadd.s32 $0x10, s15;
	s15 =	sor.u32 $0x200, s14  }
0x32: {  	s14 =	sor.u32 $0x200, s16;
	s16 =	sadd.s32 $0x10, s15;
	v0 =	vld.msk [tilespmem:s17+$0x0 ss:$0x1], $0xffff;
	vm1 =	vgt.s32 v2, $0x0;
	(ifvalue) =	ssetifvalue $0x7FFFFFFF  }
.LBB2_3:
0x33: {  	[tilespmem:s15], [sflag:$0x1] =	stream.indirect_vreg.gather [hbm4b:s3+s10], $0x1, v1, vm0, $0x4038;
	[tilespmem:$0x400] =	vst v63  }
0x34: {  	s18 =	sadd.s32 $0x10, s18  }
0x35: {  	v2 =	vnsel vm1, $0x0, v2;
	p1 =	slt.u32 s18, $0xF0  }
.Ltmp3:
0x36: {  	s15 =	smov.u32 s16;
	v1 =	vmin.u32 v2, $0x3FFF;
	(pc) =	sbr.rel @p1 .LBB2_3-.Ltmp3, $3  }
0x37: {  	_ =	sdelay $0x1  }
0x38: {  	s17 =	sadd.s32 $0x10, s17  }
0x39: {  	vm1 =	vgt.s32 v0, $0x0;
	s16 =	sadd.s32 $0x10, s16;
	v2 =	vmov v0;
	(ifvalue) =	ssetifvalue $0x7FFFFFFF;
	v0 =	vld.msk [tilespmem:s17+$0x0 ss:$0x1], $0xffff  }
.Ltmp4:
0x3a: {  	_ = 	snop;
	(pc) =	sbr.rel .LBB2_4-.Ltmp4, $1  }
0x3b: {  	_ =	sdelay $0x3  }
.LBB2_6:
0x3c: {  	_ =	sfence.sel $0x180000  }
0x3d: {  	s2 =	simm.s32 $0x2;
	[bflag:$0x0] =	sbarrier.arrive $0xFFFF  }
0x3e: {  	s30 =	simm.s32 $0x3;
	[sflag:s2] =	ssyncpa.u1 $0x1  }
0x3f: {  	s31 =	simm.s32 $0x1;
	[sflag:s30] =	ssyncpa.u1 $0x1  }
0x40: {  	[sflag:s31] =	ssyncpa.u1 $0x1  }
0x41: {  	p0 =	sne.s32 s1, $0x0;
	_ =	strace $0x90000047  }
0x42: {  	s0 =	sadd.s32 @!p0 $0x100000, s0;
	[bflag:$0x2] =	sbarrier.arrive $0xFFFF  }
0x43: {  	[sflag:s0] =	ssyncadd.tile.s32 @!p0 $0x1;
	_ =	shalt  }
.Lfunc_end2:
_tile_overlayer_lowered:
.L_overlay_start_2:
0x44: {  	(tag) =	ssettag $0x2  }
0x45: {  	s0 =	rddreg [dreg:$0x0];
	s2 =	stileid.u32  }
0x46: {  	s1 =	rddreg [dreg:$0x1];
	p0 =	sne.s32 s2, $0x0  }
0x47: {  	s3 =	rddreg [dreg:$0x2];
	[bflag:$0x3] =	sbarrier.arrive $0xFFFF;
	s2 =	simm.s32 @!p0 $0x1C01  }
0x48: {  	[timem:s3], [sflag:s2] =	dma.local @!p0 [hbm:s0], s1  }
0x49: {  	s0 =	simm.s32 @!p0 $0x1  }
0x4a: {  	_ =	swait.ge @!p0 [sflag:s0], s1  }
0x4b: {  	s1 =	ssub.s32 @!p0 $0x0, s1;
	[sflag:s0] =	ssyncset.done @!p0 $0x0  }
0x4c: {  	[sflag:s0] =	ssyncadd.s32 @!p0 s1  }
0x4d: {  	[bflag:$0x3] =	sbarrier.arrive $0xFFFF  }
0x4e: {  	_ =	shalt  }

// kernel: kernel.5.cloned.1.call-start
scs
__scs_entry_jumppad:
0x0: {  	(pc) =	sbr.rel $0x88, $3  }
0x1: {  	(tag) =	ssettag $0x0;
	lr =	simm.s32 $0x1  }
0x2: {  	[smem:$0x3F94] =	sst lr;
	_ =	strace $0xD0000000  }
0x3: {  	_ = 	snop  }
0x4: {  	_ = 	snop  }
0x5: {  	_ = 	snop  }
0x6: {  	_ = 	snop  }
0x7: {  	_ = 	snop  }
__scs_overlays_trampoline_lowered:
0x8: {  	[smem:$0x3FA3] =	sst s0  }
0x9: {  	[smem:$0x3FA4] =	sst s1  }
0xa: {  	[smem:$0x3FA5] =	sst s2  }
0xb: {  	[smem:$0x3FA6] =	sst s3  }
0xc: {  	[smem:$0x3FA7] =	sst s4  }
0xd: {  	[smem:$0x3FA8] =	sst s5  }
0xe: {  	[smem:$0x3FA9] =	sst s6  }
0xf: {  	[smem:$0x3FAA] =	sst s7  }
0x10: {  	[smem:$0x3FAB] =	sst s8  }
0x11: {  	[smem:$0x3FAC] =	sst s9;
	s0 =	simm.s32 @!p0 $0x0  }
0x12: {  	s1 =	sld [smem:$0x3F92];
	s0 =	simm.s32 @p0 $0x1  }
0x13: {  	[smem:$0x3FAD] =	sst s0;
	s0 =	simm.s32 @!p1 $0x0  }
0x14: {  	s2 =	sld [smem:$0x3F91];
	s0 =	simm.s32 @p1 $0x1  }
0x15: {  	[smem:$0x3FAE] =	sst s0;
	s0 =	simm.s32 @!p2 $0x0  }
0x16: {  	s3 =	sld [smem:$0x3FDB];
	s0 =	simm.s32 @p2 $0x1  }
0x17: {  	s4 =	simm.s32 $0x1BF5;
	[smem:$0x3FB0] =	sst s0  }
0x18: {  	s0 =	sld [smem:$0x3F93];
	_ =	swait.ge [sflag:s4], $0x0  }
0x19: {  	s7 =	sld [smem:$0x3F94]  }
0x1a: {  	s8 =	sadd.s32 $0xFFFFE003, lr  }
0x1b: {  	s9 =	sadd.s32 $0xFFFFFEF7, lr;
	s5 =	simm.s32 $0xFFFFFFFF;
	p2 =	slt.u32 s8, $0xFFFFF086  }
0x1c: {  	p1 =	slt.u32 s9, $0xF7A;
	s5 =	simm.s32 @!p2 $0x0  }
0x1d: {  	s5 =	simm.s32 @p1 $0x1;
	p0 =	seq.s32 s7, s2  }
0x1e: {  	s7 =	smul.u32 @!p0 $0xF7A, s2;
	p2 =	seq.s32 @!p0 s5, $0x0  }
0x1f: {  	s9 =	smul.u32 $0xF7A, s1;
	s8 =	simm.s32 @!p0 $0x1BF5;
	p2 =	por !p2, p0  }
0x20: {  	[sflag:s8] =	ssyncset.s32 @!p0 $0xFFFFF086;
	s6 =	sadd.s32 @!p0 s3, s7;
	s7 =	simm.s32 @!p0 $0x108  }
0x21: {  	s3 =	sadd.s32 s3, s9;
	s6 =	sadd.s32 @!p0 $0x88, s6;
	s7 =	simm.s32 @p2 $0x1082  }
0x22: {  	[simem:s7], [sflag:s8] =	dma.local @!p0 [hbm:s6], $0xF7A  }
0x23: {  	s9 =	sor.u32 $0xD0000000, s2;
	s6 =	simm.s32 $0x108;
	_ =	swait.ge @!p0 [sflag:s8], $0x0  }
0x24: {  	s3 =	sadd.s32 $0x88, s3;
	s6 =	simm.s32 @!p1 $0x1082;
	[sflag:s4] =	ssyncset.s32 $0xFFFFF086  }
0x25: {  	[simem:s6], [sflag:s4] =	dma.local [hbm:s3], $0xF7A  }
0x26: {  	[smem:$0x3F94] =	sst s1;
	(tag) =	ssettag s2;
	_ =	strace s9  }
0x27: {  	s1 =	sld [smem:$0x3FA4]  }
0x28: {  	s2 =	sld [smem:$0x3FA5]  }
0x29: {  	s4 =	sld [smem:$0x3FA7]  }
0x2a: {  	p0 =	seq.s32 s5, $0x0;
	s5 =	sld [smem:$0x3FA8]  }
0x2b: {  	s6 =	sld [smem:$0x3FA9]  }
0x2c: {  	s7 =	sld [smem:$0x3FAA]  }
0x2d: {  	s3 =	simm.s32 $0x108;
	s8 =	sld [smem:$0x3FAB]  }
0x2e: {  	s3 =	simm.s32 @!p0 $0x1082;
	s9 =	sld [smem:$0x3FAC]  }
0x2f: {  	lr =	sadd.s32 s0, s3;
	s0 =	sld [smem:$0x3FA3]  }
0x30: {  	s3 =	sld [smem:$0x3FA6]  }
0x31: {  	[smem:$0x3FAF] =	sst s10  }
0x32: {  	s10 =	sld [smem:$0x3FAD];
	_ =	sdelay $0x3  }
0x33: {  	p0 =	seq.s32 s10, $0x1;
	s10 =	sld [smem:$0x3FAF];
	_ =	sdelay $0x3  }
0x34: {  	[smem:$0x3FAF] =	sst s10  }
0x35: {  	s10 =	sld [smem:$0x3FAE];
	_ =	sdelay $0x3  }
0x36: {  	p1 =	seq.s32 s10, $0x1;
	s10 =	sld [smem:$0x3FAF];
	_ =	sdelay $0x3  }
0x37: {  	[smem:$0x3FAF] =	sst s10  }
0x38: {  	s10 =	sld [smem:$0x3FB0]  }
0x39: {  	_ = 	snop;
	(pc) =	sbr.ind lr, $3  }
0x3a: {  	_ = 	snop  }
0x3b: {  	_ = 	snop  }
0x3c: {  	p2 =	seq.s32 s10, $0x1;
	s10 =	sld [smem:$0x3FAF]  }
0x3d: {  	_ =	shalt  }
0x3e: {  	_ =	shalt  }
0x3f: {  	_ =	shalt  }
0x40: {  	_ =	shalt  }
0x41: {  	_ =	shalt  }
0x42: {  	_ =	shalt  }
0x43: {  	_ =	shalt  }
0x44: {  	_ =	shalt  }
0x45: {  	_ =	shalt  }
0x46: {  	_ =	shalt  }
0x47: {  	_ =	shalt  }
0x48: {  	_ =	shalt  }
0x49: {  	_ =	shalt  }
0x4a: {  	_ =	shalt  }
0x4b: {  	_ =	shalt  }
0x4c: {  	_ =	shalt  }
0x4d: {  	_ =	shalt  }
0x4e: {  	_ =	shalt  }
0x4f: {  	_ =	shalt  }
0x50: {  	_ =	shalt  }
0x51: {  	_ =	shalt  }
0x52: {  	_ =	shalt  }
0x53: {  	_ =	shalt  }
0x54: {  	_ =	shalt  }
0x55: {  	_ =	shalt  }
0x56: {  	_ =	shalt  }
0x57: {  	_ =	shalt  }
0x58: {  	_ =	shalt  }
0x59: {  	_ =	shalt  }
0x5a: {  	_ =	shalt  }
0x5b: {  	_ =	shalt  }
0x5c: {  	_ =	shalt  }
0x5d: {  	_ =	shalt  }
0x5e: {  	_ =	shalt  }
0x5f: {  	_ =	shalt  }
0x60: {  	_ =	shalt  }
0x61: {  	_ =	shalt  }
0x62: {  	_ =	shalt  }
0x63: {  	_ =	shalt  }
0x64: {  	_ =	shalt  }
0x65: {  	_ =	shalt  }
0x66: {  	_ =	shalt  }
0x67: {  	_ =	shalt  }
0x68: {  	_ =	shalt  }
0x69: {  	_ =	shalt  }
0x6a: {  	_ =	shalt  }
0x6b: {  	_ =	shalt  }
0x6c: {  	_ =	shalt  }
0x6d: {  	_ =	shalt  }
0x6e: {  	_ =	shalt  }
0x6f: {  	_ =	shalt  }
0x70: {  	_ =	shalt  }
0x71: {  	_ =	shalt  }
0x72: {  	_ =	shalt  }
0x73: {  	_ =	shalt  }
0x74: {  	_ =	shalt  }
0x75: {  	_ =	shalt  }
0x76: {  	_ =	shalt  }
0x77: {  	_ =	shalt  }
0x78: {  	_ =	shalt  }
0x79: {  	_ =	shalt  }
0x7a: {  	_ =	shalt  }
0x7b: {  	_ =	shalt  }
0x7c: {  	_ =	shalt  }
0x7d: {  	_ =	shalt  }
0x7e: {  	_ =	shalt  }
0x7f: {  	_ =	shalt  }
0x80: {  	_ =	shalt  }
0x81: {  	_ =	shalt  }
0x82: {  	_ =	shalt  }
0x83: {  	_ =	shalt  }
0x84: {  	_ =	shalt  }
0x85: {  	_ =	shalt  }
0x86: {  	_ =	shalt  }
0x87: {  	_ =	shalt  }
.Lfunc_end0:
.L_simem_size_0:
called_computation.1_lowered:
.L_overlay_start_0:
0x88: {  	s2 =	sld [smem:$0x3FD9]  }
0x89: {  	s3 =	sld [smem:$0x3FFE];
	_ =	sdelay $0x1  }
0x8a: {  	s1 =	srdreg.scid  }
0x8b: {  	s0 =	sand.u32 $0x1, s1  }
0x8c: {  	s14 =	sshll.u32 s0, $0xA;
	s2 =	sadd.s32 s3, s2  }
0x8d: {  	s2 =	sadd.s32 s2, s14  }
0x8e: {  	[smem:$0x3FBB] =	sst s2  }
0x8f: {  	_ = 	snop  }
0x90: {  	s2 =	sld [smem:$0x3FD0];
	_ =	sdelay $0x2  }
0x91: {  	s4 =	simm.s32 $0xA;
	s5 =	simm.s32 $0x10;
	s15 =	sld [smem:$0x3FC6]  }
0x92: {  	[smem:s5], [sflag:s4] =	dma.local [hbm:s2], $0x1  }
0x93: {  	_ =	swait.eq [sflag:s4], $0x1  }
0x94: {  	[sflag:s4] =	ssyncset.done $0x0  }
0x95: {  	s16 =	sld [smem:$0x10];
	[sflag:s4] =	ssyncadd.s32 $0xFFFFFFFF  }
0x96: {  	s17 =	sld [smem:$0x11];
	(tm) =	ssettm $0x1  }
0x97: {  	s18 =	sld [smem:$0x3FFB];
	_ =	sdelay $0x3  }
0x98: {  	_ =	strace s18  }
0x99: {  	s5 =	sld [smem:$0x3FFC];
	_ =	sdelay $0x3  }
0x9a: {  	_ =	strace s5  }
0x9b: {  	s5 =	sld [smem:$0x3FFD];
	_ =	sdelay $0x3  }
0x9c: {  	_ =	strace s5  }
0x9d: {  	_ =	strace $0x8FFFFFFF  }
0x9e: {  	s19 =	sld [smem:$0x3FDB];
	_ =	sdelay $0x1  }
0x9f: {  	s6 =	simm.s32 $_scs_section_size  }
0xa0: {  	s7 =	simm.s32 $_size__tile_overlayer_lowered;
	s8 =	simm.s32 $_tile_overlayer_lowered  }
0xa1: {  	s22 =	simm.s32 $0x1BFF;
	s21 =	sshll.u32 s8, $0x1;
	s5 =	sadd.s32 s6, s19  }
0xa2: {  	s9 =	simm.s32 $0x0;
	s20 =	sshll.u32 s7, $0x1;
	s7 =	sadd.s32 s21, s5  }
0xa3: {  	[timem:s9], [sflag:s22] =	dma.local [hbm:s7], s20  }
0xa4: {  	_ =	swait.ge [sflag:s22], s20  }
0xa5: {  	s6 =	ssub.s32 $0x0, s20;
	[sflag:s22] =	ssyncset.done $0x0  }
0xa6: {  	[sflag:s22] =	ssyncadd.s32 s6;
	_ =	sdelay $0x1  }
0xa7: {  	s23 =	simm.s32 $0x1B8B  }
0xa8: {  	_ =	swait.ge [sflag:s23], $0x1  }
0xa9: {  	[sflag:s23] =	ssyncset.done $0x0  }
0xaa: {  	s25 =	simm.s32 $0x1B8E;
	s24 =	sld [smem:$0x3FFE];
	[sflag:s23] =	ssyncadd.s32 $0xFFFFFFFF  }
0xab: {  	s26 =	simm.s32 $execute0_lowered;
	[smem:$0x3FD2] =	sst s25  }
0xac: {  	s7 =	sshll.u32 s26, $0x1;
	_ =	strace $0x80000049;
	[dreg:$0x1] =	wrdreg $0xFFFFFFFF  }
0xad: {  	s28 =	simm.s32 $_size_execute0_lowered;
	s5 =	sadd.s32 s5, s7;
	[dreg:$0x0] =	wrdreg $0x0  }
0xae: {  	s7 =	sshll.u32 s28, $0x1;
	[dreg:$0x2] =	wrdreg s5  }
0xaf: {  	[dreg:$0x3] =	wrdreg s7  }
0xb0: {  	[dreg:$0x4] =	wrdreg $0xC0  }
0xb1: {  	_ =	task [dreg:s9], $0x5FFFF  }
0xb2: {  	[dreg:$0x1] =	wrdreg $0xFFFFFFFF  }
0xb3: {  	[dreg:$0x0] =	wrdreg $0x60  }
0xb4: {  	[dreg:$0x2] =	wrdreg s16  }
0xb5: {  	[dreg:$0x3] =	wrdreg s15  }
0xb6: {  	[dreg:$0x4] =	wrdreg s24  }
0xb7: {  	[dreg:$0x5] =	wrdreg s17  }
0xb8: {  	[dreg:$0x6] =	wrdreg $0x9  }
0xb9: {  	_ =	task.clear_ibuf [dreg:s9], $0x7FFFF;
	_ =	strace $0x90000049  }
0xba: {  	s29 =	simm.s32 $0x9;
	_ =	strace $0x8000004B  }
0xbb: {  	_ =	swait.ge [sflag:s29], $0x1  }
0xbc: {  	[sflag:s29] =	ssyncadd.s32 $0xFFFFFFFF  }
0xbd: {  	_ =	strace $0x9000004B  }
0xbe: {  	_ =	sfence  }
0xbf: {  	s30 =	sld [smem:$0x0];
	_ =	sdelay $0x2  }
0xc0: {  	s31 =	sshll.u32 s1, $0xD;
	s1 =	sshrl.u32 s1, $0x2  }
0xc1: {  	s3 =	sand.u32 $0x4000, s31;
	s1 =	sadd.s32 s1, s30  }
0xc2: {  	s0 =	sor.u32 s3, s0;
	s1 =	sshll.u32 s1, $0x11  }
0xc3: {  	s0 =	sor.u32 s1, s0  }
0xc4: {  	s0 =	sadd.s32 $0x8F2B, s0  }
0xc5: {  	[sflag:s0] =	ssyncadd.remote.s32 $0x1  }
0xc6: {  	_ =	sfence.sel $0xFFFF  }
0xc7: {  	[dreg:$0x0] =	wrdreg $0xFFFFFFFF;
	(pc) =	sbr.abs _section_cstart, $3  }
0xc8: {  	[dreg:$0x1] =	wrdreg $0xFFFFFFFF  }
0xc9: {  	_ =	task.clear_ibuf [dreg:s9], $0x2FFFF;
	_ =	strace $0x9FFFFFFF  }
0xca: {  	(tm) =	ssettm $0x7FFFFFFF  }
0xcb: {  	_ =	shalt  }
tec
execute0_lowered:
.L_overlay_start_1:
0x0: {  	(tag) =	ssettag $0x1  }
0x1: {  	s0 =	srdreg.scid  }
0x2: {  	s1 =	rddreg [dreg:$0x0];
	s4 =	stileid.u32;
	s0 =	sand.u32 $0x1, s0  }
0x3: {  	s2 =	rddreg [dreg:$0x1];
	s4 =	sshll.u32 s4, $0xA;
	s5 =	sshll.u32 s0, $0x9  }
0x4: {  	s3 =	rddreg [dreg:$0x2];
	s4 =	sor.u32 s5, s4;
	s5 =	simm.s32 $0x0  }
0x5: {  	s24 =	simm.s32 $0x200;
	[smem:$0x7FF] =	sst s5  }
0x6: {  	s26 =	simm.s32 $0x480;
	_ =	strace $0x8000004A;
	[dreg:$0x10] =	wrdreg s24  }
0x7: {  	s28 =	simm.s32 $0x100;
	[dreg:$0x11] =	wrdreg s26  }
0x8: {  	s29 =	simm.s32 $0x500;
	s30 =	simm.s32 $0x180;
	[dreg:$0x12] =	wrdreg s28  }
0x9: {  	s31 =	simm.s32 $0x580;
	s8 =	sadd.s32 $0x2C00, s3;
	[dreg:$0x13] =	wrdreg s29  }
0xa: {  	s6 =	sshrl.u32 s4, $0x3;
	s4 =	sshll.u32 s4, $0x5;
	[dreg:$0x14] =	wrdreg s30  }
0xb: {  	s6 =	sadd.s32 s6, s3;
	s17 =	sadd.s32 s8, s4;
	[dreg:$0x15] =	wrdreg s31  }
0xc: {  	s7 =	sadd.s32 $0x400, s6;
	[dreg:$0x8] =	wrdreg s17  }
0xd: {  	s16 =	sadd.s32 $0x2400, s6;
	[dreg:$0x5] =	wrdreg s7  }
0xe: {  	s18 =	sor.u32 $0x1000, s4;
	s6 =	sadd.s32 $0xC00, s6;
	[dreg:$0x6] =	wrdreg s16  }
0xf: {  	s9 =	sor.u32 $0x2000, s4;
	s19 =	sadd.s32 s8, s18;
	[dreg:$0x7] =	wrdreg s6  }
0x10: {  	s10 =	sor.u32 $0x3000, s4;
	s20 =	sadd.s32 s8, s9;
	[dreg:$0x9] =	wrdreg s19  }
0x11: {  	s3 =	sadd.s32 $0x82C00, s3;
	s21 =	sadd.s32 s8, s10;
	[dreg:$0xa] =	wrdreg s20  }
0x12: {  	s15 =	simm.s32 $0x8600;
	s4 =	sadd.s32 s3, s4;
	[dreg:$0xb] =	wrdreg s21  }
0x13: {  	s0 =	ssub.s32 $0x2, s0;
	s22 =	sadd.s32 s3, s18;
	[dreg:$0xc] =	wrdreg s4  }
0x14: {  	s25 =	sshrl.u32 s0, $0x1;
	s23 =	sadd.s32 s3, s9;
	[dreg:$0xd] =	wrdreg s22  }
0x15: {  	s0 =	ssub.s32 s0, s25;
	s3 =	sadd.s32 s3, s10;
	[dreg:$0xe] =	wrdreg s23  }
0x16: {  	v2 =	vlaneseq.u32;
	s17 =	simm.s32 $0x1;
	s18 =	simm.s32 $0x3;
	[dreg:$0xf] =	wrdreg s3  }
0x17: {  	vm0 =	vmmov $0xffff;
	v1 =	vshrl.u32 v2, $0x3;
	s6 =	smax.u32 s0, $0x1;
	s7 =	simm.s32 $0x6;
	s19 =	simm.s32 $0x2  }
0x18: {  	v0 =	vand.u32 $0x7, v2;
	v2 =	vor.u32 $0x8, v2;
	v1 =	vmul.u32 $0x8, v1;
	s20 =	simm.s32 $0x4;
	s21 =	simm.s32 $0x5;
	s3 =	simm.s32 $0x600  }
.LBB2_1:
0x19: {  	s22 =	rddreg [dreg:$0x5]  }
0x1a: {  	[tilespmem:s5], [sflag:$0x6] =	stream.linear.gather [hbm4b:s22+s5], $0x200, $0x38;
	[tilespmem:$0x10600] =	vst v63  }
0x1b: {  	_ =	swait.ge [sflag:s7], $0x200  }
0x1c: {  	s0 =	rddreg [dreg:$0x6];
	[sflag:s7] =	ssyncset.done $0x0  }
0x1d: {  	s23 =	rddreg [dreg:$0x10];
	[sflag:s7] =	ssyncadd.s32 $0xFFFFFE00  }
0x1e: {  	[tilespmem:s23], [sflag:$0x6] =	stream.linear.gather [hbm4b:s0+s5], $0x200, $0x38;
	[tilespmem:$0x10600] =	vst v63  }
0x1f: {  	_ =	swait.ge [sflag:s7], $0x200  }
0x20: {  	[sflag:s7] =	ssyncset.done $0x0  }
0x21: {  	s24 =	simm.s32 $0x400;
	s4 =	rddreg [dreg:$0x7];
	[sflag:s7] =	ssyncadd.s32 $0xFFFFFE00  }
0x22: {  	[tilespmem:s24], [sflag:$0x6] =	stream.linear.gather [hbm4b:s4+s5], $0x200, $0x38;
	[tilespmem:$0x10600] =	vst v63  }
0x23: {  	_ =	swait.ge [sflag:s7], $0x200  }
0x24: {  	[sflag:s7] =	ssyncset.done $0x0;
	s8 =	rddreg [dreg:$0x11]  }
0x25: {  	s9 =	rddreg [dreg:$0x12];
	[sflag:s7] =	ssyncadd.s32 $0xFFFFFE00  }
0x26: {  	s29 =	simm.s32 $0x80;
	s28 =	rddreg [dreg:$0x3]  }
0x27: {  	[hbm4b:s28+s29] =	stream.indirect.scatter [tilespmem:s24], [sflag:$0x5], $0x1, s5, s29, $0xb8;
	[tilespmem:$0x10600] =	vst v63  }
0x28: {  	s10 =	rddreg [dreg:$0x13]  }
0x29: {  	[hbm4b:s28+s29] =	stream.indirect.scatter [tilespmem:s8], [sflag:$0x5], $0x1, s29, s29, $0xb8;
	[tilespmem:$0x10600] =	vst v63  }
0x2a: {  	s11 =	rddreg [dreg:$0x14]  }
0x2b: {  	[hbm4b:s28+s29] =	stream.indirect.scatter [tilespmem:s10], [sflag:$0x5], $0x1, s9, s29, $0xb8;
	[tilespmem:$0x10600] =	vst v63  }
0x2c: {  	s25 =	rddreg [dreg:$0x15]  }
0x2d: {  	[hbm4b:s28+s29] =	stream.indirect.scatter [tilespmem:s25], [sflag:$0x5], $0x1, s11, s29, $0xb8;
	[tilespmem:$0x10600] =	vst v63  }
0x2e: {  	v3 =	vld [tilespmem:$0x0];
	_ =	sdelay $0x4  }
0x2f: {  	v4 =	vshll.u32 v3, $0x1  }
0x30: {  	v3 =	vand.u32 $0x7, v3;
	v4 =	vand.u32 $0xFFFFFFF0, v4  }
0x31: {  	v3 =	vor.u32 v3, v4  }
0x32: {  	v4 =	vperm.xlane v3, v0;
	_ =	sdelay $0x1  }
0x33: {  	v3 =	vperm.xlane v3, v2;
	v4 =	vadd.s32 v1, v4;
	_ =	sdelay $0x1  }
0x34: {  	v3 =	vadd.s32 v1, v3;
	_ =	sdelay $0x2  }
0x35: {  	[tilespmem:s3], [sflag:$0x1] =	stream.indirect_vreg.gather [hbm4b:s1+s5], $0x80, v4, vm0, $0xb8;
	[tilespmem:$0x10600] =	vst v63  }
0x36: {  	s0 =	simm.s32 $0xE00  }
0x37: {  	[tilespmem:s0], [sflag:$0x1] =	stream.indirect_vreg.gather [hbm4b:s1+s5], $0x80, v3, vm0, $0xb8;
	[tilespmem:$0x10600] =	vst v63  }
0x38: {  	v3 =	vld [tilespmem:$0x10];
	_ =	sdelay $0x4  }
0x39: {  	v57 =	vshll.u32 v3, $0x1  }
0x3a: {  	v3 =	vand.u32 $0x7, v3;
	v4 =	vand.u32 $0xFFFFFFF0, v57  }
0x3b: {  	v3 =	vor.u32 v3, v4  }
0x3c: {  	v4 =	vperm.xlane v3, v0;
	_ =	sdelay $0x1  }
0x3d: {  	v3 =	vperm.xlane v3, v2;
	v4 =	vadd.s32 v1, v4;
	_ =	sdelay $0x1  }
0x3e: {  	v3 =	vadd.s32 v1, v3;
	_ =	sdelay $0x1  }
0x3f: {  	s12 =	simm.s32 $0x1600  }
0x40: {  	[tilespmem:s12], [sflag:$0x1] =	stream.indirect_vreg.gather [hbm4b:s1+s5], $0x80, v4, vm0, $0xb8;
	[tilespmem:$0x10600] =	vst v63  }
0x41: {  	s13 =	simm.s32 $0x1E00  }
0x42: {  	[tilespmem:s13], [sflag:$0x1] =	stream.indirect_vreg.gather [hbm4b:s1+s5], $0x80, v3, vm0, $0xb8;
	[tilespmem:$0x10600] =	vst v63  }
0x43: {  	v3 =	vld [tilespmem:$0x20];
	_ =	sdelay $0x4  }
0x44: {  	v58 =	vshll.u32 v3, $0x1  }
0x45: {  	v3 =	vand.u32 $0x7, v3;
	v4 =	vand.u32 $0xFFFFFFF0, v58  }
0x46: {  	v3 =	vor.u32 v3, v4  }
0x47: {  	v4 =	vperm.xlane v3, v0;
	_ =	sdelay $0x1  }
0x48: {  	v3 =	vperm.xlane v3, v2;
	v4 =	vadd.s32 v1, v4;
	_ =	sdelay $0x1  }
0x49: {  	v3 =	vadd.s32 v1, v3;
	_ =	sdelay $0x1  }
0x4a: {  	s14 =	simm.s32 $0x2600  }
0x4b: {  	[tilespmem:s14], [sflag:$0x1] =	stream.indirect_vreg.gather [hbm4b:s1+s5], $0x80, v4, vm0, $0xb8;
	[tilespmem:$0x10600] =	vst v63  }
0x4c: {  	s16 =	simm.s32 $0x2E00  }
0x4d: {  	[tilespmem:s16], [sflag:$0x1] =	stream.indirect_vreg.gather [hbm4b:s1+s5], $0x80, v3, vm0, $0xb8;
	[tilespmem:$0x10600] =	vst v63  }
0x4e: {  	v3 =	vld [tilespmem:$0x30];
	_ =	sdelay $0x4  }
0x4f: {  	v59 =	vshll.u32 v3, $0x1  }
0x50: {  	v3 =	vand.u32 $0x7, v3;
	v4 =	vand.u32 $0xFFFFFFF0, v59  }
0x51: {  	v3 =	vor.u32 v3, v4  }
0x52: {  	v4 =	vperm.xlane v3, v0;
	_ =	sdelay $0x1  }
0x53: {  	v3 =	vperm.xlane v3, v2;
	v4 =	vadd.s32 v1, v4;
	_ =	sdelay $0x1  }
0x54: {  	v3 =	vadd.s32 v1, v3;
	_ =	sdelay $0x1  }
0x55: {  	s22 =	simm.s32 $0x3600  }
0x56: {  	[tilespmem:s22], [sflag:$0x1] =	stream.indirect_vreg.gather [hbm4b:s1+s5], $0x80, v4, vm0, $0xb8;
	[tilespmem:$0x10600] =	vst v63  }
0x57: {  	s23 =	simm.s32 $0x3E00  }
0x58: {  	[tilespmem:s23], [sflag:$0x1] =	stream.indirect_vreg.gather [hbm4b:s1+s5], $0x80, v3, vm0, $0xb8;
	[tilespmem:$0x10600] =	vst v63  }
0x59: {  	v3 =	vld [tilespmem:$0x40];
	_ =	sdelay $0x4  }
0x5a: {  	v60 =	vshll.u32 v3, $0x1  }
0x5b: {  	v3 =	vand.u32 $0x7, v3;
	v4 =	vand.u32 $0xFFFFFFF0, v60  }
0x5c: {  	v3 =	vor.u32 v3, v4  }
0x5d: {  	v4 =	vperm.xlane v3, v0;
	_ =	sdelay $0x1  }
0x5e: {  	v3 =	vperm.xlane v3, v2;
	v4 =	vadd.s32 v1, v4;
	_ =	sdelay $0x1  }
0x5f: {  	v3 =	vadd.s32 v1, v3;
	_ =	sdelay $0x1  }
0x60: {  	s24 =	simm.s32 $0x4600  }
0x61: {  	[tilespmem:s24], [sflag:$0x1] =	stream.indirect_vreg.gather [hbm4b:s1+s5], $0x80, v4, vm0, $0xb8;
	[tilespmem:$0x10600] =	vst v63  }
0x62: {  	s25 =	simm.s32 $0x4E00  }
0x63: {  	[tilespmem:s25], [sflag:$0x1] =	stream.indirect_vreg.gather [hbm4b:s1+s5], $0x80, v3, vm0, $0xb8;
	[tilespmem:$0x10600] =	vst v63  }
0x64: {  	v3 =	vld [tilespmem:$0x50];
	_ =	sdelay $0x4  }
0x65: {  	v61 =	vshll.u32 v3, $0x1  }
0x66: {  	v3 =	vand.u32 $0x7, v3;
	v4 =	vand.u32 $0xFFFFFFF0, v61  }
0x67: {  	v3 =	vor.u32 v3, v4  }
0x68: {  	v4 =	vperm.xlane v3, v0;
	_ =	sdelay $0x1  }
0x69: {  	v3 =	vperm.xlane v3, v2;
	v4 =	vadd.s32 v1, v4;
	_ =	sdelay $0x1  }
0x6a: {  	v3 =	vadd.s32 v1, v3;
	_ =	sdelay $0x1  }
0x6b: {  	s28 =	simm.s32 $0x5600  }
0x6c: {  	[tilespmem:s28], [sflag:$0x1] =	stream.indirect_vreg.gather [hbm4b:s1+s5], $0x80, v4, vm0, $0xb8;
	[tilespmem:$0x10600] =	vst v63  }
0x6d: {  	s29 =	simm.s32 $0x5E00  }
0x6e: {  	[tilespmem:s29], [sflag:$0x1] =	stream.indirect_vreg.gather [hbm4b:s1+s5], $0x80, v3, vm0, $0xb8;
	[tilespmem:$0x10600] =	vst v63  }
0x6f: {  	v3 =	vld [tilespmem:$0x60];
	_ =	sdelay $0x4  }
0x70: {  	v62 =	vshll.u32 v3, $0x1  }
0x71: {  	v3 =	vand.u32 $0x7, v3;
	v4 =	vand.u32 $0xFFFFFFF0, v62  }
0x72: {  	v3 =	vor.u32 v3, v4  }
0x73: {  	v4 =	vperm.xlane v3, v0;
	_ =	sdelay $0x1  }
0x74: {  	v3 =	vperm.xlane v3, v2;
	v4 =	vadd.s32 v1, v4;
	_ =	sdelay $0x1  }
0x75: {  	v3 =	vadd.s32 v1, v3;
	_ =	sdelay $0x1  }
0x76: {  	s30 =	simm.s32 $0x6600  }
0x77: {  	[tilespmem:s30], [sflag:$0x1] =	stream.indirect_vreg.gather [hbm4b:s1+s5], $0x80, v4, vm0, $0xb8;
	[tilespmem:$0x10600] =	vst v63  }
0x78: {  	s31 =	simm.s32 $0x6E00  }
0x79: {  	[tilespmem:s31], [sflag:$0x1] =	stream.indirect_vreg.gather [hbm4b:s1+s5], $0x80, v3, vm0, $0xb8;
	[tilespmem:$0x10600] =	vst v63  }
0x7a: {  	v3 =	vld [tilespmem:$0x70];
	_ =	sdelay $0x4  }
0x7b: {  	v63 =	vshll.u32 v3, $0x1  }
0x7c: {  	v3 =	vand.u32 $0x7, v3;
	v4 =	vand.u32 $0xFFFFFFF0, v63  }
0x7d: {  	v3 =	vor.u32 v3, v4  }
0x7e: {  	v4 =	vperm.xlane v3, v0;
	_ =	sdelay $0x1  }
0x7f: {  	v3 =	vperm.xlane v3, v2;
	v4 =	vadd.s32 v1, v4;
	_ =	sdelay $0x1  }
0x80: {  	v3 =	vadd.s32 v1, v3;
	_ =	sdelay $0x1  }
0x81: {  	s11 =	simm.s32 $0x7600  }
0x82: {  	[tilespmem:s11], [sflag:$0x1] =	stream.indirect_vreg.gather [hbm4b:s1+s5], $0x80, v4, vm0, $0xb8;
	[tilespmem:$0x10600] =	vst v63  }
0x83: {  	s13 =	simm.s32 $0x7E00  }
0x84: {  	[tilespmem:s13], [sflag:$0x1] =	stream.indirect_vreg.gather [hbm4b:s1+s5], $0x80, v3, vm0, $0xb8;
	[tilespmem:$0x10600] =	vst v63  }
0x85: {  	v3 =	vld [tilespmem:$0x80];
	_ =	sdelay $0x4  }
0x86: {  	v8 =	vshll.u32 v3, $0x1  }
0x87: {  	v3 =	vand.u32 $0x7, v3;
	v4 =	vand.u32 $0xFFFFFFF0, v8  }
0x88: {  	v3 =	vor.u32 v3, v4  }
0x89: {  	v4 =	vperm.xlane v3, v0;
	_ =	sdelay $0x1  }
0x8a: {  	v3 =	vperm.xlane v3, v2;
	v4 =	vadd.s32 v1, v4;
	_ =	sdelay $0x1  }
0x8b: {  	v3 =	vadd.s32 v1, v3;
	_ =	sdelay $0x2  }
0x8c: {  	[tilespmem:s15], [sflag:$0x2] =	stream.indirect_vreg.gather [hbm4b:s1+s5], $0x80, v4, vm0, $0xb8;
	[tilespmem:$0x10600] =	vst v63  }
0x8d: {  	s14 =	simm.s32 $0x8E00  }
0x8e: {  	[tilespmem:s14], [sflag:$0x2] =	stream.indirect_vreg.gather [hbm4b:s1+s5], $0x80, v3, vm0, $0xb8;
	[tilespmem:$0x10600] =	vst v63  }
0x8f: {  	v3 =	vld [tilespmem:$0x90];
	_ =	sdelay $0x4  }
0x90: {  	v9 =	vshll.u32 v3, $0x1  }
0x91: {  	v3 =	vand.u32 $0x7, v3;
	v4 =	vand.u32 $0xFFFFFFF0, v9  }
0x92: {  	v3 =	vor.u32 v3, v4  }
0x93: {  	v4 =	vperm.xlane v3, v0;
	_ =	sdelay $0x1  }
0x94: {  	v3 =	vperm.xlane v3, v2;
	v4 =	vadd.s32 v1, v4;
	_ =	sdelay $0x1  }
0x95: {  	v3 =	vadd.s32 v1, v3;
	_ =	sdelay $0x1  }
0x96: {  	s16 =	simm.s32 $0x9600  }
0x97: {  	[tilespmem:s16], [sflag:$0x2] =	stream.indirect_vreg.gather [hbm4b:s1+s5], $0x80, v4, vm0, $0xb8;
	[tilespmem:$0x10600] =	vst v63  }
0x98: {  	s22 =	simm.s32 $0x9E00  }
0x99: {  	[tilespmem:s22], [sflag:$0x2] =	stream.indirect_vreg.gather [hbm4b:s1+s5], $0x80, v3, vm0, $0xb8;
	[tilespmem:$0x10600] =	vst v63  }
0x9a: {  	v3 =	vld [tilespmem:$0xA0];
	_ =	sdelay $0x4  }
0x9b: {  	v10 =	vshll.u32 v3, $0x1  }
0x9c: {  	v3 =	vand.u32 $0x7, v3;
	v4 =	vand.u32 $0xFFFFFFF0, v10  }
0x9d: {  	v3 =	vor.u32 v3, v4  }
0x9e: {  	v4 =	vperm.xlane v3, v0;
	_ =	sdelay $0x1  }
0x9f: {  	v3 =	vperm.xlane v3, v2;
	v4 =	vadd.s32 v1, v4;
	_ =	sdelay $0x1  }
0xa0: {  	v3 =	vadd.s32 v1, v3;
	_ =	sdelay $0x1  }
0xa1: {  	s23 =	simm.s32 $0xA600  }
0xa2: {  	[tilespmem:s23], [sflag:$0x2] =	stream.indirect_vreg.gather [hbm4b:s1+s5], $0x80, v4, vm0, $0xb8;
	[tilespmem:$0x10600] =	vst v63  }
0xa3: {  	s24 =	simm.s32 $0xAE00  }
0xa4: {  	[tilespmem:s24], [sflag:$0x2] =	stream.indirect_vreg.gather [hbm4b:s1+s5], $0x80, v3, vm0, $0xb8;
	[tilespmem:$0x10600] =	vst v63  }
0xa5: {  	v3 =	vld [tilespmem:$0xB0];
	_ =	sdelay $0x4  }
0xa6: {  	v11 =	vshll.u32 v3, $0x1  }
0xa7: {  	v3 =	vand.u32 $0x7, v3;
	v4 =	vand.u32 $0xFFFFFFF0, v11  }
0xa8: {  	v3 =	vor.u32 v3, v4  }
0xa9: {  	v4 =	vperm.xlane v3, v0;
	_ =	sdelay $0x1  }
0xaa: {  	v3 =	vperm.xlane v3, v2;
	v4 =	vadd.s32 v1, v4;
	_ =	sdelay $0x1  }
0xab: {  	v3 =	vadd.s32 v1, v3;
	_ =	sdelay $0x1  }
0xac: {  	s25 =	simm.s32 $0xB600  }
0xad: {  	[tilespmem:s25], [sflag:$0x2] =	stream.indirect_vreg.gather [hbm4b:s1+s5], $0x80, v4, vm0, $0xb8;
	[tilespmem:$0x10600] =	vst v63  }
0xae: {  	s28 =	simm.s32 $0xBE00  }
0xaf: {  	[tilespmem:s28], [sflag:$0x2] =	stream.indirect_vreg.gather [hbm4b:s1+s5], $0x80, v3, vm0, $0xb8;
	[tilespmem:$0x10600] =	vst v63  }
0xb0: {  	v3 =	vld [tilespmem:$0xC0];
	_ =	sdelay $0x4  }
0xb1: {  	v12 =	vshll.u32 v3, $0x1  }
0xb2: {  	v3 =	vand.u32 $0x7, v3;
	v4 =	vand.u32 $0xFFFFFFF0, v12  }
0xb3: {  	v3 =	vor.u32 v3, v4  }
0xb4: {  	v4 =	vperm.xlane v3, v0;
	_ =	sdelay $0x1  }
0xb5: {  	v3 =	vperm.xlane v3, v2;
	v4 =	vadd.s32 v1, v4;
	_ =	sdelay $0x1  }
0xb6: {  	v3 =	vadd.s32 v1, v3;
	_ =	sdelay $0x1  }
0xb7: {  	s30 =	simm.s32 $0xC600  }
0xb8: {  	[tilespmem:s30], [sflag:$0x2] =	stream.indirect_vreg.gather [hbm4b:s1+s5], $0x80, v4, vm0, $0xb8;
	[tilespmem:$0x10600] =	vst v63  }
0xb9: {  	s0 =	simm.s32 $0xCE00  }
0xba: {  	[tilespmem:s0], [sflag:$0x2] =	stream.indirect_vreg.gather [hbm4b:s1+s5], $0x80, v3, vm0, $0xb8;
	[tilespmem:$0x10600] =	vst v63  }
0xbb: {  	v3 =	vld [tilespmem:$0xD0];
	_ =	sdelay $0x4  }
0xbc: {  	v13 =	vshll.u32 v3, $0x1  }
0xbd: {  	v3 =	vand.u32 $0x7, v3;
	v4 =	vand.u32 $0xFFFFFFF0, v13  }
0xbe: {  	v3 =	vor.u32 v3, v4  }
0xbf: {  	v4 =	vperm.xlane v3, v0;
	_ =	sdelay $0x1  }
0xc0: {  	v3 =	vperm.xlane v3, v2;
	v4 =	vadd.s32 v1, v4;
	_ =	sdelay $0x1  }
0xc1: {  	v3 =	vadd.s32 v1, v3;
	_ =	sdelay $0x1  }
0xc2: {  	s13 =	simm.s32 $0xD600  }
0xc3: {  	[tilespmem:s13], [sflag:$0x2] =	stream.indirect_vreg.gather [hbm4b:s1+s5], $0x80, v4, vm0, $0xb8;
	[tilespmem:$0x10600] =	vst v63  }
0xc4: {  	s14 =	simm.s32 $0xDE00  }
0xc5: {  	[tilespmem:s14], [sflag:$0x2] =	stream.indirect_vreg.gather [hbm4b:s1+s5], $0x80, v3, vm0, $0xb8;
	[tilespmem:$0x10600] =	vst v63  }
0xc6: {  	v3 =	vld [tilespmem:$0xE0];
	_ =	sdelay $0x4  }
0xc7: {  	v14 =	vshll.u32 v3, $0x1  }
0xc8: {  	v3 =	vand.u32 $0x7, v3;
	v4 =	vand.u32 $0xFFFFFFF0, v14  }
0xc9: {  	v3 =	vor.u32 v3, v4  }
0xca: {  	v4 =	vperm.xlane v3, v0;
	_ =	sdelay $0x1  }
0xcb: {  	v3 =	vperm.xlane v3, v2;
	v4 =	vadd.s32 v1, v4;
	_ =	sdelay $0x1  }
0xcc: {  	v3 =	vadd.s32 v1, v3;
	_ =	sdelay $0x1  }
0xcd: {  	s16 =	simm.s32 $0xE600  }
0xce: {  	[tilespmem:s16], [sflag:$0x2] =	stream.indirect_vreg.gather [hbm4b:s1+s5], $0x80, v4, vm0, $0xb8;
	[tilespmem:$0x10600] =	vst v63  }
0xcf: {  	s30 =	simm.s32 $0xEE00  }
0xd0: {  	[tilespmem:s30], [sflag:$0x2] =	stream.indirect_vreg.gather [hbm4b:s1+s5], $0x80, v3, vm0, $0xb8;
	[tilespmem:$0x10600] =	vst v63  }
0xd1: {  	v3 =	vld [tilespmem:$0xF0];
	_ =	sdelay $0x4  }
0xd2: {  	v15 =	vshll.u32 v3, $0x1  }
0xd3: {  	v3 =	vand.u32 $0x7, v3;
	v4 =	vand.u32 $0xFFFFFFF0, v15  }
0xd4: {  	v3 =	vor.u32 v3, v4  }
0xd5: {  	v4 =	vperm.xlane v3, v0;
	_ =	sdelay $0x1  }
0xd6: {  	v3 =	vperm.xlane v3, v2;
	v4 =	vadd.s32 v1, v4;
	_ =	sdelay $0x1  }
0xd7: {  	v3 =	vadd.s32 v1, v3;
	_ =	sdelay $0x1  }
0xd8: {  	s0 =	simm.s32 $0xF600  }
0xd9: {  	[tilespmem:s0], [sflag:$0x2] =	stream.indirect_vreg.gather [hbm4b:s1+s5], $0x80, v4, vm0, $0xb8;
	[tilespmem:$0x10600] =	vst v63  }
0xda: {  	s13 =	simm.s32 $0xFE00  }
0xdb: {  	[tilespmem:s13], [sflag:$0x2] =	stream.indirect_vreg.gather [hbm4b:s1+s5], $0x80, v3, vm0, $0xb8;
	[tilespmem:$0x10600] =	vst v63  }
0xdc: {  	_ =	swait.ge [sflag:s17], $0x8000  }
0xdd: {  	[sflag:s17] =	ssyncset.done $0x0  }
0xde: {  	s14 =	rddreg [dreg:$0x8];
	[sflag:s17] =	ssyncadd.s32 $0xFFFF8000  }
0xdf: {  	[hbm4b:s14+s5] =	stream.linear.scatter [tilespmem:s3], [sflag:$0x3], $0x8000, $0x38;
	[tilespmem:$0x10600] =	vst v63  }
0xe0: {  	_ =	swait.ge [sflag:s18], $0x8000  }
0xe1: {  	[sflag:s18] =	ssyncset.done $0x0  }
0xe2: {  	[sflag:s18] =	ssyncadd.s32 $0xFFFF8000  }
0xe3: {  	v3 =	vld [tilespmem:$0x100];
	_ =	sdelay $0x4  }
0xe4: {  	v16 =	vshll.u32 v3, $0x1  }
0xe5: {  	v3 =	vand.u32 $0x7, v3;
	v4 =	vand.u32 $0xFFFFFFF0, v16  }
0xe6: {  	v3 =	vor.u32 v3, v4  }
0xe7: {  	v4 =	vperm.xlane v3, v0;
	_ =	sdelay $0x1  }
0xe8: {  	v3 =	vperm.xlane v3, v2;
	v4 =	vadd.s32 v1, v4;
	_ =	sdelay $0x1  }
0xe9: {  	v3 =	vadd.s32 v1, v3;
	_ =	sdelay $0x2  }
0xea: {  	[tilespmem:s3], [sflag:$0x1] =	stream.indirect_vreg.gather [hbm4b:s1+s5], $0x80, v4, vm0, $0xb8;
	[tilespmem:$0x10600] =	vst v63  }
0xeb: {  	s9 =	simm.s32 $0xE00  }
0xec: {  	[tilespmem:s9], [sflag:$0x1] =	stream.indirect_vreg.gather [hbm4b:s1+s5], $0x80, v3, vm0, $0xb8;
	[tilespmem:$0x10600] =	vst v63  }
0xed: {  	v3 =	vld [tilespmem:$0x110];
	_ =	sdelay $0x4  }
0xee: {  	v17 =	vshll.u32 v3, $0x1  }
0xef: {  	v3 =	vand.u32 $0x7, v3;
	v4 =	vand.u32 $0xFFFFFFF0, v17  }
0xf0: {  	v3 =	vor.u32 v3, v4  }
0xf1: {  	v4 =	vperm.xlane v3, v0;
	_ =	sdelay $0x1  }
0xf2: {  	v3 =	vperm.xlane v3, v2;
	v4 =	vadd.s32 v1, v4;
	_ =	sdelay $0x1  }
0xf3: {  	v3 =	vadd.s32 v1, v3;
	_ =	sdelay $0x1  }
0xf4: {  	s4 =	simm.s32 $0x1600  }
0xf5: {  	[tilespmem:s4], [sflag:$0x1] =	stream.indirect_vreg.gather [hbm4b:s1+s5], $0x80, v4, vm0, $0xb8;
	[tilespmem:$0x10600] =	vst v63  }
0xf6: {  	s10 =	simm.s32 $0x1E00  }
0xf7: {  	[tilespmem:s10], [sflag:$0x1] =	stream.indirect_vreg.gather [hbm4b:s1+s5], $0x80, v3, vm0, $0xb8;
	[tilespmem:$0x10600] =	vst v63  }
0xf8: {  	v3 =	vld [tilespmem:$0x120];
	_ =	sdelay $0x4  }
0xf9: {  	v18 =	vshll.u32 v3, $0x1  }
0xfa: {  	v3 =	vand.u32 $0x7, v3;
	v4 =	vand.u32 $0xFFFFFFF0, v18  }
0xfb: {  	v3 =	vor.u32 v3, v4  }
0xfc: {  	v4 =	vperm.xlane v3, v0;
	_ =	sdelay $0x1  }
0xfd: {  	v3 =	vperm.xlane v3, v2;
	v4 =	vadd.s32 v1, v4;
	_ =	sdelay $0x1  }
0xfe: {  	v3 =	vadd.s32 v1, v3;
	_ =	sdelay $0x1  }
0xff: {  	s8 =	simm.s32 $0x2600  }
0x100: {  	[tilespmem:s8], [sflag:$0x1] =	stream.indirect_vreg.gather [hbm4b:s1+s5], $0x80, v4, vm0, $0xb8;
	[tilespmem:$0x10600] =	vst v63  }
0x101: {  	s12 =	simm.s32 $0x2E00  }
0x102: {  	[tilespmem:s12], [sflag:$0x1] =	stream.indirect_vreg.gather [hbm4b:s1+s5], $0x80, v3, vm0, $0xb8;
	[tilespmem:$0x10600] =	vst v63  }
0x103: {  	v3 =	vld [tilespmem:$0x130];
	_ =	sdelay $0x4  }
0x104: {  	v19 =	vshll.u32 v3, $0x1  }
0x105: {  	v3 =	vand.u32 $0x7, v3;
	v4 =	vand.u32 $0xFFFFFFF0, v19  }
0x106: {  	v3 =	vor.u32 v3, v4  }
0x107: {  	v4 =	vperm.xlane v3, v0;
	_ =	sdelay $0x1  }
0x108: {  	v3 =	vperm.xlane v3, v2;
	v4 =	vadd.s32 v1, v4;
	_ =	sdelay $0x1  }
0x109: {  	v3 =	vadd.s32 v1, v3;
	_ =	sdelay $0x1  }
0x10a: {  	s0 =	simm.s32 $0x3600  }
0x10b: {  	[tilespmem:s0], [sflag:$0x1] =	stream.indirect_vreg.gather [hbm4b:s1+s5], $0x80, v4, vm0, $0xb8;
	[tilespmem:$0x10600] =	vst v63  }
0x10c: {  	s26 =	simm.s32 $0x3E00  }
0x10d: {  	[tilespmem:s26], [sflag:$0x1] =	stream.indirect_vreg.gather [hbm4b:s1+s5], $0x80, v3, vm0, $0xb8;
	[tilespmem:$0x10600] =	vst v63  }
0x10e: {  	v3 =	vld [tilespmem:$0x140];
	_ =	sdelay $0x4  }
0x10f: {  	v20 =	vshll.u32 v3, $0x1  }
0x110: {  	v3 =	vand.u32 $0x7, v3;
	v4 =	vand.u32 $0xFFFFFFF0, v20  }
0x111: {  	v3 =	vor.u32 v3, v4  }
0x112: {  	v4 =	vperm.xlane v3, v0;
	_ =	sdelay $0x1  }
0x113: {  	v3 =	vperm.xlane v3, v2;
	v4 =	vadd.s32 v1, v4;
	_ =	sdelay $0x1  }
0x114: {  	v3 =	vadd.s32 v1, v3;
	_ =	sdelay $0x1  }
0x115: {  	s26 =	simm.s32 $0x4600  }
0x116: {  	[tilespmem:s26], [sflag:$0x1] =	stream.indirect_vreg.gather [hbm4b:s1+s5], $0x80, v4, vm0, $0xb8;
	[tilespmem:$0x10600] =	vst v63  }
0x117: {  	s10 =	simm.s32 $0x4E00  }
0x118: {  	[tilespmem:s10], [sflag:$0x1] =	stream.indirect_vreg.gather [hbm4b:s1+s5], $0x80, v3, vm0, $0xb8;
	[tilespmem:$0x10600] =	vst v63  }
0x119: {  	v3 =	vld [tilespmem:$0x150];
	_ =	sdelay $0x4  }
0x11a: {  	v21 =	vshll.u32 v3, $0x1  }
0x11b: {  	v3 =	vand.u32 $0x7, v3;
	v4 =	vand.u32 $0xFFFFFFF0, v21  }
0x11c: {  	v3 =	vor.u32 v3, v4  }
0x11d: {  	v4 =	vperm.xlane v3, v0;
	_ =	sdelay $0x1  }
0x11e: {  	v3 =	vperm.xlane v3, v2;
	v4 =	vadd.s32 v1, v4;
	_ =	sdelay $0x1  }
0x11f: {  	v3 =	vadd.s32 v1, v3;
	_ =	sdelay $0x1  }
0x120: {  	s4 =	simm.s32 $0x5600  }
0x121: {  	[tilespmem:s4], [sflag:$0x1] =	stream.indirect_vreg.gather [hbm4b:s1+s5], $0x80, v4, vm0, $0xb8;
	[tilespmem:$0x10600] =	vst v63  }
0x122: {  	s12 =	simm.s32 $0x5E00  }
0x123: {  	[tilespmem:s12], [sflag:$0x1] =	stream.indirect_vreg.gather [hbm4b:s1+s5], $0x80, v3, vm0, $0xb8;
	[tilespmem:$0x10600] =	vst v63  }
0x124: {  	v3 =	vld [tilespmem:$0x160];
	_ =	sdelay $0x4  }
0x125: {  	v22 =	vshll.u32 v3, $0x1  }
0x126: {  	v3 =	vand.u32 $0x7, v3;
	v4 =	vand.u32 $0xFFFFFFF0, v22  }
0x127: {  	v3 =	vor.u32 v3, v4  }
0x128: {  	v4 =	vperm.xlane v3, v0;
	_ =	sdelay $0x1  }
0x129: {  	v3 =	vperm.xlane v3, v2;
	v4 =	vadd.s32 v1, v4;
	_ =	sdelay $0x1  }
0x12a: {  	v3 =	vadd.s32 v1, v3;
	_ =	sdelay $0x1  }
0x12b: {  	s8 =	simm.s32 $0x6600  }
0x12c: {  	[tilespmem:s8], [sflag:$0x1] =	stream.indirect_vreg.gather [hbm4b:s1+s5], $0x80, v4, vm0, $0xb8;
	[tilespmem:$0x10600] =	vst v63  }
0x12d: {  	s13 =	simm.s32 $0x6E00  }
0x12e: {  	[tilespmem:s13], [sflag:$0x1] =	stream.indirect_vreg.gather [hbm4b:s1+s5], $0x80, v3, vm0, $0xb8;
	[tilespmem:$0x10600] =	vst v63  }
0x12f: {  	v3 =	vld [tilespmem:$0x170];
	_ =	sdelay $0x4  }
0x130: {  	v23 =	vshll.u32 v3, $0x1  }
0x131: {  	v3 =	vand.u32 $0x7, v3;
	v4 =	vand.u32 $0xFFFFFFF0, v23  }
0x132: {  	v3 =	vor.u32 v3, v4  }
0x133: {  	v4 =	vperm.xlane v3, v0;
	_ =	sdelay $0x1  }
0x134: {  	v3 =	vperm.xlane v3, v2;
	v4 =	vadd.s32 v1, v4;
	_ =	sdelay $0x1  }
0x135: {  	v3 =	vadd.s32 v1, v3;
	_ =	sdelay $0x1  }
0x136: {  	s9 =	simm.s32 $0x7600  }
0x137: {  	[tilespmem:s9], [sflag:$0x1] =	stream.indirect_vreg.gather [hbm4b:s1+s5], $0x80, v4, vm0, $0xb8;
	[tilespmem:$0x10600] =	vst v63  }
0x138: {  	s14 =	simm.s32 $0x7E00  }
0x139: {  	[tilespmem:s14], [sflag:$0x1] =	stream.indirect_vreg.gather [hbm4b:s1+s5], $0x80, v3, vm0, $0xb8;
	[tilespmem:$0x10600] =	vst v63  }
0x13a: {  	_ =	swait.ge [sflag:s19], $0x8000  }
0x13b: {  	[sflag:s19] =	ssyncset.done $0x0  }
0x13c: {  	s22 =	rddreg [dreg:$0x9];
	[sflag:s19] =	ssyncadd.s32 $0xFFFF8000  }
0x13d: {  	[hbm4b:s22+s5] =	stream.linear.scatter [tilespmem:s15], [sflag:$0x4], $0x8000, $0x38;
	[tilespmem:$0x10600] =	vst v63  }
0x13e: {  	_ =	swait.ge [sflag:s20], $0x8000  }
0x13f: {  	[sflag:s20] =	ssyncset.done $0x0  }
0x140: {  	[sflag:s20] =	ssyncadd.s32 $0xFFFF8000  }
0x141: {  	v3 =	vld [tilespmem:$0x180];
	_ =	sdelay $0x4  }
0x142: {  	v24 =	vshll.u32 v3, $0x1  }
0x143: {  	v3 =	vand.u32 $0x7, v3;
	v4 =	vand.u32 $0xFFFFFFF0, v24  }
0x144: {  	v3 =	vor.u32 v3, v4  }
0x145: {  	v4 =	vperm.xlane v3, v0;
	_ =	sdelay $0x1  }
0x146: {  	v3 =	vperm.xlane v3, v2;
	v4 =	vadd.s32 v1, v4;
	_ =	sdelay $0x1  }
0x147: {  	v3 =	vadd.s32 v1, v3;
	_ =	sdelay $0x2  }
0x148: {  	[tilespmem:s15], [sflag:$0x2] =	stream.indirect_vreg.gather [hbm4b:s1+s5], $0x80, v4, vm0, $0xb8;
	[tilespmem:$0x10600] =	vst v63  }
0x149: {  	s11 =	simm.s32 $0x8E00  }
0x14a: {  	[tilespmem:s11], [sflag:$0x2] =	stream.indirect_vreg.gather [hbm4b:s1+s5], $0x80, v3, vm0, $0xb8;
	[tilespmem:$0x10600] =	vst v63  }
0x14b: {  	v3 =	vld [tilespmem:$0x190];
	_ =	sdelay $0x4  }
0x14c: {  	v25 =	vshll.u32 v3, $0x1  }
0x14d: {  	v3 =	vand.u32 $0x7, v3;
	v4 =	vand.u32 $0xFFFFFFF0, v25  }
0x14e: {  	v3 =	vor.u32 v3, v4  }
0x14f: {  	v4 =	vperm.xlane v3, v0;
	_ =	sdelay $0x1  }
0x150: {  	v3 =	vperm.xlane v3, v2;
	v4 =	vadd.s32 v1, v4;
	_ =	sdelay $0x1  }
0x151: {  	v3 =	vadd.s32 v1, v3;
	_ =	sdelay $0x1  }
0x152: {  	s11 =	simm.s32 $0x9600  }
0x153: {  	[tilespmem:s11], [sflag:$0x2] =	stream.indirect_vreg.gather [hbm4b:s1+s5], $0x80, v4, vm0, $0xb8;
	[tilespmem:$0x10600] =	vst v63  }
0x154: {  	s31 =	simm.s32 $0x9E00  }
0x155: {  	[tilespmem:s31], [sflag:$0x2] =	stream.indirect_vreg.gather [hbm4b:s1+s5], $0x80, v3, vm0, $0xb8;
	[tilespmem:$0x10600] =	vst v63  }
0x156: {  	v3 =	vld [tilespmem:$0x1A0];
	_ =	sdelay $0x4  }
0x157: {  	v26 =	vshll.u32 v3, $0x1  }
0x158: {  	v3 =	vand.u32 $0x7, v3;
	v4 =	vand.u32 $0xFFFFFFF0, v26  }
0x159: {  	v3 =	vor.u32 v3, v4  }
0x15a: {  	v4 =	vperm.xlane v3, v0;
	_ =	sdelay $0x1  }
0x15b: {  	v3 =	vperm.xlane v3, v2;
	v4 =	vadd.s32 v1, v4;
	_ =	sdelay $0x1  }
0x15c: {  	v3 =	vadd.s32 v1, v3;
	_ =	sdelay $0x1  }
0x15d: {  	s29 =	simm.s32 $0xA600  }
0x15e: {  	[tilespmem:s29], [sflag:$0x2] =	stream.indirect_vreg.gather [hbm4b:s1+s5], $0x80, v4, vm0, $0xb8;
	[tilespmem:$0x10600] =	vst v63  }
0x15f: {  	s23 =	simm.s32 $0xAE00  }
0x160: {  	[tilespmem:s23], [sflag:$0x2] =	stream.indirect_vreg.gather [hbm4b:s1+s5], $0x80, v3, vm0, $0xb8;
	[tilespmem:$0x10600] =	vst v63  }
0x161: {  	v3 =	vld [tilespmem:$0x1B0];
	_ =	sdelay $0x4  }
0x162: {  	v27 =	vshll.u32 v3, $0x1  }
0x163: {  	v3 =	vand.u32 $0x7, v3;
	v4 =	vand.u32 $0xFFFFFFF0, v27  }
0x164: {  	v3 =	vor.u32 v3, v4  }
0x165: {  	v4 =	vperm.xlane v3, v0;
	_ =	sdelay $0x1  }
0x166: {  	v3 =	vperm.xlane v3, v2;
	v4 =	vadd.s32 v1, v4;
	_ =	sdelay $0x1  }
0x167: {  	v3 =	vadd.s32 v1, v3;
	_ =	sdelay $0x1  }
0x168: {  	s23 =	simm.s32 $0xB600  }
0x169: {  	[tilespmem:s23], [sflag:$0x2] =	stream.indirect_vreg.gather [hbm4b:s1+s5], $0x80, v4, vm0, $0xb8;
	[tilespmem:$0x10600] =	vst v63  }
0x16a: {  	s24 =	simm.s32 $0xBE00  }
0x16b: {  	[tilespmem:s24], [sflag:$0x2] =	stream.indirect_vreg.gather [hbm4b:s1+s5], $0x80, v3, vm0, $0xb8;
	[tilespmem:$0x10600] =	vst v63  }
0x16c: {  	v3 =	vld [tilespmem:$0x1C0];
	_ =	sdelay $0x4  }
0x16d: {  	v28 =	vshll.u32 v3, $0x1  }
0x16e: {  	v3 =	vand.u32 $0x7, v3;
	v4 =	vand.u32 $0xFFFFFFF0, v28  }
0x16f: {  	v3 =	vor.u32 v3, v4  }
0x170: {  	v4 =	vperm.xlane v3, v0;
	_ =	sdelay $0x1  }
0x171: {  	v3 =	vperm.xlane v3, v2;
	v4 =	vadd.s32 v1, v4;
	_ =	sdelay $0x1  }
0x172: {  	v3 =	vadd.s32 v1, v3;
	_ =	sdelay $0x1  }
0x173: {  	s24 =	simm.s32 $0xC600  }
0x174: {  	[tilespmem:s24], [sflag:$0x2] =	stream.indirect_vreg.gather [hbm4b:s1+s5], $0x80, v4, vm0, $0xb8;
	[tilespmem:$0x10600] =	vst v63  }
0x175: {  	s25 =	simm.s32 $0xCE00  }
0x176: {  	[tilespmem:s25], [sflag:$0x2] =	stream.indirect_vreg.gather [hbm4b:s1+s5], $0x80, v3, vm0, $0xb8;
	[tilespmem:$0x10600] =	vst v63  }
0x177: {  	v3 =	vld [tilespmem:$0x1D0];
	_ =	sdelay $0x4  }
0x178: {  	v29 =	vshll.u32 v3, $0x1  }
0x179: {  	v3 =	vand.u32 $0x7, v3;
	v4 =	vand.u32 $0xFFFFFFF0, v29  }
0x17a: {  	v3 =	vor.u32 v3, v4  }
0x17b: {  	v4 =	vperm.xlane v3, v0;
	_ =	sdelay $0x1  }
0x17c: {  	v3 =	vperm.xlane v3, v2;
	v4 =	vadd.s32 v1, v4;
	_ =	sdelay $0x1  }
0x17d: {  	v3 =	vadd.s32 v1, v3;
	_ =	sdelay $0x1  }
0x17e: {  	s23 =	simm.s32 $0xD600  }
0x17f: {  	[tilespmem:s23], [sflag:$0x2] =	stream.indirect_vreg.gather [hbm4b:s1+s5], $0x80, v4, vm0, $0xb8;
	[tilespmem:$0x10600] =	vst v63  }
0x180: {  	s28 =	simm.s32 $0xDE00  }
0x181: {  	[tilespmem:s28], [sflag:$0x2] =	stream.indirect_vreg.gather [hbm4b:s1+s5], $0x80, v3, vm0, $0xb8;
	[tilespmem:$0x10600] =	vst v63  }
0x182: {  	v3 =	vld [tilespmem:$0x1E0];
	_ =	sdelay $0x4  }
0x183: {  	v30 =	vshll.u32 v3, $0x1  }
0x184: {  	v3 =	vand.u32 $0x7, v3;
	v4 =	vand.u32 $0xFFFFFFF0, v30  }
0x185: {  	v3 =	vor.u32 v3, v4  }
0x186: {  	v4 =	vperm.xlane v3, v0;
	_ =	sdelay $0x1  }
0x187: {  	v3 =	vperm.xlane v3, v2;
	v4 =	vadd.s32 v1, v4;
	_ =	sdelay $0x1  }
0x188: {  	v3 =	vadd.s32 v1, v3;
	_ =	sdelay $0x1  }
0x189: {  	s25 =	simm.s32 $0xE600  }
0x18a: {  	[tilespmem:s25], [sflag:$0x2] =	stream.indirect_vreg.gather [hbm4b:s1+s5], $0x80, v4, vm0, $0xb8;
	[tilespmem:$0x10600] =	vst v63  }
0x18b: {  	s16 =	simm.s32 $0xEE00  }
0x18c: {  	[tilespmem:s16], [sflag:$0x2] =	stream.indirect_vreg.gather [hbm4b:s1+s5], $0x80, v3, vm0, $0xb8;
	[tilespmem:$0x10600] =	vst v63  }
0x18d: {  	v3 =	vld [tilespmem:$0x1F0];
	_ =	sdelay $0x4  }
0x18e: {  	v31 =	vshll.u32 v3, $0x1  }
0x18f: {  	v3 =	vand.u32 $0x7, v3;
	v4 =	vand.u32 $0xFFFFFFF0, v31  }
0x190: {  	v3 =	vor.u32 v3, v4  }
0x191: {  	v4 =	vperm.xlane v3, v0;
	_ =	sdelay $0x1  }
0x192: {  	v3 =	vperm.xlane v3, v2;
	v4 =	vadd.s32 v1, v4;
	_ =	sdelay $0x1  }
0x193: {  	v3 =	vadd.s32 v1, v3;
	_ =	sdelay $0x1  }
0x194: {  	s28 =	simm.s32 $0xF600  }
0x195: {  	[tilespmem:s28], [sflag:$0x2] =	stream.indirect_vreg.gather [hbm4b:s1+s5], $0x80, v4, vm0, $0xb8;
	[tilespmem:$0x10600] =	vst v63  }
0x196: {  	s30 =	simm.s32 $0xFE00  }
0x197: {  	[tilespmem:s30], [sflag:$0x2] =	stream.indirect_vreg.gather [hbm4b:s1+s5], $0x80, v3, vm0, $0xb8;
	[tilespmem:$0x10600] =	vst v63  }
0x198: {  	_ =	swait.ge [sflag:s17], $0x8000  }
0x199: {  	[sflag:s17] =	ssyncset.done $0x0  }
0x19a: {  	s16 =	rddreg [dreg:$0xa];
	[sflag:s17] =	ssyncadd.s32 $0xFFFF8000  }
0x19b: {  	[hbm4b:s16+s5] =	stream.linear.scatter [tilespmem:s3], [sflag:$0x3], $0x8000, $0x38;
	[tilespmem:$0x10600] =	vst v63  }
0x19c: {  	_ =	swait.ge [sflag:s18], $0x8000  }
0x19d: {  	[sflag:s18] =	ssyncset.done $0x0  }
0x19e: {  	[sflag:s18] =	ssyncadd.s32 $0xFFFF8000  }
0x19f: {  	v3 =	vld [tilespmem:$0x200];
	_ =	sdelay $0x4  }
0x1a0: {  	v32 =	vshll.u32 v3, $0x1  }
0x1a1: {  	v3 =	vand.u32 $0x7, v3;
	v4 =	vand.u32 $0xFFFFFFF0, v32  }
0x1a2: {  	v3 =	vor.u32 v3, v4  }
0x1a3: {  	v4 =	vperm.xlane v3, v0;
	_ =	sdelay $0x1  }
0x1a4: {  	v3 =	vperm.xlane v3, v2;
	v4 =	vadd.s32 v1, v4;
	_ =	sdelay $0x1  }
0x1a5: {  	v3 =	vadd.s32 v1, v3;
	_ =	sdelay $0x2  }
0x1a6: {  	[tilespmem:s3], [sflag:$0x1] =	stream.indirect_vreg.gather [hbm4b:s2+s5], $0x80, v4, vm0, $0xb8;
	[tilespmem:$0x10600] =	vst v63  }
0x1a7: {  	s22 =	simm.s32 $0xE00  }
0x1a8: {  	[tilespmem:s22], [sflag:$0x1] =	stream.indirect_vreg.gather [hbm4b:s2+s5], $0x80, v3, vm0, $0xb8;
	[tilespmem:$0x10600] =	vst v63  }
0x1a9: {  	v3 =	vld [tilespmem:$0x210];
	_ =	sdelay $0x4  }
0x1aa: {  	v33 =	vshll.u32 v3, $0x1  }
0x1ab: {  	v3 =	vand.u32 $0x7, v3;
	v4 =	vand.u32 $0xFFFFFFF0, v33  }
0x1ac: {  	v3 =	vor.u32 v3, v4  }
0x1ad: {  	v4 =	vperm.xlane v3, v0;
	_ =	sdelay $0x1  }
0x1ae: {  	v3 =	vperm.xlane v3, v2;
	v4 =	vadd.s32 v1, v4;
	_ =	sdelay $0x1  }
0x1af: {  	v3 =	vadd.s32 v1, v3;
	_ =	sdelay $0x1  }
0x1b0: {  	s25 =	simm.s32 $0x1600  }
0x1b1: {  	[tilespmem:s25], [sflag:$0x1] =	stream.indirect_vreg.gather [hbm4b:s2+s5], $0x80, v4, vm0, $0xb8;
	[tilespmem:$0x10600] =	vst v63  }
0x1b2: {  	s28 =	simm.s32 $0x1E00  }
0x1b3: {  	[tilespmem:s28], [sflag:$0x1] =	stream.indirect_vreg.gather [hbm4b:s2+s5], $0x80, v3, vm0, $0xb8;
	[tilespmem:$0x10600] =	vst v63  }
0x1b4: {  	v3 =	vld [tilespmem:$0x220];
	_ =	sdelay $0x4  }
0x1b5: {  	v34 =	vshll.u32 v3, $0x1  }
0x1b6: {  	v3 =	vand.u32 $0x7, v3;
	v4 =	vand.u32 $0xFFFFFFF0, v34  }
0x1b7: {  	v3 =	vor.u32 v3, v4  }
0x1b8: {  	v4 =	vperm.xlane v3, v0;
	_ =	sdelay $0x1  }
0x1b9: {  	v3 =	vperm.xlane v3, v2;
	v4 =	vadd.s32 v1, v4;
	_ =	sdelay $0x1  }
0x1ba: {  	v3 =	vadd.s32 v1, v3;
	_ =	sdelay $0x1  }
0x1bb: {  	s30 =	simm.s32 $0x2600  }
0x1bc: {  	[tilespmem:s30], [sflag:$0x1] =	stream.indirect_vreg.gather [hbm4b:s2+s5], $0x80, v4, vm0, $0xb8;
	[tilespmem:$0x10600] =	vst v63  }
0x1bd: {  	s22 =	simm.s32 $0x2E00  }
0x1be: {  	[tilespmem:s22], [sflag:$0x1] =	stream.indirect_vreg.gather [hbm4b:s2+s5], $0x80, v3, vm0, $0xb8;
	[tilespmem:$0x10600] =	vst v63  }
0x1bf: {  	v3 =	vld [tilespmem:$0x230];
	_ =	sdelay $0x4  }
0x1c0: {  	v35 =	vshll.u32 v3, $0x1  }
0x1c1: {  	v3 =	vand.u32 $0x7, v3;
	v4 =	vand.u32 $0xFFFFFFF0, v35  }
0x1c2: {  	v3 =	vor.u32 v3, v4  }
0x1c3: {  	v4 =	vperm.xlane v3, v0;
	_ =	sdelay $0x1  }
0x1c4: {  	v3 =	vperm.xlane v3, v2;
	v4 =	vadd.s32 v1, v4;
	_ =	sdelay $0x1  }
0x1c5: {  	v3 =	vadd.s32 v1, v3;
	_ =	sdelay $0x2  }
0x1c6: {  	[tilespmem:s0], [sflag:$0x1] =	stream.indirect_vreg.gather [hbm4b:s2+s5], $0x80, v4, vm0, $0xb8;
	[tilespmem:$0x10600] =	vst v63  }
0x1c7: {  	s25 =	simm.s32 $0x3E00  }
0x1c8: {  	[tilespmem:s25], [sflag:$0x1] =	stream.indirect_vreg.gather [hbm4b:s2+s5], $0x80, v3, vm0, $0xb8;
	[tilespmem:$0x10600] =	vst v63  }
0x1c9: {  	v3 =	vld [tilespmem:$0x240];
	_ =	sdelay $0x4  }
0x1ca: {  	v36 =	vshll.u32 v3, $0x1  }
0x1cb: {  	v3 =	vand.u32 $0x7, v3;
	v4 =	vand.u32 $0xFFFFFFF0, v36  }
0x1cc: {  	v3 =	vor.u32 v3, v4  }
0x1cd: {  	v4 =	vperm.xlane v3, v0;
	_ =	sdelay $0x1  }
0x1ce: {  	v3 =	vperm.xlane v3, v2;
	v4 =	vadd.s32 v1, v4;
	_ =	sdelay $0x1  }
0x1cf: {  	v3 =	vadd.s32 v1, v3;
	_ =	sdelay $0x2  }
0x1d0: {  	[tilespmem:s26], [sflag:$0x1] =	stream.indirect_vreg.gather [hbm4b:s2+s5], $0x80, v4, vm0, $0xb8;
	[tilespmem:$0x10600] =	vst v63  }
0x1d1: {  	_ = 	snop  }
0x1d2: {  	[tilespmem:s10], [sflag:$0x1] =	stream.indirect_vreg.gather [hbm4b:s2+s5], $0x80, v3, vm0, $0xb8;
	[tilespmem:$0x10600] =	vst v63  }
0x1d3: {  	v3 =	vld [tilespmem:$0x250];
	_ =	sdelay $0x4  }
0x1d4: {  	v37 =	vshll.u32 v3, $0x1  }
0x1d5: {  	v3 =	vand.u32 $0x7, v3;
	v4 =	vand.u32 $0xFFFFFFF0, v37  }
0x1d6: {  	v3 =	vor.u32 v3, v4  }
0x1d7: {  	v4 =	vperm.xlane v3, v0;
	_ =	sdelay $0x1  }
0x1d8: {  	v3 =	vperm.xlane v3, v2;
	v4 =	vadd.s32 v1, v4;
	_ =	sdelay $0x1  }
0x1d9: {  	v3 =	vadd.s32 v1, v3;
	_ =	sdelay $0x2  }
0x1da: {  	[tilespmem:s4], [sflag:$0x1] =	stream.indirect_vreg.gather [hbm4b:s2+s5], $0x80, v4, vm0, $0xb8;
	[tilespmem:$0x10600] =	vst v63  }
0x1db: {  	_ = 	snop  }
0x1dc: {  	[tilespmem:s12], [sflag:$0x1] =	stream.indirect_vreg.gather [hbm4b:s2+s5], $0x80, v3, vm0, $0xb8;
	[tilespmem:$0x10600] =	vst v63  }
0x1dd: {  	v3 =	vld [tilespmem:$0x260];
	_ =	sdelay $0x4  }
0x1de: {  	v38 =	vshll.u32 v3, $0x1  }
0x1df: {  	v3 =	vand.u32 $0x7, v3;
	v4 =	vand.u32 $0xFFFFFFF0, v38  }
0x1e0: {  	v3 =	vor.u32 v3, v4  }
0x1e1: {  	v4 =	vperm.xlane v3, v0;
	_ =	sdelay $0x1  }
0x1e2: {  	v3 =	vperm.xlane v3, v2;
	v4 =	vadd.s32 v1, v4;
	_ =	sdelay $0x1  }
0x1e3: {  	v3 =	vadd.s32 v1, v3;
	_ =	sdelay $0x2  }
0x1e4: {  	[tilespmem:s8], [sflag:$0x1] =	stream.indirect_vreg.gather [hbm4b:s2+s5], $0x80, v4, vm0, $0xb8;
	[tilespmem:$0x10600] =	vst v63  }
0x1e5: {  	_ = 	snop  }
0x1e6: {  	[tilespmem:s13], [sflag:$0x1] =	stream.indirect_vreg.gather [hbm4b:s2+s5], $0x80, v3, vm0, $0xb8;
	[tilespmem:$0x10600] =	vst v63  }
0x1e7: {  	v3 =	vld [tilespmem:$0x270];
	_ =	sdelay $0x4  }
0x1e8: {  	v39 =	vshll.u32 v3, $0x1  }
0x1e9: {  	v3 =	vand.u32 $0x7, v3;
	v4 =	vand.u32 $0xFFFFFFF0, v39  }
0x1ea: {  	v3 =	vor.u32 v3, v4  }
0x1eb: {  	v4 =	vperm.xlane v3, v0;
	_ =	sdelay $0x1  }
0x1ec: {  	v3 =	vperm.xlane v3, v2;
	v4 =	vadd.s32 v1, v4;
	_ =	sdelay $0x1  }
0x1ed: {  	v3 =	vadd.s32 v1, v3;
	_ =	sdelay $0x2  }
0x1ee: {  	[tilespmem:s9], [sflag:$0x1] =	stream.indirect_vreg.gather [hbm4b:s2+s5], $0x80, v4, vm0, $0xb8;
	[tilespmem:$0x10600] =	vst v63  }
0x1ef: {  	_ = 	snop  }
0x1f0: {  	[tilespmem:s14], [sflag:$0x1] =	stream.indirect_vreg.gather [hbm4b:s2+s5], $0x80, v3, vm0, $0xb8;
	[tilespmem:$0x10600] =	vst v63  }
0x1f1: {  	_ =	swait.ge [sflag:s19], $0x8000  }
0x1f2: {  	[sflag:s19] =	ssyncset.done $0x0  }
0x1f3: {  	s28 =	rddreg [dreg:$0xb];
	[sflag:s19] =	ssyncadd.s32 $0xFFFF8000  }
0x1f4: {  	[hbm4b:s28+s5] =	stream.linear.scatter [tilespmem:s15], [sflag:$0x4], $0x8000, $0x38;
	[tilespmem:$0x10600] =	vst v63  }
0x1f5: {  	_ =	swait.ge [sflag:s20], $0x8000  }
0x1f6: {  	[sflag:s20] =	ssyncset.done $0x0  }
0x1f7: {  	[sflag:s20] =	ssyncadd.s32 $0xFFFF8000  }
0x1f8: {  	v3 =	vld [tilespmem:$0x280];
	_ =	sdelay $0x4  }
0x1f9: {  	v40 =	vshll.u32 v3, $0x1  }
0x1fa: {  	v3 =	vand.u32 $0x7, v3;
	v4 =	vand.u32 $0xFFFFFFF0, v40  }
0x1fb: {  	v3 =	vor.u32 v3, v4  }
0x1fc: {  	v4 =	vperm.xlane v3, v0;
	_ =	sdelay $0x1  }
0x1fd: {  	v3 =	vperm.xlane v3, v2;
	v4 =	vadd.s32 v1, v4;
	_ =	sdelay $0x1  }
0x1fe: {  	v3 =	vadd.s32 v1, v3;
	_ =	sdelay $0x2  }
0x1ff: {  	[tilespmem:s15], [sflag:$0x2] =	stream.indirect_vreg.gather [hbm4b:s2+s5], $0x80, v4, vm0, $0xb8;
	[tilespmem:$0x10600] =	vst v63  }
0x200: {  	s30 =	simm.s32 $0x8E00  }
0x201: {  	[tilespmem:s30], [sflag:$0x2] =	stream.indirect_vreg.gather [hbm4b:s2+s5], $0x80, v3, vm0, $0xb8;
	[tilespmem:$0x10600] =	vst v63  }
0x202: {  	v3 =	vld [tilespmem:$0x290];
	_ =	sdelay $0x4  }
0x203: {  	v41 =	vshll.u32 v3, $0x1  }
0x204: {  	v3 =	vand.u32 $0x7, v3;
	v4 =	vand.u32 $0xFFFFFFF0, v41  }
0x205: {  	v3 =	vor.u32 v3, v4  }
0x206: {  	v4 =	vperm.xlane v3, v0;
	_ =	sdelay $0x1  }
0x207: {  	v3 =	vperm.xlane v3, v2;
	v4 =	vadd.s32 v1, v4;
	_ =	sdelay $0x1  }
0x208: {  	v3 =	vadd.s32 v1, v3;
	_ =	sdelay $0x2  }
0x209: {  	[tilespmem:s11], [sflag:$0x2] =	stream.indirect_vreg.gather [hbm4b:s2+s5], $0x80, v4, vm0, $0xb8;
	[tilespmem:$0x10600] =	vst v63  }
0x20a: {  	s16 =	simm.s32 $0x9E00  }
0x20b: {  	[tilespmem:s16], [sflag:$0x2] =	stream.indirect_vreg.gather [hbm4b:s2+s5], $0x80, v3, vm0, $0xb8;
	[tilespmem:$0x10600] =	vst v63  }
0x20c: {  	v3 =	vld [tilespmem:$0x2A0];
	_ =	sdelay $0x4  }
0x20d: {  	v42 =	vshll.u32 v3, $0x1  }
0x20e: {  	v3 =	vand.u32 $0x7, v3;
	v4 =	vand.u32 $0xFFFFFFF0, v42  }
0x20f: {  	v3 =	vor.u32 v3, v4  }
0x210: {  	v4 =	vperm.xlane v3, v0;
	_ =	sdelay $0x1  }
0x211: {  	v3 =	vperm.xlane v3, v2;
	v4 =	vadd.s32 v1, v4;
	_ =	sdelay $0x1  }
0x212: {  	v3 =	vadd.s32 v1, v3;
	_ =	sdelay $0x1  }
0x213: {  	s29 =	simm.s32 $0xA600  }
0x214: {  	[tilespmem:s29], [sflag:$0x2] =	stream.indirect_vreg.gather [hbm4b:s2+s5], $0x80, v4, vm0, $0xb8;
	[tilespmem:$0x10600] =	vst v63  }
0x215: {  	s22 =	simm.s32 $0xAE00  }
0x216: {  	[tilespmem:s22], [sflag:$0x2] =	stream.indirect_vreg.gather [hbm4b:s2+s5], $0x80, v3, vm0, $0xb8;
	[tilespmem:$0x10600] =	vst v63  }
0x217: {  	v3 =	vld [tilespmem:$0x2B0];
	_ =	sdelay $0x4  }
0x218: {  	v43 =	vshll.u32 v3, $0x1  }
0x219: {  	v3 =	vand.u32 $0x7, v3;
	v4 =	vand.u32 $0xFFFFFFF0, v43  }
0x21a: {  	v3 =	vor.u32 v3, v4  }
0x21b: {  	v4 =	vperm.xlane v3, v0;
	_ =	sdelay $0x1  }
0x21c: {  	v3 =	vperm.xlane v3, v2;
	v4 =	vadd.s32 v1, v4;
	_ =	sdelay $0x1  }
0x21d: {  	v3 =	vadd.s32 v1, v3;
	_ =	sdelay $0x1  }
0x21e: {  	s31 =	simm.s32 $0xB600  }
0x21f: {  	[tilespmem:s31], [sflag:$0x2] =	stream.indirect_vreg.gather [hbm4b:s2+s5], $0x80, v4, vm0, $0xb8;
	[tilespmem:$0x10600] =	vst v63  }
0x220: {  	s28 =	simm.s32 $0xBE00  }
0x221: {  	[tilespmem:s28], [sflag:$0x2] =	stream.indirect_vreg.gather [hbm4b:s2+s5], $0x80, v3, vm0, $0xb8;
	[tilespmem:$0x10600] =	vst v63  }
0x222: {  	v3 =	vld [tilespmem:$0x2C0];
	_ =	sdelay $0x4  }
0x223: {  	v44 =	vshll.u32 v3, $0x1  }
0x224: {  	v3 =	vand.u32 $0x7, v3;
	v4 =	vand.u32 $0xFFFFFFF0, v44  }
0x225: {  	v3 =	vor.u32 v3, v4  }
0x226: {  	v4 =	vperm.xlane v3, v0;
	_ =	sdelay $0x1  }
0x227: {  	v3 =	vperm.xlane v3, v2;
	v4 =	vadd.s32 v1, v4;
	_ =	sdelay $0x1  }
0x228: {  	v3 =	vadd.s32 v1, v3;
	_ =	sdelay $0x1  }
0x229: {  	s24 =	simm.s32 $0xC600  }
0x22a: {  	[tilespmem:s24], [sflag:$0x2] =	stream.indirect_vreg.gather [hbm4b:s2+s5], $0x80, v4, vm0, $0xb8;
	[tilespmem:$0x10600] =	vst v63  }
0x22b: {  	s29 =	simm.s32 $0xCE00  }
0x22c: {  	[tilespmem:s29], [sflag:$0x2] =	stream.indirect_vreg.gather [hbm4b:s2+s5], $0x80, v3, vm0, $0xb8;
	[tilespmem:$0x10600] =	vst v63  }
0x22d: {  	v3 =	vld [tilespmem:$0x2D0];
	_ =	sdelay $0x4  }
0x22e: {  	v45 =	vshll.u32 v3, $0x1  }
0x22f: {  	v3 =	vand.u32 $0x7, v3;
	v4 =	vand.u32 $0xFFFFFFF0, v45  }
0x230: {  	v3 =	vor.u32 v3, v4  }
0x231: {  	v4 =	vperm.xlane v3, v0;
	_ =	sdelay $0x1  }
0x232: {  	v3 =	vperm.xlane v3, v2;
	v4 =	vadd.s32 v1, v4;
	_ =	sdelay $0x1  }
0x233: {  	v3 =	vadd.s32 v1, v3;
	_ =	sdelay $0x1  }
0x234: {  	s24 =	simm.s32 $0xD600  }
0x235: {  	[tilespmem:s24], [sflag:$0x2] =	stream.indirect_vreg.gather [hbm4b:s2+s5], $0x80, v4, vm0, $0xb8;
	[tilespmem:$0x10600] =	vst v63  }
0x236: {  	s29 =	simm.s32 $0xDE00  }
0x237: {  	[tilespmem:s29], [sflag:$0x2] =	stream.indirect_vreg.gather [hbm4b:s2+s5], $0x80, v3, vm0, $0xb8;
	[tilespmem:$0x10600] =	vst v63  }
0x238: {  	v3 =	vld [tilespmem:$0x2E0];
	_ =	sdelay $0x4  }
0x239: {  	v46 =	vshll.u32 v3, $0x1  }
0x23a: {  	v3 =	vand.u32 $0x7, v3;
	v4 =	vand.u32 $0xFFFFFFF0, v46  }
0x23b: {  	v3 =	vor.u32 v3, v4  }
0x23c: {  	v4 =	vperm.xlane v3, v0;
	_ =	sdelay $0x1  }
0x23d: {  	v3 =	vperm.xlane v3, v2;
	v4 =	vadd.s32 v1, v4;
	_ =	sdelay $0x1  }
0x23e: {  	v3 =	vadd.s32 v1, v3;
	_ =	sdelay $0x1  }
0x23f: {  	s23 =	simm.s32 $0xE600  }
0x240: {  	[tilespmem:s23], [sflag:$0x2] =	stream.indirect_vreg.gather [hbm4b:s2+s5], $0x80, v4, vm0, $0xb8;
	[tilespmem:$0x10600] =	vst v63  }
0x241: {  	s23 =	simm.s32 $0xEE00  }
0x242: {  	[tilespmem:s23], [sflag:$0x2] =	stream.indirect_vreg.gather [hbm4b:s2+s5], $0x80, v3, vm0, $0xb8;
	[tilespmem:$0x10600] =	vst v63  }
0x243: {  	v3 =	vld [tilespmem:$0x2F0];
	_ =	sdelay $0x4  }
0x244: {  	v47 =	vshll.u32 v3, $0x1  }
0x245: {  	v3 =	vand.u32 $0x7, v3;
	v4 =	vand.u32 $0xFFFFFFF0, v47  }
0x246: {  	v3 =	vor.u32 v3, v4  }
0x247: {  	v4 =	vperm.xlane v3, v0;
	_ =	sdelay $0x1  }
0x248: {  	v3 =	vperm.xlane v3, v2;
	v4 =	vadd.s32 v1, v4;
	_ =	sdelay $0x1  }
0x249: {  	v3 =	vadd.s32 v1, v3;
	_ =	sdelay $0x1  }
0x24a: {  	s23 =	simm.s32 $0xF600  }
0x24b: {  	[tilespmem:s23], [sflag:$0x2] =	stream.indirect_vreg.gather [hbm4b:s2+s5], $0x80, v4, vm0, $0xb8;
	[tilespmem:$0x10600] =	vst v63  }
0x24c: {  	s22 =	simm.s32 $0xFE00  }
0x24d: {  	[tilespmem:s22], [sflag:$0x2] =	stream.indirect_vreg.gather [hbm4b:s2+s5], $0x80, v3, vm0, $0xb8;
	[tilespmem:$0x10600] =	vst v63  }
0x24e: {  	_ =	swait.ge [sflag:s17], $0x8000  }
0x24f: {  	[sflag:s17] =	ssyncset.done $0x0  }
0x250: {  	s22 =	rddreg [dreg:$0xc];
	[sflag:s17] =	ssyncadd.s32 $0xFFFF8000  }
0x251: {  	[hbm4b:s22+s5] =	stream.linear.scatter [tilespmem:s3], [sflag:$0x3], $0x8000, $0x38;
	[tilespmem:$0x10600] =	vst v63  }
0x252: {  	_ =	swait.ge [sflag:s18], $0x8000  }
0x253: {  	[sflag:s18] =	ssyncset.done $0x0  }
0x254: {  	[sflag:s18] =	ssyncadd.s32 $0xFFFF8000  }
0x255: {  	v3 =	vld [tilespmem:$0x300];
	_ =	sdelay $0x4  }
0x256: {  	v48 =	vshll.u32 v3, $0x1  }
0x257: {  	v3 =	vand.u32 $0x7, v3;
	v4 =	vand.u32 $0xFFFFFFF0, v48  }
0x258: {  	v3 =	vor.u32 v3, v4  }
0x259: {  	v4 =	vperm.xlane v3, v0;
	_ =	sdelay $0x1  }
0x25a: {  	v3 =	vperm.xlane v3, v2;
	v4 =	vadd.s32 v1, v4;
	_ =	sdelay $0x1  }
0x25b: {  	v3 =	vadd.s32 v1, v3;
	_ =	sdelay $0x2  }
0x25c: {  	[tilespmem:s3], [sflag:$0x1] =	stream.indirect_vreg.gather [hbm4b:s2+s5], $0x80, v4, vm0, $0xb8;
	[tilespmem:$0x10600] =	vst v63  }
0x25d: {  	s22 =	simm.s32 $0xE00  }
0x25e: {  	[tilespmem:s22], [sflag:$0x1] =	stream.indirect_vreg.gather [hbm4b:s2+s5], $0x80, v3, vm0, $0xb8;
	[tilespmem:$0x10600] =	vst v63  }
0x25f: {  	v3 =	vld [tilespmem:$0x310];
	_ =	sdelay $0x4  }
0x260: {  	v49 =	vshll.u32 v3, $0x1  }
0x261: {  	v3 =	vand.u32 $0x7, v3;
	v4 =	vand.u32 $0xFFFFFFF0, v49  }
0x262: {  	v3 =	vor.u32 v3, v4  }
0x263: {  	v4 =	vperm.xlane v3, v0;
	_ =	sdelay $0x1  }
0x264: {  	v3 =	vperm.xlane v3, v2;
	v4 =	vadd.s32 v1, v4;
	_ =	sdelay $0x1  }
0x265: {  	v3 =	vadd.s32 v1, v3;
	_ =	sdelay $0x1  }
0x266: {  	s22 =	simm.s32 $0x1600  }
0x267: {  	[tilespmem:s22], [sflag:$0x1] =	stream.indirect_vreg.gather [hbm4b:s2+s5], $0x80, v4, vm0, $0xb8;
	[tilespmem:$0x10600] =	vst v63  }
0x268: {  	s22 =	simm.s32 $0x1E00  }
0x269: {  	[tilespmem:s22], [sflag:$0x1] =	stream.indirect_vreg.gather [hbm4b:s2+s5], $0x80, v3, vm0, $0xb8;
	[tilespmem:$0x10600] =	vst v63  }
0x26a: {  	v3 =	vld [tilespmem:$0x320];
	_ =	sdelay $0x4  }
0x26b: {  	v50 =	vshll.u32 v3, $0x1  }
0x26c: {  	v3 =	vand.u32 $0x7, v3;
	v4 =	vand.u32 $0xFFFFFFF0, v50  }
0x26d: {  	v3 =	vor.u32 v3, v4  }
0x26e: {  	v4 =	vperm.xlane v3, v0;
	_ =	sdelay $0x1  }
0x26f: {  	v3 =	vperm.xlane v3, v2;
	v4 =	vadd.s32 v1, v4;
	_ =	sdelay $0x1  }
0x270: {  	v3 =	vadd.s32 v1, v3;
	_ =	sdelay $0x1  }
0x271: {  	s22 =	simm.s32 $0x2600  }
0x272: {  	[tilespmem:s22], [sflag:$0x1] =	stream.indirect_vreg.gather [hbm4b:s2+s5], $0x80, v4, vm0, $0xb8;
	[tilespmem:$0x10600] =	vst v63  }
0x273: {  	s22 =	simm.s32 $0x2E00  }
0x274: {  	[tilespmem:s22], [sflag:$0x1] =	stream.indirect_vreg.gather [hbm4b:s2+s5], $0x80, v3, vm0, $0xb8;
	[tilespmem:$0x10600] =	vst v63  }
0x275: {  	v3 =	vld [tilespmem:$0x330];
	_ =	sdelay $0x4  }
0x276: {  	v51 =	vshll.u32 v3, $0x1  }
0x277: {  	v3 =	vand.u32 $0x7, v3;
	v4 =	vand.u32 $0xFFFFFFF0, v51  }
0x278: {  	v3 =	vor.u32 v3, v4  }
0x279: {  	v4 =	vperm.xlane v3, v0;
	_ =	sdelay $0x1  }
0x27a: {  	v3 =	vperm.xlane v3, v2;
	v4 =	vadd.s32 v1, v4;
	_ =	sdelay $0x1  }
0x27b: {  	v3 =	vadd.s32 v1, v3;
	_ =	sdelay $0x1  }
0x27c: {  	s0 =	simm.s32 $0x3600  }
0x27d: {  	[tilespmem:s0], [sflag:$0x1] =	stream.indirect_vreg.gather [hbm4b:s2+s5], $0x80, v4, vm0, $0xb8;
	[tilespmem:$0x10600] =	vst v63  }
0x27e: {  	s22 =	simm.s32 $0x3E00  }
0x27f: {  	[tilespmem:s22], [sflag:$0x1] =	stream.indirect_vreg.gather [hbm4b:s2+s5], $0x80, v3, vm0, $0xb8;
	[tilespmem:$0x10600] =	vst v63  }
0x280: {  	v3 =	vld [tilespmem:$0x340];
	_ =	sdelay $0x4  }
0x281: {  	v52 =	vshll.u32 v3, $0x1  }
0x282: {  	v3 =	vand.u32 $0x7, v3;
	v4 =	vand.u32 $0xFFFFFFF0, v52  }
0x283: {  	v3 =	vor.u32 v3, v4  }
0x284: {  	v4 =	vperm.xlane v3, v0;
	_ =	sdelay $0x1  }
0x285: {  	v3 =	vperm.xlane v3, v2;
	v4 =	vadd.s32 v1, v4;
	_ =	sdelay $0x1  }
0x286: {  	v3 =	vadd.s32 v1, v3;
	_ =	sdelay $0x1  }
0x287: {  	s25 =	simm.s32 $0x4600  }
0x288: {  	[tilespmem:s25], [sflag:$0x1] =	stream.indirect_vreg.gather [hbm4b:s2+s5], $0x80, v4, vm0, $0xb8;
	[tilespmem:$0x10600] =	vst v63  }
0x289: {  	s10 =	simm.s32 $0x4E00  }
0x28a: {  	[tilespmem:s10], [sflag:$0x1] =	stream.indirect_vreg.gather [hbm4b:s2+s5], $0x80, v3, vm0, $0xb8;
	[tilespmem:$0x10600] =	vst v63  }
0x28b: {  	v3 =	vld [tilespmem:$0x350];
	_ =	sdelay $0x4  }
0x28c: {  	v53 =	vshll.u32 v3, $0x1  }
0x28d: {  	v3 =	vand.u32 $0x7, v3;
	v4 =	vand.u32 $0xFFFFFFF0, v53  }
0x28e: {  	v3 =	vor.u32 v3, v4  }
0x28f: {  	v4 =	vperm.xlane v3, v0;
	_ =	sdelay $0x1  }
0x290: {  	v3 =	vperm.xlane v3, v2;
	v4 =	vadd.s32 v1, v4;
	_ =	sdelay $0x1  }
0x291: {  	v3 =	vadd.s32 v1, v3;
	_ =	sdelay $0x1  }
0x292: {  	s4 =	simm.s32 $0x5600  }
0x293: {  	[tilespmem:s4], [sflag:$0x1] =	stream.indirect_vreg.gather [hbm4b:s2+s5], $0x80, v4, vm0, $0xb8;
	[tilespmem:$0x10600] =	vst v63  }
0x294: {  	s12 =	simm.s32 $0x5E00  }
0x295: {  	[tilespmem:s12], [sflag:$0x1] =	stream.indirect_vreg.gather [hbm4b:s2+s5], $0x80, v3, vm0, $0xb8;
	[tilespmem:$0x10600] =	vst v63  }
0x296: {  	v3 =	vld [tilespmem:$0x360];
	_ =	sdelay $0x4  }
0x297: {  	v54 =	vshll.u32 v3, $0x1  }
0x298: {  	v3 =	vand.u32 $0x7, v3;
	v4 =	vand.u32 $0xFFFFFFF0, v54  }
0x299: {  	v3 =	vor.u32 v3, v4  }
0x29a: {  	v4 =	vperm.xlane v3, v0;
	_ =	sdelay $0x1  }
0x29b: {  	v3 =	vperm.xlane v3, v2;
	v4 =	vadd.s32 v1, v4;
	_ =	sdelay $0x1  }
0x29c: {  	v3 =	vadd.s32 v1, v3;
	_ =	sdelay $0x1  }
0x29d: {  	s8 =	simm.s32 $0x6600  }
0x29e: {  	[tilespmem:s8], [sflag:$0x1] =	stream.indirect_vreg.gather [hbm4b:s2+s5], $0x80, v4, vm0, $0xb8;
	[tilespmem:$0x10600] =	vst v63  }
0x29f: {  	s13 =	simm.s32 $0x6E00  }
0x2a0: {  	[tilespmem:s13], [sflag:$0x1] =	stream.indirect_vreg.gather [hbm4b:s2+s5], $0x80, v3, vm0, $0xb8;
	[tilespmem:$0x10600] =	vst v63  }
0x2a1: {  	v3 =	vld [tilespmem:$0x370];
	_ =	sdelay $0x4  }
0x2a2: {  	v55 =	vshll.u32 v3, $0x1  }
0x2a3: {  	v3 =	vand.u32 $0x7, v3;
	v4 =	vand.u32 $0xFFFFFFF0, v55  }
0x2a4: {  	v3 =	vor.u32 v3, v4  }
0x2a5: {  	v4 =	vperm.xlane v3, v0;
	_ =	sdelay $0x1  }
0x2a6: {  	v3 =	vperm.xlane v3, v2;
	v4 =	vadd.s32 v1, v4;
	_ =	sdelay $0x1  }
0x2a7: {  	v3 =	vadd.s32 v1, v3;
	_ =	sdelay $0x1  }
0x2a8: {  	s26 =	simm.s32 $0x7600  }
0x2a9: {  	[tilespmem:s26], [sflag:$0x1] =	stream.indirect_vreg.gather [hbm4b:s2+s5], $0x80, v4, vm0, $0xb8;
	[tilespmem:$0x10600] =	vst v63  }
0x2aa: {  	s14 =	simm.s32 $0x7E00  }
0x2ab: {  	[tilespmem:s14], [sflag:$0x1] =	stream.indirect_vreg.gather [hbm4b:s2+s5], $0x80, v3, vm0, $0xb8;
	[tilespmem:$0x10600] =	vst v63  }
0x2ac: {  	_ =	swait.ge [sflag:s19], $0x8000  }
0x2ad: {  	[sflag:s19] =	ssyncset.done $0x0  }
0x2ae: {  	s13 =	rddreg [dreg:$0xd];
	[sflag:s19] =	ssyncadd.s32 $0xFFFF8000  }
0x2af: {  	[hbm4b:s13+s5] =	stream.linear.scatter [tilespmem:s15], [sflag:$0x4], $0x8000, $0x38;
	[tilespmem:$0x10600] =	vst v63  }
0x2b0: {  	_ =	swait.ge [sflag:s20], $0x8000  }
0x2b1: {  	[sflag:s20] =	ssyncset.done $0x0  }
0x2b2: {  	[sflag:s20] =	ssyncadd.s32 $0xFFFF8000  }
0x2b3: {  	v3 =	vld [tilespmem:$0x380];
	_ =	sdelay $0x4  }
0x2b4: {  	v56 =	vshll.u32 v3, $0x1  }
0x2b5: {  	v3 =	vand.u32 $0x7, v3;
	v4 =	vand.u32 $0xFFFFFFF0, v56  }
0x2b6: {  	v3 =	vor.u32 v3, v4  }
0x2b7: {  	v4 =	vperm.xlane v3, v0;
	_ =	sdelay $0x1  }
0x2b8: {  	v3 =	vperm.xlane v3, v2;
	v4 =	vadd.s32 v1, v4;
	_ =	sdelay $0x1  }
0x2b9: {  	v3 =	vadd.s32 v1, v3;
	_ =	sdelay $0x2  }
0x2ba: {  	[tilespmem:s15], [sflag:$0x2] =	stream.indirect_vreg.gather [hbm4b:s2+s5], $0x80, v4, vm0, $0xb8;
	[tilespmem:$0x10600] =	vst v63  }
0x2bb: {  	s14 =	simm.s32 $0x8E00  }
0x2bc: {  	[tilespmem:s14], [sflag:$0x2] =	stream.indirect_vreg.gather [hbm4b:s2+s5], $0x80, v3, vm0, $0xb8;
	[tilespmem:$0x10600] =	vst v63  }
0x2bd: {  	v3 =	vld [tilespmem:$0x390];
	_ =	sdelay $0x4  }
0x2be: {  	v57 =	vshll.u32 v3, $0x1  }
0x2bf: {  	v3 =	vand.u32 $0x7, v3;
	v4 =	vand.u32 $0xFFFFFFF0, v57  }
0x2c0: {  	v3 =	vor.u32 v3, v4  }
0x2c1: {  	v4 =	vperm.xlane v3, v0;
	_ =	sdelay $0x1  }
0x2c2: {  	v3 =	vperm.xlane v3, v2;
	v4 =	vadd.s32 v1, v4;
	_ =	sdelay $0x1  }
0x2c3: {  	v3 =	vadd.s32 v1, v3;
	_ =	sdelay $0x1  }
0x2c4: {  	s9 =	simm.s32 $0x9600  }
0x2c5: {  	[tilespmem:s9], [sflag:$0x2] =	stream.indirect_vreg.gather [hbm4b:s2+s5], $0x80, v4, vm0, $0xb8;
	[tilespmem:$0x10600] =	vst v63  }
0x2c6: {  	s22 =	simm.s32 $0x9E00  }
0x2c7: {  	[tilespmem:s22], [sflag:$0x2] =	stream.indirect_vreg.gather [hbm4b:s2+s5], $0x80, v3, vm0, $0xb8;
	[tilespmem:$0x10600] =	vst v63  }
0x2c8: {  	v3 =	vld [tilespmem:$0x3A0];
	_ =	sdelay $0x4  }
0x2c9: {  	v58 =	vshll.u32 v3, $0x1  }
0x2ca: {  	v3 =	vand.u32 $0x7, v3;
	v4 =	vand.u32 $0xFFFFFFF0, v58  }
0x2cb: {  	v3 =	vor.u32 v3, v4  }
0x2cc: {  	v4 =	vperm.xlane v3, v0;
	_ =	sdelay $0x1  }
0x2cd: {  	v3 =	vperm.xlane v3, v2;
	v4 =	vadd.s32 v1, v4;
	_ =	sdelay $0x1  }
0x2ce: {  	v3 =	vadd.s32 v1, v3;
	_ =	sdelay $0x1  }
0x2cf: {  	s11 =	simm.s32 $0xA600  }
0x2d0: {  	[tilespmem:s11], [sflag:$0x2] =	stream.indirect_vreg.gather [hbm4b:s2+s5], $0x80, v4, vm0, $0xb8;
	[tilespmem:$0x10600] =	vst v63  }
0x2d1: {  	s16 =	simm.s32 $0xAE00  }
0x2d2: {  	[tilespmem:s16], [sflag:$0x2] =	stream.indirect_vreg.gather [hbm4b:s2+s5], $0x80, v3, vm0, $0xb8;
	[tilespmem:$0x10600] =	vst v63  }
0x2d3: {  	v3 =	vld [tilespmem:$0x3B0];
	_ =	sdelay $0x4  }
0x2d4: {  	v59 =	vshll.u32 v3, $0x1  }
0x2d5: {  	v3 =	vand.u32 $0x7, v3;
	v4 =	vand.u32 $0xFFFFFFF0, v59  }
0x2d6: {  	v3 =	vor.u32 v3, v4  }
0x2d7: {  	v4 =	vperm.xlane v3, v0;
	_ =	sdelay $0x1  }
0x2d8: {  	v3 =	vperm.xlane v3, v2;
	v4 =	vadd.s32 v1, v4;
	_ =	sdelay $0x1  }
0x2d9: {  	v3 =	vadd.s32 v1, v3;
	_ =	sdelay $0x1  }
0x2da: {  	s30 =	simm.s32 $0xB600  }
0x2db: {  	[tilespmem:s30], [sflag:$0x2] =	stream.indirect_vreg.gather [hbm4b:s2+s5], $0x80, v4, vm0, $0xb8;
	[tilespmem:$0x10600] =	vst v63  }
0x2dc: {  	s28 =	simm.s32 $0xBE00  }
0x2dd: {  	[tilespmem:s28], [sflag:$0x2] =	stream.indirect_vreg.gather [hbm4b:s2+s5], $0x80, v3, vm0, $0xb8;
	[tilespmem:$0x10600] =	vst v63  }
0x2de: {  	v3 =	vld [tilespmem:$0x3C0];
	_ =	sdelay $0x4  }
0x2df: {  	v60 =	vshll.u32 v3, $0x1  }
0x2e0: {  	v3 =	vand.u32 $0x7, v3;
	v4 =	vand.u32 $0xFFFFFFF0, v60  }
0x2e1: {  	v3 =	vor.u32 v3, v4  }
0x2e2: {  	v4 =	vperm.xlane v3, v0;
	_ =	sdelay $0x1  }
0x2e3: {  	v3 =	vperm.xlane v3, v2;
	v4 =	vadd.s32 v1, v4;
	_ =	sdelay $0x1  }
0x2e4: {  	v3 =	vadd.s32 v1, v3;
	_ =	sdelay $0x1  }
0x2e5: {  	s31 =	simm.s32 $0xC600  }
0x2e6: {  	[tilespmem:s31], [sflag:$0x2] =	stream.indirect_vreg.gather [hbm4b:s2+s5], $0x80, v4, vm0, $0xb8;
	[tilespmem:$0x10600] =	vst v63  }
0x2e7: {  	s25 =	simm.s32 $0xCE00  }
0x2e8: {  	[tilespmem:s25], [sflag:$0x2] =	stream.indirect_vreg.gather [hbm4b:s2+s5], $0x80, v3, vm0, $0xb8;
	[tilespmem:$0x10600] =	vst v63  }
0x2e9: {  	v3 =	vld [tilespmem:$0x3D0];
	_ =	sdelay $0x4  }
0x2ea: {  	v61 =	vshll.u32 v3, $0x1  }
0x2eb: {  	v3 =	vand.u32 $0x7, v3;
	v4 =	vand.u32 $0xFFFFFFF0, v61  }
0x2ec: {  	v3 =	vor.u32 v3, v4  }
0x2ed: {  	v4 =	vperm.xlane v3, v0;
	_ =	sdelay $0x1  }
0x2ee: {  	v3 =	vperm.xlane v3, v2;
	v4 =	vadd.s32 v1, v4;
	_ =	sdelay $0x1  }
0x2ef: {  	v3 =	vadd.s32 v1, v3;
	_ =	sdelay $0x1  }
0x2f0: {  	s24 =	simm.s32 $0xD600  }
0x2f1: {  	[tilespmem:s24], [sflag:$0x2] =	stream.indirect_vreg.gather [hbm4b:s2+s5], $0x80, v4, vm0, $0xb8;
	[tilespmem:$0x10600] =	vst v63  }
0x2f2: {  	s26 =	simm.s32 $0xDE00  }
0x2f3: {  	[tilespmem:s26], [sflag:$0x2] =	stream.indirect_vreg.gather [hbm4b:s2+s5], $0x80, v3, vm0, $0xb8;
	[tilespmem:$0x10600] =	vst v63  }
0x2f4: {  	v3 =	vld [tilespmem:$0x3E0];
	_ =	sdelay $0x4  }
0x2f5: {  	v62 =	vshll.u32 v3, $0x1  }
0x2f6: {  	v3 =	vand.u32 $0x7, v3;
	v4 =	vand.u32 $0xFFFFFFF0, v62  }
0x2f7: {  	v3 =	vor.u32 v3, v4  }
0x2f8: {  	v4 =	vperm.xlane v3, v0;
	_ =	sdelay $0x1  }
0x2f9: {  	v3 =	vperm.xlane v3, v2;
	v4 =	vadd.s32 v1, v4;
	_ =	sdelay $0x1  }
0x2fa: {  	v3 =	vadd.s32 v1, v3;
	_ =	sdelay $0x1  }
0x2fb: {  	s29 =	simm.s32 $0xE600  }
0x2fc: {  	[tilespmem:s29], [sflag:$0x2] =	stream.indirect_vreg.gather [hbm4b:s2+s5], $0x80, v4, vm0, $0xb8;
	[tilespmem:$0x10600] =	vst v63  }
0x2fd: {  	s28 =	simm.s32 $0xEE00  }
0x2fe: {  	[tilespmem:s28], [sflag:$0x2] =	stream.indirect_vreg.gather [hbm4b:s2+s5], $0x80, v3, vm0, $0xb8;
	[tilespmem:$0x10600] =	vst v63  }
0x2ff: {  	v3 =	vld [tilespmem:$0x3F0];
	_ =	sdelay $0x4  }
0x300: {  	v63 =	vshll.u32 v3, $0x1  }
0x301: {  	v3 =	vand.u32 $0x7, v3;
	v4 =	vand.u32 $0xFFFFFFF0, v63  }
0x302: {  	v3 =	vor.u32 v3, v4  }
0x303: {  	v4 =	vperm.xlane v3, v0;
	_ =	sdelay $0x1  }
0x304: {  	v3 =	vperm.xlane v3, v2;
	v4 =	vadd.s32 v1, v4;
	_ =	sdelay $0x1  }
0x305: {  	v3 =	vadd.s32 v1, v3;
	_ =	sdelay $0x1  }
0x306: {  	s23 =	simm.s32 $0xF600  }
0x307: {  	[tilespmem:s23], [sflag:$0x2] =	stream.indirect_vreg.gather [hbm4b:s2+s5], $0x80, v4, vm0, $0xb8;
	[tilespmem:$0x10600] =	vst v63  }
0x308: {  	s29 =	simm.s32 $0xFE00  }
0x309: {  	[tilespmem:s29], [sflag:$0x2] =	stream.indirect_vreg.gather [hbm4b:s2+s5], $0x80, v3, vm0, $0xb8;
	[tilespmem:$0x10600] =	vst v63  }
0x30a: {  	_ =	swait.ge [sflag:s17], $0x8000  }
0x30b: {  	[sflag:s17] =	ssyncset.done $0x0  }
0x30c: {  	s30 =	rddreg [dreg:$0xe];
	[sflag:s17] =	ssyncadd.s32 $0xFFFF8000  }
0x30d: {  	[hbm4b:s30+s5] =	stream.linear.scatter [tilespmem:s3], [sflag:$0x3], $0x8000, $0x38;
	[tilespmem:$0x10600] =	vst v63  }
0x30e: {  	_ =	swait.ge [sflag:s19], $0x8000  }
0x30f: {  	[sflag:s19] =	ssyncset.done $0x0  }
0x310: {  	s31 =	rddreg [dreg:$0xf];
	[sflag:s19] =	ssyncadd.s32 $0xFFFF8000  }
0x311: {  	[hbm4b:s31+s5] =	stream.linear.scatter [tilespmem:s15], [sflag:$0x4], $0x8000, $0x38;
	[tilespmem:$0x10600] =	vst v63  }
0x312: {  	_ =	swait.ge [sflag:s18], $0x8000  }
0x313: {  	[sflag:s18] =	ssyncset.done $0x0  }
0x314: {  	[sflag:s18] =	ssyncadd.s32 $0xFFFF8000  }
0x315: {  	_ =	swait.ge [sflag:s20], $0x8000  }
0x316: {  	[sflag:s20] =	ssyncset.done $0x0  }
0x317: {  	[sflag:s20] =	ssyncadd.s32 $0xFFFF8000  }
0x318: {  	_ =	swait.ge [sflag:s21], $0x80  }
0x319: {  	[sflag:s21] =	ssyncset.done $0x0  }
0x31a: {  	[sflag:s21] =	ssyncadd.s32 $0xFFFFFF80  }
0x31b: {  	_ =	swait.ge [sflag:s21], $0x80  }
0x31c: {  	[sflag:s21] =	ssyncset.done $0x0  }
0x31d: {  	[sflag:s21] =	ssyncadd.s32 $0xFFFFFF80  }
0x31e: {  	p0 =	sne.s32 s6, $0x1;
	_ =	swait.ge [sflag:s21], $0x80  }
.Ltmp0:
0x31f: {  	[sflag:s21] =	ssyncset.done $0x0;
	(pc) =	sbr.rel @p0 .LBB2_1-.Ltmp0, $4  }
0x320: {  	[sflag:s21] =	ssyncadd.s32 $0xFFFFFF80  }
0x321: {  	_ =	swait.ge [sflag:s21], $0x80  }
0x322: {  	[sflag:s21] =	ssyncset.done $0x0  }
0x323: {  	s6 =	sadd.s32 $0xFFFFFFFF, s6;
	[sflag:s21] =	ssyncadd.s32 $0xFFFFFF80  }
0x324: {  	_ =	sfence.sel $0x180000  }
0x325: {  	[bflag:$0x0] =	sbarrier.arrive $0xFFFF  }
0x326: {  	_ =	strace $0x9000004A  }
0x327: {  	s0 =	stileid.u32;
	[bflag:$0x2] =	sbarrier.arrive $0xFFFF  }
0x328: {  	p0 =	sne.s32 s0, $0x0;
	s0 =	rddreg [dreg:$0x4]  }
0x329: {  	s0 =	sadd.s32 @!p0 $0x100000, s0  }
0x32a: {  	[sflag:s0] =	ssyncadd.tile.s32 @!p0 $0x1;
	_ =	shalt  }
.Lfunc_end2:
_tile_overlayer_lowered:
.L_overlay_start_2:
0x32b: {  	(tag) =	ssettag $0x2  }
0x32c: {  	s0 =	rddreg [dreg:$0x0];
	s2 =	stileid.u32  }
0x32d: {  	s1 =	rddreg [dreg:$0x1];
	p0 =	sne.s32 s2, $0x0  }
0x32e: {  	s3 =	rddreg [dreg:$0x2];
	[bflag:$0x3] =	sbarrier.arrive $0xFFFF;
	s2 =	simm.s32 @!p0 $0x1C06  }
0x32f: {  	[timem:s3], [sflag:s2] =	dma.local @!p0 [hbm:s0], s1  }
0x330: {  	s0 =	simm.s32 @!p0 $0x6  }
0x331: {  	_ =	swait.ge @!p0 [sflag:s0], s1  }
0x332: {  	s1 =	ssub.s32 @!p0 $0x0, s1;
	[sflag:s0] =	ssyncset.done @!p0 $0x0  }
0x333: {  	[sflag:s0] =	ssyncadd.s32 @!p0 s1  }
0x334: {  	[bflag:$0x3] =	sbarrier.arrive $0xFFFF  }
0x335: {  	_ =	shalt  }

// kernel: kernel.8.cloned.1.call-start
scs
__scs_entry_jumppad:
0x0: {  	(pc) =	sbr.rel $0x88, $3  }
0x1: {  	(tag) =	ssettag $0x0;
	lr =	simm.s32 $0x1  }
0x2: {  	[smem:$0x3F94] =	sst lr;
	_ =	strace $0xD0000000  }
0x3: {  	_ = 	snop  }
0x4: {  	_ = 	snop  }
0x5: {  	_ = 	snop  }
0x6: {  	_ = 	snop  }
0x7: {  	_ = 	snop  }
__scs_overlays_trampoline_lowered:
0x8: {  	[smem:$0x3FA3] =	sst s0  }
0x9: {  	[smem:$0x3FA4] =	sst s1  }
0xa: {  	[smem:$0x3FA5] =	sst s2  }
0xb: {  	[smem:$0x3FA6] =	sst s3  }
0xc: {  	[smem:$0x3FA7] =	sst s4  }
0xd: {  	[smem:$0x3FA8] =	sst s5  }
0xe: {  	[smem:$0x3FA9] =	sst s6  }
0xf: {  	[smem:$0x3FAA] =	sst s7  }
0x10: {  	[smem:$0x3FAB] =	sst s8  }
0x11: {  	[smem:$0x3FAC] =	sst s9;
	s0 =	simm.s32 @!p0 $0x0  }
0x12: {  	s1 =	sld [smem:$0x3F92];
	s0 =	simm.s32 @p0 $0x1  }
0x13: {  	[smem:$0x3FAD] =	sst s0;
	s0 =	simm.s32 @!p1 $0x0  }
0x14: {  	s2 =	sld [smem:$0x3F91];
	s0 =	simm.s32 @p1 $0x1  }
0x15: {  	[smem:$0x3FAE] =	sst s0;
	s0 =	simm.s32 @!p2 $0x0  }
0x16: {  	s3 =	sld [smem:$0x3FDB];
	s0 =	simm.s32 @p2 $0x1  }
0x17: {  	s4 =	simm.s32 $0x1BF5;
	[smem:$0x3FB0] =	sst s0  }
0x18: {  	s0 =	sld [smem:$0x3F93];
	_ =	swait.ge [sflag:s4], $0x0  }
0x19: {  	s7 =	sld [smem:$0x3F94]  }
0x1a: {  	s8 =	sadd.s32 $0xFFFFE003, lr  }
0x1b: {  	s9 =	sadd.s32 $0xFFFFFEF7, lr;
	s5 =	simm.s32 $0xFFFFFFFF;
	p2 =	slt.u32 s8, $0xFFFFF086  }
0x1c: {  	p1 =	slt.u32 s9, $0xF7A;
	s5 =	simm.s32 @!p2 $0x0  }
0x1d: {  	s5 =	simm.s32 @p1 $0x1;
	p0 =	seq.s32 s7, s2  }
0x1e: {  	s7 =	smul.u32 @!p0 $0xF7A, s2;
	p2 =	seq.s32 @!p0 s5, $0x0  }
0x1f: {  	s9 =	smul.u32 $0xF7A, s1;
	s8 =	simm.s32 @!p0 $0x1BF5;
	p2 =	por !p2, p0  }
0x20: {  	[sflag:s8] =	ssyncset.s32 @!p0 $0xFFFFF086;
	s6 =	sadd.s32 @!p0 s3, s7;
	s7 =	simm.s32 @!p0 $0x108  }
0x21: {  	s3 =	sadd.s32 s3, s9;
	s6 =	sadd.s32 @!p0 $0x88, s6;
	s7 =	simm.s32 @p2 $0x1082  }
0x22: {  	[simem:s7], [sflag:s8] =	dma.local @!p0 [hbm:s6], $0xF7A  }
0x23: {  	s9 =	sor.u32 $0xD0000000, s2;
	s6 =	simm.s32 $0x108;
	_ =	swait.ge @!p0 [sflag:s8], $0x0  }
0x24: {  	s3 =	sadd.s32 $0x88, s3;
	s6 =	simm.s32 @!p1 $0x1082;
	[sflag:s4] =	ssyncset.s32 $0xFFFFF086  }
0x25: {  	[simem:s6], [sflag:s4] =	dma.local [hbm:s3], $0xF7A  }
0x26: {  	[smem:$0x3F94] =	sst s1;
	(tag) =	ssettag s2;
	_ =	strace s9  }
0x27: {  	s1 =	sld [smem:$0x3FA4]  }
0x28: {  	s2 =	sld [smem:$0x3FA5]  }
0x29: {  	s4 =	sld [smem:$0x3FA7]  }
0x2a: {  	p0 =	seq.s32 s5, $0x0;
	s5 =	sld [smem:$0x3FA8]  }
0x2b: {  	s6 =	sld [smem:$0x3FA9]  }
0x2c: {  	s7 =	sld [smem:$0x3FAA]  }
0x2d: {  	s3 =	simm.s32 $0x108;
	s8 =	sld [smem:$0x3FAB]  }
0x2e: {  	s3 =	simm.s32 @!p0 $0x1082;
	s9 =	sld [smem:$0x3FAC]  }
0x2f: {  	lr =	sadd.s32 s0, s3;
	s0 =	sld [smem:$0x3FA3]  }
0x30: {  	s3 =	sld [smem:$0x3FA6]  }
0x31: {  	[smem:$0x3FAF] =	sst s10  }
0x32: {  	s10 =	sld [smem:$0x3FAD];
	_ =	sdelay $0x3  }
0x33: {  	p0 =	seq.s32 s10, $0x1;
	s10 =	sld [smem:$0x3FAF];
	_ =	sdelay $0x3  }
0x34: {  	[smem:$0x3FAF] =	sst s10  }
0x35: {  	s10 =	sld [smem:$0x3FAE];
	_ =	sdelay $0x3  }
0x36: {  	p1 =	seq.s32 s10, $0x1;
	s10 =	sld [smem:$0x3FAF];
	_ =	sdelay $0x3  }
0x37: {  	[smem:$0x3FAF] =	sst s10  }
0x38: {  	s10 =	sld [smem:$0x3FB0]  }
0x39: {  	_ = 	snop;
	(pc) =	sbr.ind lr, $3  }
0x3a: {  	_ = 	snop  }
0x3b: {  	_ = 	snop  }
0x3c: {  	p2 =	seq.s32 s10, $0x1;
	s10 =	sld [smem:$0x3FAF]  }
0x3d: {  	_ =	shalt  }
0x3e: {  	_ =	shalt  }
0x3f: {  	_ =	shalt  }
0x40: {  	_ =	shalt  }
0x41: {  	_ =	shalt  }
0x42: {  	_ =	shalt  }
0x43: {  	_ =	shalt  }
0x44: {  	_ =	shalt  }
0x45: {  	_ =	shalt  }
0x46: {  	_ =	shalt  }
0x47: {  	_ =	shalt  }
0x48: {  	_ =	shalt  }
0x49: {  	_ =	shalt  }
0x4a: {  	_ =	shalt  }
0x4b: {  	_ =	shalt  }
0x4c: {  	_ =	shalt  }
0x4d: {  	_ =	shalt  }
0x4e: {  	_ =	shalt  }
0x4f: {  	_ =	shalt  }
0x50: {  	_ =	shalt  }
0x51: {  	_ =	shalt  }
0x52: {  	_ =	shalt  }
0x53: {  	_ =	shalt  }
0x54: {  	_ =	shalt  }
0x55: {  	_ =	shalt  }
0x56: {  	_ =	shalt  }
0x57: {  	_ =	shalt  }
0x58: {  	_ =	shalt  }
0x59: {  	_ =	shalt  }
0x5a: {  	_ =	shalt  }
0x5b: {  	_ =	shalt  }
0x5c: {  	_ =	shalt  }
0x5d: {  	_ =	shalt  }
0x5e: {  	_ =	shalt  }
0x5f: {  	_ =	shalt  }
0x60: {  	_ =	shalt  }
0x61: {  	_ =	shalt  }
0x62: {  	_ =	shalt  }
0x63: {  	_ =	shalt  }
0x64: {  	_ =	shalt  }
0x65: {  	_ =	shalt  }
0x66: {  	_ =	shalt  }
0x67: {  	_ =	shalt  }
0x68: {  	_ =	shalt  }
0x69: {  	_ =	shalt  }
0x6a: {  	_ =	shalt  }
0x6b: {  	_ =	shalt  }
0x6c: {  	_ =	shalt  }
0x6d: {  	_ =	shalt  }
0x6e: {  	_ =	shalt  }
0x6f: {  	_ =	shalt  }
0x70: {  	_ =	shalt  }
0x71: {  	_ =	shalt  }
0x72: {  	_ =	shalt  }
0x73: {  	_ =	shalt  }
0x74: {  	_ =	shalt  }
0x75: {  	_ =	shalt  }
0x76: {  	_ =	shalt  }
0x77: {  	_ =	shalt  }
0x78: {  	_ =	shalt  }
0x79: {  	_ =	shalt  }
0x7a: {  	_ =	shalt  }
0x7b: {  	_ =	shalt  }
0x7c: {  	_ =	shalt  }
0x7d: {  	_ =	shalt  }
0x7e: {  	_ =	shalt  }
0x7f: {  	_ =	shalt  }
0x80: {  	_ =	shalt  }
0x81: {  	_ =	shalt  }
0x82: {  	_ =	shalt  }
0x83: {  	_ =	shalt  }
0x84: {  	_ =	shalt  }
0x85: {  	_ =	shalt  }
0x86: {  	_ =	shalt  }
0x87: {  	_ =	shalt  }
.Lfunc_end0:
.L_simem_size_0:
called_computation.2_lowered:
.L_overlay_start_0:
0x88: {  	s2 =	sld [smem:$0x3FD9]  }
0x89: {  	s3 =	sld [smem:$0x3FFE];
	_ =	sdelay $0x1  }
0x8a: {  	s1 =	srdreg.scid  }
0x8b: {  	s0 =	sand.u32 $0x1, s1  }
0x8c: {  	s14 =	sshll.u32 s0, $0xA;
	s2 =	sadd.s32 s3, s2  }
0x8d: {  	s2 =	sadd.s32 s2, s14  }
0x8e: {  	[smem:$0x3FBB] =	sst s2  }
0x8f: {  	_ = 	snop  }
0x90: {  	s2 =	sld [smem:$0x3FD0];
	_ =	sdelay $0x2  }
0x91: {  	s15 =	simm.s32 $0xA;
	s4 =	simm.s32 $0x10  }
0x92: {  	[smem:s4], [sflag:s15] =	dma.local [hbm:s2], $0x1  }
0x93: {  	_ =	swait.eq [sflag:s15], $0x1  }
0x94: {  	[sflag:s15] =	ssyncset.done $0x0  }
0x95: {  	[sflag:s15] =	ssyncadd.s32 $0xFFFFFFFF  }
0x96: {  	s16 =	sld [smem:$0x10];
	(tm) =	ssettm $0x1  }
0x97: {  	s17 =	sld [smem:$0x3FFB];
	_ =	sdelay $0x3  }
0x98: {  	_ =	strace s17  }
0x99: {  	s3 =	sld [smem:$0x3FFC];
	_ =	sdelay $0x3  }
0x9a: {  	_ =	strace s3  }
0x9b: {  	s3 =	sld [smem:$0x3FFD];
	_ =	sdelay $0x3  }
0x9c: {  	_ =	strace s3  }
0x9d: {  	_ =	strace $0x8FFFFFFF  }
0x9e: {  	s18 =	sld [smem:$0x3FDB];
	_ =	sdelay $0x1  }
0x9f: {  	s19 =	simm.s32 $_scs_section_size  }
0xa0: {  	s5 =	simm.s32 $_size__tile_overlayer_lowered;
	s6 =	simm.s32 $_tile_overlayer_lowered  }
0xa1: {  	s22 =	simm.s32 $0x1BFF;
	s21 =	sshll.u32 s6, $0x1;
	s3 =	sadd.s32 s19, s18  }
0xa2: {  	s7 =	simm.s32 $0x0;
	s20 =	sshll.u32 s5, $0x1;
	s5 =	sadd.s32 s21, s3  }
0xa3: {  	[timem:s7], [sflag:s22] =	dma.local [hbm:s5], s20  }
0xa4: {  	_ =	swait.ge [sflag:s22], s20  }
0xa5: {  	s4 =	ssub.s32 $0x0, s20;
	[sflag:s22] =	ssyncset.done $0x0  }
0xa6: {  	[sflag:s22] =	ssyncadd.s32 s4;
	_ =	sdelay $0x1  }
0xa7: {  	s23 =	simm.s32 $0x1B8B  }
0xa8: {  	_ =	swait.ge [sflag:s23], $0x1  }
0xa9: {  	[sflag:s23] =	ssyncset.done $0x0  }
0xaa: {  	s25 =	simm.s32 $0x1B8E;
	s24 =	sld [smem:$0x3FFE];
	[sflag:s23] =	ssyncadd.s32 $0xFFFFFFFF  }
0xab: {  	s26 =	simm.s32 $execute0_lowered;
	[smem:$0x3FD2] =	sst s25  }
0xac: {  	s5 =	sshll.u32 s26, $0x1;
	_ =	strace $0x8000004C;
	[dreg:$0x1] =	wrdreg $0xFFFFFFFF  }
0xad: {  	s28 =	simm.s32 $_size_execute0_lowered;
	s3 =	sadd.s32 s3, s5;
	[dreg:$0x0] =	wrdreg $0x0  }
0xae: {  	s5 =	sshll.u32 s28, $0x1;
	[dreg:$0x2] =	wrdreg s3  }
0xaf: {  	[dreg:$0x3] =	wrdreg s5  }
0xb0: {  	[dreg:$0x4] =	wrdreg $0xC0  }
0xb1: {  	_ =	task [dreg:s7], $0x5FFFF  }
0xb2: {  	[dreg:$0x1] =	wrdreg $0xFFFFFFFF  }
0xb3: {  	[dreg:$0x0] =	wrdreg $0x60  }
0xb4: {  	[dreg:$0x2] =	wrdreg s24  }
0xb5: {  	[dreg:$0x3] =	wrdreg s16  }
0xb6: {  	[dreg:$0x4] =	wrdreg $0x9  }
0xb7: {  	_ =	task.clear_ibuf [dreg:s7], $0x5FFFF;
	_ =	strace $0x9000004C  }
0xb8: {  	s29 =	simm.s32 $0x9;
	_ =	strace $0x8000004E  }
0xb9: {  	_ =	swait.ge [sflag:s29], $0x1  }
0xba: {  	[sflag:s29] =	ssyncadd.s32 $0xFFFFFFFF  }
0xbb: {  	_ =	strace $0x9000004E  }
0xbc: {  	_ =	sfence  }
0xbd: {  	s30 =	sld [smem:$0x0];
	_ =	sdelay $0x2  }
0xbe: {  	s31 =	sshll.u32 s1, $0xD;
	s1 =	sshrl.u32 s1, $0x2  }
0xbf: {  	s3 =	sand.u32 $0x4000, s31;
	s1 =	sadd.s32 s1, s30  }
0xc0: {  	s0 =	sor.u32 s3, s0;
	s1 =	sshll.u32 s1, $0x11  }
0xc1: {  	s0 =	sor.u32 s1, s0  }
0xc2: {  	s0 =	sadd.s32 $0x8F2B, s0  }
0xc3: {  	[sflag:s0] =	ssyncadd.remote.s32 $0x1  }
0xc4: {  	_ =	sfence.sel $0xFFFF  }
0xc5: {  	[dreg:$0x0] =	wrdreg $0xFFFFFFFF;
	(pc) =	sbr.abs _section_cstart, $3  }
0xc6: {  	[dreg:$0x1] =	wrdreg $0xFFFFFFFF  }
0xc7: {  	_ =	task.clear_ibuf [dreg:s7], $0x2FFFF;
	_ =	strace $0x9FFFFFFF  }
0xc8: {  	(tm) =	ssettm $0x7FFFFFFF  }
0xc9: {  	_ =	shalt  }
tec
execute0_lowered:
.L_overlay_start_1:
0x0: {  	(tag) =	ssettag $0x1  }
0x1: {  	s0 =	srdreg.scid;
	s2 =	stileid.u32  }
0x2: {  	s1 =	rddreg [dreg:$0x0];
	s17 =	simm.s32 $0x4;
	s8 =	simm.s32 $0x8200  }
0x3: {  	s28 =	simm.s32 $0x3A00;
	s29 =	simm.s32 $0x4200;
	s30 =	simm.s32 $0x4A00  }
0x4: {  	s31 =	simm.s32 $0x5200;
	s12 =	simm.s32 $0x8A00;
	s13 =	simm.s32 $0x9200  }
0x5: {  	s14 =	simm.s32 $0x9A00;
	s15 =	simm.s32 $0xA200;
	s16 =	simm.s32 $0xAA00  }
0x6: {  	s6 =	simm.s32 $0xBA00;
	s9 =	simm.s32 $0xCA00;
	s10 =	simm.s32 $0xD200  }
0x7: {  	s11 =	simm.s32 $0xDA00;
	s20 =	simm.s32 $0xEA00;
	s0 =	sand.u32 $0x1, s0  }
0x8: {  	s21 =	simm.s32 $0xF200;
	s3 =	sshll.u32 s2, $0xA;
	s4 =	sshll.u32 s0, $0x9  }
0x9: {  	s2 =	rddreg [dreg:$0x1];
	s0 =	ssub.s32 $0x2, s0;
	s4 =	sor.u32 s4, s3  }
0xa: {  	s3 =	simm.s32 $0x0;
	s25 =	sshrl.u32 s0, $0x1;
	s5 =	sshrl.u32 s4, $0x3  }
0xb: {  	[smem:$0x7FF] =	sst s3;
	s4 =	sshll.u32 s4, $0x5;
	s5 =	sadd.s32 s5, s1  }
0xc: {  	s0 =	ssub.s32 s0, s25;
	s1 =	sadd.s32 s4, s1;
	s22 =	sadd.s32 $0x400, s5  }
0xd: {  	_ =	strace $0x8000004D;
	s23 =	sadd.s32 $0xC00, s1;
	[dreg:$0x3] =	wrdreg s22  }
0xe: {  	s25 =	simm.s32 $0x3;
	s24 =	sadd.s32 $0x1C00, s1;
	[dreg:$0x4] =	wrdreg s23  }
0xf: {  	s4 =	smax.u32 s0, $0x1;
	s26 =	sadd.s32 $0x2C00, s1;
	[dreg:$0x5] =	wrdreg s24  }
0x10: {  	v2 =	vlaneseq.u32;
	s1 =	sadd.s32 $0x3C00, s1;
	s5 =	simm.s32 $0xB200;
	[dreg:$0x6] =	wrdreg s26  }
0x11: {  	vm0 =	vmmov $0xffff;
	v1 =	vshrl.u32 v2, $0x3;
	[dreg:$0x7] =	wrdreg s1;
	s24 =	simm.s32 $0x1;
	s23 =	simm.s32 $0x2A00  }
0x12: {  	v0 =	vand.u32 $0x7, v2;
	v2 =	vor.u32 $0x8, v2;
	v1 =	vmul.u32 $0x8, v1;
	s26 =	simm.s32 $0x3200;
	s1 =	simm.s32 $0xC200;
	s22 =	simm.s32 $0xFA00  }
.LBB2_1:
0x13: {  	s18 =	rddreg [dreg:$0x3];
	s0 =	simm.s32 $0x5  }
0x14: {  	[tilespmem:s3], [sflag:$0x5] =	stream.linear.gather [hbm4b:s18+s3], $0x200, $0x38;
	[tilespmem:$0x10200] =	vst v63  }
0x15: {  	_ =	swait.ge [sflag:s0], $0x200  }
0x16: {  	[sflag:s0] =	ssyncset.done $0x0  }
0x17: {  	s7 =	simm.s32 $0x200;
	s18 =	rddreg [dreg:$0x4];
	[sflag:s0] =	ssyncadd.s32 $0xFFFFFE00  }
0x18: {  	[tilespmem:s7], [sflag:$0x1] =	stream.linear.gather [hbm4b:s18+s3], $0x8000, $0x38;
	[tilespmem:$0x10200] =	vst v63  }
0x19: {  	s19 =	rddreg [dreg:$0x5]  }
0x1a: {  	[tilespmem:s8], [sflag:$0x2] =	stream.linear.gather [hbm4b:s19+s3], $0x8000, $0x38;
	[tilespmem:$0x10200] =	vst v63  }
0x1b: {  	_ =	swait.ge [sflag:s24], $0x8000  }
0x1c: {  	[sflag:s24] =	ssyncset.done $0x0  }
0x1d: {  	[sflag:s24] =	ssyncadd.s32 $0xFFFF8000  }
0x1e: {  	v3 =	vld [tilespmem:$0x0];
	_ =	sdelay $0x4  }
0x1f: {  	v4 =	vshll.u32 v3, $0x1  }
0x20: {  	v3 =	vand.u32 $0x7, v3;
	v4 =	vand.u32 $0xFFFFFFF0, v4  }
0x21: {  	v3 =	vor.u32 v3, v4  }
0x22: {  	v4 =	vperm.xlane v3, v0;
	_ =	sdelay $0x1  }
0x23: {  	v3 =	vperm.xlane v3, v2;
	v4 =	vadd.s32 v1, v4;
	_ =	sdelay $0x1  }
0x24: {  	v3 =	vadd.s32 v1, v3;
	_ =	sdelay $0x2  }
0x25: {  	[hbm4b:s2+s3] =	stream.indirect_vreg.scatter [tilespmem:s7], [sflag:$0x3], $0x80, v4, vm0, $0xb8;
	[tilespmem:$0x10200] =	vst v63  }
0x26: {  	s19 =	simm.s32 $0xA00  }
0x27: {  	[hbm4b:s2+s3] =	stream.indirect_vreg.scatter [tilespmem:s19], [sflag:$0x3], $0x80, v3, vm0, $0xb8;
	[tilespmem:$0x10200] =	vst v63  }
0x28: {  	v3 =	vld [tilespmem:$0x10];
	_ =	sdelay $0x4  }
0x29: {  	v33 =	vshll.u32 v3, $0x1  }
0x2a: {  	v3 =	vand.u32 $0x7, v3;
	v4 =	vand.u32 $0xFFFFFFF0, v33  }
0x2b: {  	v3 =	vor.u32 v3, v4  }
0x2c: {  	v4 =	vperm.xlane v3, v0;
	_ =	sdelay $0x1  }
0x2d: {  	v3 =	vperm.xlane v3, v2;
	v4 =	vadd.s32 v1, v4;
	_ =	sdelay $0x1  }
0x2e: {  	v3 =	vadd.s32 v1, v3;
	_ =	sdelay $0x1  }
0x2f: {  	s18 =	simm.s32 $0x1200  }
0x30: {  	[hbm4b:s2+s3] =	stream.indirect_vreg.scatter [tilespmem:s18], [sflag:$0x3], $0x80, v4, vm0, $0xb8;
	[tilespmem:$0x10200] =	vst v63  }
0x31: {  	s19 =	simm.s32 $0x1A00  }
0x32: {  	[hbm4b:s2+s3] =	stream.indirect_vreg.scatter [tilespmem:s19], [sflag:$0x3], $0x80, v3, vm0, $0xb8;
	[tilespmem:$0x10200] =	vst v63  }
0x33: {  	v3 =	vld [tilespmem:$0x20];
	_ =	sdelay $0x4  }
0x34: {  	v34 =	vshll.u32 v3, $0x1  }
0x35: {  	v3 =	vand.u32 $0x7, v3;
	v4 =	vand.u32 $0xFFFFFFF0, v34  }
0x36: {  	v3 =	vor.u32 v3, v4  }
0x37: {  	v4 =	vperm.xlane v3, v0;
	_ =	sdelay $0x1  }
0x38: {  	v3 =	vperm.xlane v3, v2;
	v4 =	vadd.s32 v1, v4;
	_ =	sdelay $0x1  }
0x39: {  	v3 =	vadd.s32 v1, v3;
	_ =	sdelay $0x1  }
0x3a: {  	s18 =	simm.s32 $0x2200  }
0x3b: {  	[hbm4b:s2+s3] =	stream.indirect_vreg.scatter [tilespmem:s18], [sflag:$0x3], $0x80, v4, vm0, $0xb8;
	[tilespmem:$0x10200] =	vst v63  }
0x3c: {  	_ = 	snop  }
0x3d: {  	[hbm4b:s2+s3] =	stream.indirect_vreg.scatter [tilespmem:s23], [sflag:$0x3], $0x80, v3, vm0, $0xb8;
	[tilespmem:$0x10200] =	vst v63  }
0x3e: {  	v3 =	vld [tilespmem:$0x30];
	_ =	sdelay $0x4  }
0x3f: {  	v35 =	vshll.u32 v3, $0x1  }
0x40: {  	v3 =	vand.u32 $0x7, v3;
	v4 =	vand.u32 $0xFFFFFFF0, v35  }
0x41: {  	v3 =	vor.u32 v3, v4  }
0x42: {  	v4 =	vperm.xlane v3, v0;
	_ =	sdelay $0x1  }
0x43: {  	v3 =	vperm.xlane v3, v2;
	v4 =	vadd.s32 v1, v4;
	_ =	sdelay $0x1  }
0x44: {  	v3 =	vadd.s32 v1, v3;
	_ =	sdelay $0x2  }
0x45: {  	[hbm4b:s2+s3] =	stream.indirect_vreg.scatter [tilespmem:s26], [sflag:$0x3], $0x80, v4, vm0, $0xb8;
	[tilespmem:$0x10200] =	vst v63  }
0x46: {  	_ = 	snop  }
0x47: {  	[hbm4b:s2+s3] =	stream.indirect_vreg.scatter [tilespmem:s28], [sflag:$0x3], $0x80, v3, vm0, $0xb8;
	[tilespmem:$0x10200] =	vst v63  }
0x48: {  	v3 =	vld [tilespmem:$0x40];
	_ =	sdelay $0x4  }
0x49: {  	v36 =	vshll.u32 v3, $0x1  }
0x4a: {  	v3 =	vand.u32 $0x7, v3;
	v4 =	vand.u32 $0xFFFFFFF0, v36  }
0x4b: {  	v3 =	vor.u32 v3, v4  }
0x4c: {  	v4 =	vperm.xlane v3, v0;
	_ =	sdelay $0x1  }
0x4d: {  	v3 =	vperm.xlane v3, v2;
	v4 =	vadd.s32 v1, v4;
	_ =	sdelay $0x1  }
0x4e: {  	v3 =	vadd.s32 v1, v3;
	_ =	sdelay $0x2  }
0x4f: {  	[hbm4b:s2+s3] =	stream.indirect_vreg.scatter [tilespmem:s29], [sflag:$0x3], $0x80, v4, vm0, $0xb8;
	[tilespmem:$0x10200] =	vst v63  }
0x50: {  	_ = 	snop  }
0x51: {  	[hbm4b:s2+s3] =	stream.indirect_vreg.scatter [tilespmem:s30], [sflag:$0x3], $0x80, v3, vm0, $0xb8;
	[tilespmem:$0x10200] =	vst v63  }
0x52: {  	v3 =	vld [tilespmem:$0x50];
	_ =	sdelay $0x4  }
0x53: {  	v37 =	vshll.u32 v3, $0x1  }
0x54: {  	v3 =	vand.u32 $0x7, v3;
	v4 =	vand.u32 $0xFFFFFFF0, v37  }
0x55: {  	v3 =	vor.u32 v3, v4  }
0x56: {  	v4 =	vperm.xlane v3, v0;
	_ =	sdelay $0x1  }
0x57: {  	v3 =	vperm.xlane v3, v2;
	v4 =	vadd.s32 v1, v4;
	_ =	sdelay $0x1  }
0x58: {  	v3 =	vadd.s32 v1, v3;
	_ =	sdelay $0x2  }
0x59: {  	[hbm4b:s2+s3] =	stream.indirect_vreg.scatter [tilespmem:s31], [sflag:$0x3], $0x80, v4, vm0, $0xb8;
	[tilespmem:$0x10200] =	vst v63  }
0x5a: {  	s19 =	simm.s32 $0x5A00  }
0x5b: {  	[hbm4b:s2+s3] =	stream.indirect_vreg.scatter [tilespmem:s19], [sflag:$0x3], $0x80, v3, vm0, $0xb8;
	[tilespmem:$0x10200] =	vst v63  }
0x5c: {  	v3 =	vld [tilespmem:$0x60];
	_ =	sdelay $0x4  }
0x5d: {  	v38 =	vshll.u32 v3, $0x1  }
0x5e: {  	v3 =	vand.u32 $0x7, v3;
	v4 =	vand.u32 $0xFFFFFFF0, v38  }
0x5f: {  	v3 =	vor.u32 v3, v4  }
0x60: {  	v4 =	vperm.xlane v3, v0;
	_ =	sdelay $0x1  }
0x61: {  	v3 =	vperm.xlane v3, v2;
	v4 =	vadd.s32 v1, v4;
	_ =	sdelay $0x1  }
0x62: {  	v3 =	vadd.s32 v1, v3;
	_ =	sdelay $0x1  }
0x63: {  	s18 =	simm.s32 $0x6200  }
0x64: {  	[hbm4b:s2+s3] =	stream.indirect_vreg.scatter [tilespmem:s18], [sflag:$0x3], $0x80, v4, vm0, $0xb8;
	[tilespmem:$0x10200] =	vst v63  }
0x65: {  	s19 =	simm.s32 $0x6A00  }
0x66: {  	[hbm4b:s2+s3] =	stream.indirect_vreg.scatter [tilespmem:s19], [sflag:$0x3], $0x80, v3, vm0, $0xb8;
	[tilespmem:$0x10200] =	vst v63  }
0x67: {  	v3 =	vld [tilespmem:$0x70];
	_ =	sdelay $0x4  }
0x68: {  	v39 =	vshll.u32 v3, $0x1  }
0x69: {  	v3 =	vand.u32 $0x7, v3;
	v4 =	vand.u32 $0xFFFFFFF0, v39  }
0x6a: {  	v3 =	vor.u32 v3, v4  }
0x6b: {  	v4 =	vperm.xlane v3, v0;
	_ =	sdelay $0x1  }
0x6c: {  	v3 =	vperm.xlane v3, v2;
	v4 =	vadd.s32 v1, v4;
	_ =	sdelay $0x1  }
0x6d: {  	v3 =	vadd.s32 v1, v3;
	_ =	sdelay $0x1  }
0x6e: {  	s18 =	simm.s32 $0x7200  }
0x6f: {  	[hbm4b:s2+s3] =	stream.indirect_vreg.scatter [tilespmem:s18], [sflag:$0x3], $0x80, v4, vm0, $0xb8;
	[tilespmem:$0x10200] =	vst v63  }
0x70: {  	s19 =	simm.s32 $0x7A00  }
0x71: {  	[hbm4b:s2+s3] =	stream.indirect_vreg.scatter [tilespmem:s19], [sflag:$0x3], $0x80, v3, vm0, $0xb8;
	[tilespmem:$0x10200] =	vst v63  }
0x72: {  	_ =	swait.ge [sflag:s25], $0x8000  }
0x73: {  	[sflag:s25] =	ssyncset.done $0x0  }
0x74: {  	s0 =	rddreg [dreg:$0x6];
	[sflag:s25] =	ssyncadd.s32 $0xFFFF8000  }
0x75: {  	[tilespmem:s7], [sflag:$0x1] =	stream.linear.gather [hbm4b:s0+s3], $0x8000, $0x38;
	[tilespmem:$0x10200] =	vst v63  }
0x76: {  	s0 =	simm.s32 $0x2  }
0x77: {  	_ =	swait.ge [sflag:s0], $0x8000  }
0x78: {  	[sflag:s0] =	ssyncset.done $0x0  }
0x79: {  	[sflag:s0] =	ssyncadd.s32 $0xFFFF8000  }
0x7a: {  	v3 =	vld [tilespmem:$0x80];
	_ =	sdelay $0x4  }
0x7b: {  	v40 =	vshll.u32 v3, $0x1  }
0x7c: {  	v3 =	vand.u32 $0x7, v3;
	v4 =	vand.u32 $0xFFFFFFF0, v40  }
0x7d: {  	v3 =	vor.u32 v3, v4  }
0x7e: {  	v4 =	vperm.xlane v3, v0;
	_ =	sdelay $0x1  }
0x7f: {  	v3 =	vperm.xlane v3, v2;
	v4 =	vadd.s32 v1, v4;
	_ =	sdelay $0x1  }
0x80: {  	v3 =	vadd.s32 v1, v3;
	_ =	sdelay $0x2  }
0x81: {  	[hbm4b:s2+s3] =	stream.indirect_vreg.scatter [tilespmem:s8], [sflag:$0x4], $0x80, v4, vm0, $0xb8;
	[tilespmem:$0x10200] =	vst v63  }
0x82: {  	_ = 	snop  }
0x83: {  	[hbm4b:s2+s3] =	stream.indirect_vreg.scatter [tilespmem:s12], [sflag:$0x4], $0x80, v3, vm0, $0xb8;
	[tilespmem:$0x10200] =	vst v63  }
0x84: {  	v3 =	vld [tilespmem:$0x90];
	_ =	sdelay $0x4  }
0x85: {  	v41 =	vshll.u32 v3, $0x1  }
0x86: {  	v3 =	vand.u32 $0x7, v3;
	v4 =	vand.u32 $0xFFFFFFF0, v41  }
0x87: {  	v3 =	vor.u32 v3, v4  }
0x88: {  	v4 =	vperm.xlane v3, v0;
	_ =	sdelay $0x1  }
0x89: {  	v3 =	vperm.xlane v3, v2;
	v4 =	vadd.s32 v1, v4;
	_ =	sdelay $0x1  }
0x8a: {  	v3 =	vadd.s32 v1, v3;
	_ =	sdelay $0x2  }
0x8b: {  	[hbm4b:s2+s3] =	stream.indirect_vreg.scatter [tilespmem:s13], [sflag:$0x4], $0x80, v4, vm0, $0xb8;
	[tilespmem:$0x10200] =	vst v63  }
0x8c: {  	_ = 	snop  }
0x8d: {  	[hbm4b:s2+s3] =	stream.indirect_vreg.scatter [tilespmem:s14], [sflag:$0x4], $0x80, v3, vm0, $0xb8;
	[tilespmem:$0x10200] =	vst v63  }
0x8e: {  	v3 =	vld [tilespmem:$0xA0];
	_ =	sdelay $0x4  }
0x8f: {  	v42 =	vshll.u32 v3, $0x1  }
0x90: {  	v3 =	vand.u32 $0x7, v3;
	v4 =	vand.u32 $0xFFFFFFF0, v42  }
0x91: {  	v3 =	vor.u32 v3, v4  }
0x92: {  	v4 =	vperm.xlane v3, v0;
	_ =	sdelay $0x1  }
0x93: {  	v3 =	vperm.xlane v3, v2;
	v4 =	vadd.s32 v1, v4;
	_ =	sdelay $0x1  }
0x94: {  	v3 =	vadd.s32 v1, v3;
	_ =	sdelay $0x2  }
0x95: {  	[hbm4b:s2+s3] =	stream.indirect_vreg.scatter [tilespmem:s15], [sflag:$0x4], $0x80, v4, vm0, $0xb8;
	[tilespmem:$0x10200] =	vst v63  }
0x96: {  	_ = 	snop  }
0x97: {  	[hbm4b:s2+s3] =	stream.indirect_vreg.scatter [tilespmem:s16], [sflag:$0x4], $0x80, v3, vm0, $0xb8;
	[tilespmem:$0x10200] =	vst v63  }
0x98: {  	v3 =	vld [tilespmem:$0xB0];
	_ =	sdelay $0x4  }
0x99: {  	v43 =	vshll.u32 v3, $0x1  }
0x9a: {  	v3 =	vand.u32 $0x7, v3;
	v4 =	vand.u32 $0xFFFFFFF0, v43  }
0x9b: {  	v3 =	vor.u32 v3, v4  }
0x9c: {  	v4 =	vperm.xlane v3, v0;
	_ =	sdelay $0x1  }
0x9d: {  	v3 =	vperm.xlane v3, v2;
	v4 =	vadd.s32 v1, v4;
	_ =	sdelay $0x1  }
0x9e: {  	v3 =	vadd.s32 v1, v3;
	_ =	sdelay $0x2  }
0x9f: {  	[hbm4b:s2+s3] =	stream.indirect_vreg.scatter [tilespmem:s5], [sflag:$0x4], $0x80, v4, vm0, $0xb8;
	[tilespmem:$0x10200] =	vst v63  }
0xa0: {  	_ = 	snop  }
0xa1: {  	[hbm4b:s2+s3] =	stream.indirect_vreg.scatter [tilespmem:s6], [sflag:$0x4], $0x80, v3, vm0, $0xb8;
	[tilespmem:$0x10200] =	vst v63  }
0xa2: {  	v3 =	vld [tilespmem:$0xC0];
	_ =	sdelay $0x4  }
0xa3: {  	v44 =	vshll.u32 v3, $0x1  }
0xa4: {  	v3 =	vand.u32 $0x7, v3;
	v4 =	vand.u32 $0xFFFFFFF0, v44  }
0xa5: {  	v3 =	vor.u32 v3, v4  }
0xa6: {  	v4 =	vperm.xlane v3, v0;
	_ =	sdelay $0x1  }
0xa7: {  	v3 =	vperm.xlane v3, v2;
	v4 =	vadd.s32 v1, v4;
	_ =	sdelay $0x1  }
0xa8: {  	v3 =	vadd.s32 v1, v3;
	_ =	sdelay $0x2  }
0xa9: {  	[hbm4b:s2+s3] =	stream.indirect_vreg.scatter [tilespmem:s1], [sflag:$0x4], $0x80, v4, vm0, $0xb8;
	[tilespmem:$0x10200] =	vst v63  }
0xaa: {  	_ = 	snop  }
0xab: {  	[hbm4b:s2+s3] =	stream.indirect_vreg.scatter [tilespmem:s9], [sflag:$0x4], $0x80, v3, vm0, $0xb8;
	[tilespmem:$0x10200] =	vst v63  }
0xac: {  	v3 =	vld [tilespmem:$0xD0];
	_ =	sdelay $0x4  }
0xad: {  	v45 =	vshll.u32 v3, $0x1  }
0xae: {  	v3 =	vand.u32 $0x7, v3;
	v4 =	vand.u32 $0xFFFFFFF0, v45  }
0xaf: {  	v3 =	vor.u32 v3, v4  }
0xb0: {  	v4 =	vperm.xlane v3, v0;
	_ =	sdelay $0x1  }
0xb1: {  	v3 =	vperm.xlane v3, v2;
	v4 =	vadd.s32 v1, v4;
	_ =	sdelay $0x1  }
0xb2: {  	v3 =	vadd.s32 v1, v3;
	_ =	sdelay $0x2  }
0xb3: {  	[hbm4b:s2+s3] =	stream.indirect_vreg.scatter [tilespmem:s10], [sflag:$0x4], $0x80, v4, vm0, $0xb8;
	[tilespmem:$0x10200] =	vst v63  }
0xb4: {  	_ = 	snop  }
0xb5: {  	[hbm4b:s2+s3] =	stream.indirect_vreg.scatter [tilespmem:s11], [sflag:$0x4], $0x80, v3, vm0, $0xb8;
	[tilespmem:$0x10200] =	vst v63  }
0xb6: {  	v3 =	vld [tilespmem:$0xE0];
	_ =	sdelay $0x4  }
0xb7: {  	v46 =	vshll.u32 v3, $0x1  }
0xb8: {  	v3 =	vand.u32 $0x7, v3;
	v4 =	vand.u32 $0xFFFFFFF0, v46  }
0xb9: {  	v3 =	vor.u32 v3, v4  }
0xba: {  	v4 =	vperm.xlane v3, v0;
	_ =	sdelay $0x1  }
0xbb: {  	v3 =	vperm.xlane v3, v2;
	v4 =	vadd.s32 v1, v4;
	_ =	sdelay $0x1  }
0xbc: {  	v3 =	vadd.s32 v1, v3;
	_ =	sdelay $0x1  }
0xbd: {  	s19 =	simm.s32 $0xE200  }
0xbe: {  	[hbm4b:s2+s3] =	stream.indirect_vreg.scatter [tilespmem:s19], [sflag:$0x4], $0x80, v4, vm0, $0xb8;
	[tilespmem:$0x10200] =	vst v63  }
0xbf: {  	_ = 	snop  }
0xc0: {  	[hbm4b:s2+s3] =	stream.indirect_vreg.scatter [tilespmem:s20], [sflag:$0x4], $0x80, v3, vm0, $0xb8;
	[tilespmem:$0x10200] =	vst v63  }
0xc1: {  	v3 =	vld [tilespmem:$0xF0];
	_ =	sdelay $0x4  }
0xc2: {  	v47 =	vshll.u32 v3, $0x1  }
0xc3: {  	v3 =	vand.u32 $0x7, v3;
	v4 =	vand.u32 $0xFFFFFFF0, v47  }
0xc4: {  	v3 =	vor.u32 v3, v4  }
0xc5: {  	v4 =	vperm.xlane v3, v0;
	_ =	sdelay $0x1  }
0xc6: {  	v3 =	vperm.xlane v3, v2;
	v4 =	vadd.s32 v1, v4;
	_ =	sdelay $0x1  }
0xc7: {  	v3 =	vadd.s32 v1, v3;
	_ =	sdelay $0x2  }
0xc8: {  	[hbm4b:s2+s3] =	stream.indirect_vreg.scatter [tilespmem:s21], [sflag:$0x4], $0x80, v4, vm0, $0xb8;
	[tilespmem:$0x10200] =	vst v63  }
0xc9: {  	_ = 	snop  }
0xca: {  	[hbm4b:s2+s3] =	stream.indirect_vreg.scatter [tilespmem:s22], [sflag:$0x4], $0x80, v3, vm0, $0xb8;
	[tilespmem:$0x10200] =	vst v63  }
0xcb: {  	_ =	swait.ge [sflag:s17], $0x8000  }
0xcc: {  	[sflag:s17] =	ssyncset.done $0x0  }
0xcd: {  	s18 =	rddreg [dreg:$0x7];
	[sflag:s17] =	ssyncadd.s32 $0xFFFF8000  }
0xce: {  	[tilespmem:s8], [sflag:$0x2] =	stream.linear.gather [hbm4b:s18+s3], $0x8000, $0x38;
	[tilespmem:$0x10200] =	vst v63  }
0xcf: {  	_ =	swait.ge [sflag:s24], $0x8000  }
0xd0: {  	[sflag:s24] =	ssyncset.done $0x0  }
0xd1: {  	[sflag:s24] =	ssyncadd.s32 $0xFFFF8000  }
0xd2: {  	v3 =	vld [tilespmem:$0x100];
	_ =	sdelay $0x4  }
0xd3: {  	v48 =	vshll.u32 v3, $0x1  }
0xd4: {  	v3 =	vand.u32 $0x7, v3;
	v4 =	vand.u32 $0xFFFFFFF0, v48  }
0xd5: {  	v3 =	vor.u32 v3, v4  }
0xd6: {  	v4 =	vperm.xlane v3, v0;
	_ =	sdelay $0x1  }
0xd7: {  	v3 =	vperm.xlane v3, v2;
	v4 =	vadd.s32 v1, v4;
	_ =	sdelay $0x1  }
0xd8: {  	v3 =	vadd.s32 v1, v3;
	_ =	sdelay $0x2  }
0xd9: {  	[hbm4b:s2+s3] =	stream.indirect_vreg.scatter [tilespmem:s7], [sflag:$0x3], $0x80, v4, vm0, $0xb8;
	[tilespmem:$0x10200] =	vst v63  }
0xda: {  	s18 =	simm.s32 $0xA00  }
0xdb: {  	[hbm4b:s2+s3] =	stream.indirect_vreg.scatter [tilespmem:s18], [sflag:$0x3], $0x80, v3, vm0, $0xb8;
	[tilespmem:$0x10200] =	vst v63  }
0xdc: {  	v3 =	vld [tilespmem:$0x110];
	_ =	sdelay $0x4  }
0xdd: {  	v49 =	vshll.u32 v3, $0x1  }
0xde: {  	v3 =	vand.u32 $0x7, v3;
	v4 =	vand.u32 $0xFFFFFFF0, v49  }
0xdf: {  	v3 =	vor.u32 v3, v4  }
0xe0: {  	v4 =	vperm.xlane v3, v0;
	_ =	sdelay $0x1  }
0xe1: {  	v3 =	vperm.xlane v3, v2;
	v4 =	vadd.s32 v1, v4;
	_ =	sdelay $0x1  }
0xe2: {  	v3 =	vadd.s32 v1, v3;
	_ =	sdelay $0x1  }
0xe3: {  	s18 =	simm.s32 $0x1200  }
0xe4: {  	[hbm4b:s2+s3] =	stream.indirect_vreg.scatter [tilespmem:s18], [sflag:$0x3], $0x80, v4, vm0, $0xb8;
	[tilespmem:$0x10200] =	vst v63  }
0xe5: {  	s18 =	simm.s32 $0x1A00  }
0xe6: {  	[hbm4b:s2+s3] =	stream.indirect_vreg.scatter [tilespmem:s18], [sflag:$0x3], $0x80, v3, vm0, $0xb8;
	[tilespmem:$0x10200] =	vst v63  }
0xe7: {  	v3 =	vld [tilespmem:$0x120];
	_ =	sdelay $0x4  }
0xe8: {  	v50 =	vshll.u32 v3, $0x1  }
0xe9: {  	v3 =	vand.u32 $0x7, v3;
	v4 =	vand.u32 $0xFFFFFFF0, v50  }
0xea: {  	v3 =	vor.u32 v3, v4  }
0xeb: {  	v4 =	vperm.xlane v3, v0;
	_ =	sdelay $0x1  }
0xec: {  	v3 =	vperm.xlane v3, v2;
	v4 =	vadd.s32 v1, v4;
	_ =	sdelay $0x1  }
0xed: {  	v3 =	vadd.s32 v1, v3;
	_ =	sdelay $0x1  }
0xee: {  	s18 =	simm.s32 $0x2200  }
0xef: {  	[hbm4b:s2+s3] =	stream.indirect_vreg.scatter [tilespmem:s18], [sflag:$0x3], $0x80, v4, vm0, $0xb8;
	[tilespmem:$0x10200] =	vst v63  }
0xf0: {  	_ = 	snop  }
0xf1: {  	[hbm4b:s2+s3] =	stream.indirect_vreg.scatter [tilespmem:s23], [sflag:$0x3], $0x80, v3, vm0, $0xb8;
	[tilespmem:$0x10200] =	vst v63  }
0xf2: {  	v3 =	vld [tilespmem:$0x130];
	_ =	sdelay $0x4  }
0xf3: {  	v51 =	vshll.u32 v3, $0x1  }
0xf4: {  	v3 =	vand.u32 $0x7, v3;
	v4 =	vand.u32 $0xFFFFFFF0, v51  }
0xf5: {  	v3 =	vor.u32 v3, v4  }
0xf6: {  	v4 =	vperm.xlane v3, v0;
	_ =	sdelay $0x1  }
0xf7: {  	v3 =	vperm.xlane v3, v2;
	v4 =	vadd.s32 v1, v4;
	_ =	sdelay $0x1  }
0xf8: {  	v3 =	vadd.s32 v1, v3;
	_ =	sdelay $0x2  }
0xf9: {  	[hbm4b:s2+s3] =	stream.indirect_vreg.scatter [tilespmem:s26], [sflag:$0x3], $0x80, v4, vm0, $0xb8;
	[tilespmem:$0x10200] =	vst v63  }
0xfa: {  	_ = 	snop  }
0xfb: {  	[hbm4b:s2+s3] =	stream.indirect_vreg.scatter [tilespmem:s28], [sflag:$0x3], $0x80, v3, vm0, $0xb8;
	[tilespmem:$0x10200] =	vst v63  }
0xfc: {  	v3 =	vld [tilespmem:$0x140];
	_ =	sdelay $0x4  }
0xfd: {  	v52 =	vshll.u32 v3, $0x1  }
0xfe: {  	v3 =	vand.u32 $0x7, v3;
	v4 =	vand.u32 $0xFFFFFFF0, v52  }
0xff: {  	v3 =	vor.u32 v3, v4  }
0x100: {  	v4 =	vperm.xlane v3, v0;
	_ =	sdelay $0x1  }
0x101: {  	v3 =	vperm.xlane v3, v2;
	v4 =	vadd.s32 v1, v4;
	_ =	sdelay $0x1  }
0x102: {  	v3 =	vadd.s32 v1, v3;
	_ =	sdelay $0x2  }
0x103: {  	[hbm4b:s2+s3] =	stream.indirect_vreg.scatter [tilespmem:s29], [sflag:$0x3], $0x80, v4, vm0, $0xb8;
	[tilespmem:$0x10200] =	vst v63  }
0x104: {  	_ = 	snop  }
0x105: {  	[hbm4b:s2+s3] =	stream.indirect_vreg.scatter [tilespmem:s30], [sflag:$0x3], $0x80, v3, vm0, $0xb8;
	[tilespmem:$0x10200] =	vst v63  }
0x106: {  	v3 =	vld [tilespmem:$0x150];
	_ =	sdelay $0x4  }
0x107: {  	v53 =	vshll.u32 v3, $0x1  }
0x108: {  	v3 =	vand.u32 $0x7, v3;
	v4 =	vand.u32 $0xFFFFFFF0, v53  }
0x109: {  	v3 =	vor.u32 v3, v4  }
0x10a: {  	v4 =	vperm.xlane v3, v0;
	_ =	sdelay $0x1  }
0x10b: {  	v3 =	vperm.xlane v3, v2;
	v4 =	vadd.s32 v1, v4;
	_ =	sdelay $0x1  }
0x10c: {  	v3 =	vadd.s32 v1, v3;
	_ =	sdelay $0x2  }
0x10d: {  	[hbm4b:s2+s3] =	stream.indirect_vreg.scatter [tilespmem:s31], [sflag:$0x3], $0x80, v4, vm0, $0xb8;
	[tilespmem:$0x10200] =	vst v63  }
0x10e: {  	s18 =	simm.s32 $0x5A00  }
0x10f: {  	[hbm4b:s2+s3] =	stream.indirect_vreg.scatter [tilespmem:s18], [sflag:$0x3], $0x80, v3, vm0, $0xb8;
	[tilespmem:$0x10200] =	vst v63  }
0x110: {  	v3 =	vld [tilespmem:$0x160];
	_ =	sdelay $0x4  }
0x111: {  	v54 =	vshll.u32 v3, $0x1  }
0x112: {  	v3 =	vand.u32 $0x7, v3;
	v4 =	vand.u32 $0xFFFFFFF0, v54  }
0x113: {  	v3 =	vor.u32 v3, v4  }
0x114: {  	v4 =	vperm.xlane v3, v0;
	_ =	sdelay $0x1  }
0x115: {  	v3 =	vperm.xlane v3, v2;
	v4 =	vadd.s32 v1, v4;
	_ =	sdelay $0x1  }
0x116: {  	v3 =	vadd.s32 v1, v3;
	_ =	sdelay $0x1  }
0x117: {  	s18 =	simm.s32 $0x6200  }
0x118: {  	[hbm4b:s2+s3] =	stream.indirect_vreg.scatter [tilespmem:s18], [sflag:$0x3], $0x80, v4, vm0, $0xb8;
	[tilespmem:$0x10200] =	vst v63  }
0x119: {  	s18 =	simm.s32 $0x6A00  }
0x11a: {  	[hbm4b:s2+s3] =	stream.indirect_vreg.scatter [tilespmem:s18], [sflag:$0x3], $0x80, v3, vm0, $0xb8;
	[tilespmem:$0x10200] =	vst v63  }
0x11b: {  	v3 =	vld [tilespmem:$0x170];
	_ =	sdelay $0x4  }
0x11c: {  	v55 =	vshll.u32 v3, $0x1  }
0x11d: {  	v3 =	vand.u32 $0x7, v3;
	v4 =	vand.u32 $0xFFFFFFF0, v55  }
0x11e: {  	v3 =	vor.u32 v3, v4  }
0x11f: {  	v4 =	vperm.xlane v3, v0;
	_ =	sdelay $0x1  }
0x120: {  	v3 =	vperm.xlane v3, v2;
	v4 =	vadd.s32 v1, v4;
	_ =	sdelay $0x1  }
0x121: {  	v3 =	vadd.s32 v1, v3;
	_ =	sdelay $0x1  }
0x122: {  	s18 =	simm.s32 $0x7200  }
0x123: {  	[hbm4b:s2+s3] =	stream.indirect_vreg.scatter [tilespmem:s18], [sflag:$0x3], $0x80, v4, vm0, $0xb8;
	[tilespmem:$0x10200] =	vst v63  }
0x124: {  	s18 =	simm.s32 $0x7A00  }
0x125: {  	[hbm4b:s2+s3] =	stream.indirect_vreg.scatter [tilespmem:s18], [sflag:$0x3], $0x80, v3, vm0, $0xb8;
	[tilespmem:$0x10200] =	vst v63  }
0x126: {  	_ =	swait.ge [sflag:s0], $0x8000  }
0x127: {  	[sflag:s0] =	ssyncset.done $0x0  }
0x128: {  	[sflag:s0] =	ssyncadd.s32 $0xFFFF8000  }
0x129: {  	v3 =	vld [tilespmem:$0x180];
	_ =	sdelay $0x4  }
0x12a: {  	v56 =	vshll.u32 v3, $0x1  }
0x12b: {  	v3 =	vand.u32 $0x7, v3;
	v4 =	vand.u32 $0xFFFFFFF0, v56  }
0x12c: {  	v3 =	vor.u32 v3, v4  }
0x12d: {  	v4 =	vperm.xlane v3, v0;
	_ =	sdelay $0x1  }
0x12e: {  	v3 =	vperm.xlane v3, v2;
	v4 =	vadd.s32 v1, v4;
	_ =	sdelay $0x1  }
0x12f: {  	v3 =	vadd.s32 v1, v3;
	_ =	sdelay $0x2  }
0x130: {  	[hbm4b:s2+s3] =	stream.indirect_vreg.scatter [tilespmem:s8], [sflag:$0x4], $0x80, v4, vm0, $0xb8;
	[tilespmem:$0x10200] =	vst v63  }
0x131: {  	_ = 	snop  }
0x132: {  	[hbm4b:s2+s3] =	stream.indirect_vreg.scatter [tilespmem:s12], [sflag:$0x4], $0x80, v3, vm0, $0xb8;
	[tilespmem:$0x10200] =	vst v63  }
0x133: {  	v3 =	vld [tilespmem:$0x190];
	_ =	sdelay $0x4  }
0x134: {  	v57 =	vshll.u32 v3, $0x1  }
0x135: {  	v3 =	vand.u32 $0x7, v3;
	v4 =	vand.u32 $0xFFFFFFF0, v57  }
0x136: {  	v3 =	vor.u32 v3, v4  }
0x137: {  	v4 =	vperm.xlane v3, v0;
	_ =	sdelay $0x1  }
0x138: {  	v3 =	vperm.xlane v3, v2;
	v4 =	vadd.s32 v1, v4;
	_ =	sdelay $0x1  }
0x139: {  	v3 =	vadd.s32 v1, v3;
	_ =	sdelay $0x2  }
0x13a: {  	[hbm4b:s2+s3] =	stream.indirect_vreg.scatter [tilespmem:s13], [sflag:$0x4], $0x80, v4, vm0, $0xb8;
	[tilespmem:$0x10200] =	vst v63  }
0x13b: {  	_ = 	snop  }
0x13c: {  	[hbm4b:s2+s3] =	stream.indirect_vreg.scatter [tilespmem:s14], [sflag:$0x4], $0x80, v3, vm0, $0xb8;
	[tilespmem:$0x10200] =	vst v63  }
0x13d: {  	v3 =	vld [tilespmem:$0x1A0];
	_ =	sdelay $0x4  }
0x13e: {  	v58 =	vshll.u32 v3, $0x1  }
0x13f: {  	v3 =	vand.u32 $0x7, v3;
	v4 =	vand.u32 $0xFFFFFFF0, v58  }
0x140: {  	v3 =	vor.u32 v3, v4  }
0x141: {  	v4 =	vperm.xlane v3, v0;
	_ =	sdelay $0x1  }
0x142: {  	v3 =	vperm.xlane v3, v2;
	v4 =	vadd.s32 v1, v4;
	_ =	sdelay $0x1  }
0x143: {  	v3 =	vadd.s32 v1, v3;
	_ =	sdelay $0x2  }
0x144: {  	[hbm4b:s2+s3] =	stream.indirect_vreg.scatter [tilespmem:s15], [sflag:$0x4], $0x80, v4, vm0, $0xb8;
	[tilespmem:$0x10200] =	vst v63  }
0x145: {  	_ = 	snop  }
0x146: {  	[hbm4b:s2+s3] =	stream.indirect_vreg.scatter [tilespmem:s16], [sflag:$0x4], $0x80, v3, vm0, $0xb8;
	[tilespmem:$0x10200] =	vst v63  }
0x147: {  	v3 =	vld [tilespmem:$0x1B0];
	_ =	sdelay $0x4  }
0x148: {  	v59 =	vshll.u32 v3, $0x1  }
0x149: {  	v3 =	vand.u32 $0x7, v3;
	v4 =	vand.u32 $0xFFFFFFF0, v59  }
0x14a: {  	v3 =	vor.u32 v3, v4  }
0x14b: {  	v4 =	vperm.xlane v3, v0;
	_ =	sdelay $0x1  }
0x14c: {  	v3 =	vperm.xlane v3, v2;
	v4 =	vadd.s32 v1, v4;
	_ =	sdelay $0x1  }
0x14d: {  	v3 =	vadd.s32 v1, v3;
	_ =	sdelay $0x2  }
0x14e: {  	[hbm4b:s2+s3] =	stream.indirect_vreg.scatter [tilespmem:s5], [sflag:$0x4], $0x80, v4, vm0, $0xb8;
	[tilespmem:$0x10200] =	vst v63  }
0x14f: {  	_ = 	snop  }
0x150: {  	[hbm4b:s2+s3] =	stream.indirect_vreg.scatter [tilespmem:s6], [sflag:$0x4], $0x80, v3, vm0, $0xb8;
	[tilespmem:$0x10200] =	vst v63  }
0x151: {  	v3 =	vld [tilespmem:$0x1C0];
	_ =	sdelay $0x4  }
0x152: {  	v60 =	vshll.u32 v3, $0x1  }
0x153: {  	v3 =	vand.u32 $0x7, v3;
	v4 =	vand.u32 $0xFFFFFFF0, v60  }
0x154: {  	v3 =	vor.u32 v3, v4  }
0x155: {  	v4 =	vperm.xlane v3, v0;
	_ =	sdelay $0x1  }
0x156: {  	v3 =	vperm.xlane v3, v2;
	v4 =	vadd.s32 v1, v4;
	_ =	sdelay $0x1  }
0x157: {  	v3 =	vadd.s32 v1, v3;
	_ =	sdelay $0x2  }
0x158: {  	[hbm4b:s2+s3] =	stream.indirect_vreg.scatter [tilespmem:s1], [sflag:$0x4], $0x80, v4, vm0, $0xb8;
	[tilespmem:$0x10200] =	vst v63  }
0x159: {  	_ = 	snop  }
0x15a: {  	[hbm4b:s2+s3] =	stream.indirect_vreg.scatter [tilespmem:s9], [sflag:$0x4], $0x80, v3, vm0, $0xb8;
	[tilespmem:$0x10200] =	vst v63  }
0x15b: {  	v3 =	vld [tilespmem:$0x1D0];
	_ =	sdelay $0x4  }
0x15c: {  	v61 =	vshll.u32 v3, $0x1  }
0x15d: {  	v3 =	vand.u32 $0x7, v3;
	v4 =	vand.u32 $0xFFFFFFF0, v61  }
0x15e: {  	v3 =	vor.u32 v3, v4  }
0x15f: {  	v4 =	vperm.xlane v3, v0;
	_ =	sdelay $0x1  }
0x160: {  	v3 =	vperm.xlane v3, v2;
	v4 =	vadd.s32 v1, v4;
	_ =	sdelay $0x1  }
0x161: {  	v3 =	vadd.s32 v1, v3;
	_ =	sdelay $0x2  }
0x162: {  	[hbm4b:s2+s3] =	stream.indirect_vreg.scatter [tilespmem:s10], [sflag:$0x4], $0x80, v4, vm0, $0xb8;
	[tilespmem:$0x10200] =	vst v63  }
0x163: {  	_ = 	snop  }
0x164: {  	[hbm4b:s2+s3] =	stream.indirect_vreg.scatter [tilespmem:s11], [sflag:$0x4], $0x80, v3, vm0, $0xb8;
	[tilespmem:$0x10200] =	vst v63  }
0x165: {  	v3 =	vld [tilespmem:$0x1E0];
	_ =	sdelay $0x4  }
0x166: {  	v62 =	vshll.u32 v3, $0x1  }
0x167: {  	v3 =	vand.u32 $0x7, v3;
	v4 =	vand.u32 $0xFFFFFFF0, v62  }
0x168: {  	v3 =	vor.u32 v3, v4  }
0x169: {  	v4 =	vperm.xlane v3, v0;
	_ =	sdelay $0x1  }
0x16a: {  	v3 =	vperm.xlane v3, v2;
	v4 =	vadd.s32 v1, v4;
	_ =	sdelay $0x1  }
0x16b: {  	v3 =	vadd.s32 v1, v3;
	_ =	sdelay $0x2  }
0x16c: {  	[hbm4b:s2+s3] =	stream.indirect_vreg.scatter [tilespmem:s19], [sflag:$0x4], $0x80, v4, vm0, $0xb8;
	[tilespmem:$0x10200] =	vst v63  }
0x16d: {  	_ = 	snop  }
0x16e: {  	[hbm4b:s2+s3] =	stream.indirect_vreg.scatter [tilespmem:s20], [sflag:$0x4], $0x80, v3, vm0, $0xb8;
	[tilespmem:$0x10200] =	vst v63  }
0x16f: {  	v3 =	vld [tilespmem:$0x1F0];
	_ =	sdelay $0x4  }
0x170: {  	v63 =	vshll.u32 v3, $0x1  }
0x171: {  	v3 =	vand.u32 $0x7, v3;
	v4 =	vand.u32 $0xFFFFFFF0, v63  }
0x172: {  	v3 =	vor.u32 v3, v4  }
0x173: {  	v4 =	vperm.xlane v3, v0;
	_ =	sdelay $0x1  }
0x174: {  	v3 =	vperm.xlane v3, v2;
	v4 =	vadd.s32 v1, v4;
	_ =	sdelay $0x1  }
0x175: {  	v3 =	vadd.s32 v1, v3;
	_ =	sdelay $0x2  }
0x176: {  	[hbm4b:s2+s3] =	stream.indirect_vreg.scatter [tilespmem:s21], [sflag:$0x4], $0x80, v4, vm0, $0xb8;
	[tilespmem:$0x10200] =	vst v63  }
0x177: {  	_ = 	snop  }
0x178: {  	[hbm4b:s2+s3] =	stream.indirect_vreg.scatter [tilespmem:s22], [sflag:$0x4], $0x80, v3, vm0, $0xb8;
	[tilespmem:$0x10200] =	vst v63  }
0x179: {  	p0 =	sne.s32 s4, $0x1;
	_ =	swait.ge [sflag:s25], $0x8000  }
.Ltmp0:
0x17a: {  	[sflag:s25] =	ssyncset.done $0x0;
	(pc) =	sbr.rel @p0 .LBB2_1-.Ltmp0, $4  }
0x17b: {  	[sflag:s25] =	ssyncadd.s32 $0xFFFF8000  }
0x17c: {  	_ =	swait.ge [sflag:s17], $0x8000  }
0x17d: {  	[sflag:s17] =	ssyncset.done $0x0  }
0x17e: {  	s4 =	sadd.s32 $0xFFFFFFFF, s4;
	[sflag:s17] =	ssyncadd.s32 $0xFFFF8000  }
0x17f: {  	_ =	sfence.sel $0x180000  }
0x180: {  	[bflag:$0x0] =	sbarrier.arrive $0xFFFF  }
0x181: {  	_ =	strace $0x9000004D  }
0x182: {  	s0 =	stileid.u32;
	[bflag:$0x2] =	sbarrier.arrive $0xFFFF  }
0x183: {  	p0 =	sne.s32 s0, $0x0;
	s0 =	rddreg [dreg:$0x2]  }
0x184: {  	s0 =	sadd.s32 @!p0 $0x100000, s0  }
0x185: {  	[sflag:s0] =	ssyncadd.tile.s32 @!p0 $0x1;
	_ =	shalt  }
.Lfunc_end2:
_tile_overlayer_lowered:
.L_overlay_start_2:
0x186: {  	(tag) =	ssettag $0x2  }
0x187: {  	s0 =	rddreg [dreg:$0x0];
	s2 =	stileid.u32  }
0x188: {  	s1 =	rddreg [dreg:$0x1];
	p0 =	sne.s32 s2, $0x0  }
0x189: {  	s3 =	rddreg [dreg:$0x2];
	[bflag:$0x3] =	sbarrier.arrive $0xFFFF;
	s2 =	simm.s32 @!p0 $0x1C05  }
0x18a: {  	[timem:s3], [sflag:s2] =	dma.local @!p0 [hbm:s0], s1  }
0x18b: {  	s0 =	simm.s32 @!p0 $0x5  }
0x18c: {  	_ =	swait.ge @!p0 [sflag:s0], s1  }
0x18d: {  	s1 =	ssub.s32 @!p0 $0x0, s1;
	[sflag:s0] =	ssyncset.done @!p0 $0x0  }
0x18e: {  	[sflag:s0] =	ssyncadd.s32 @!p0 s1  }
0x18f: {  	[bflag:$0x3] =	sbarrier.arrive $0xFFFF  }
0x190: {  	_ =	shalt  }

</sc_bundles>
